<compile_context>
chip_gen: v7x
topology: tpu7x:2x2x1
jax: 0.10.2.dev20260603
libtpu: 0.0.44.dev20260713+nightly
codegen_flags: <defaults>
</compile_context>

<pallas_src>
import functools

import jax
import jax.numpy as jnp
from jax import lax
from jax.experimental import pallas as pl
from jax.experimental.pallas import tpu as pltpu
from jax.experimental.pallas import tpu_sc as plsc

N = 10000
E = 160000
F = 128
NC = 2
NS = 16
EB = 128
NB = E // EB
NBP = 1280
EP = NBP * EB
NROWS = 10016
NDEG = 10240
BN = 2000


def _make_deg():
    mesh = plsc.VectorSubcoreMesh(core_axis_name="c", subcore_axis_name="s")
    per_tile = NDEG // NS

    @functools.partial(
        pl.kernel,
        out_type=jax.ShapeDtypeStruct((NC * NDEG,), jnp.float32),
        mesh=mesh,
        scratch_types=[
            pltpu.VMEM((EB,), jnp.int32),
            pltpu.VMEM((EB,), jnp.float32),
            pltpu.VMEM((per_tile,), jnp.float32),
            pltpu.VMEM_SHARED((NDEG,), jnp.float32),
        ],
    )
    def deg_kernel(dst_hbm, out_hbm, dst_v, ones_v, zeros_v, acc):
        c = lax.axis_index("c")
        s = lax.axis_index("s")
        w = s * NC + c
        for i in range(EB // 16):
            ones_v[pl.ds(i * 16, 16)] = jnp.ones((16,), jnp.float32)
        for i in range(per_tile // 16):
            zeros_v[pl.ds(i * 16, 16)] = jnp.zeros((16,), jnp.float32)
        pltpu.sync_copy(zeros_v, acc.at[pl.ds(s * per_tile, per_tile)])
        plsc.subcore_barrier()
        nb = jnp.where(w < NB % 32, NB // 32 + 1, NB // 32)

        def body(i, carry):
            b = w + i * 32
            pltpu.sync_copy(dst_hbm.at[pl.ds(b * EB, EB)], dst_v)
            pltpu.sync_copy(ones_v, acc.at[dst_v], add=True)
            return carry

        lax.fori_loop(0, nb, body, 0)
        plsc.subcore_barrier()
        pltpu.sync_copy(
            acc.at[pl.ds(s * per_tile, per_tile)],
            out_hbm.at[pl.ds(c * NDEG + s * per_tile, per_tile)],
        )

    return deg_kernel


def _make_prop(C):
    cpc = C // NC
    mesh = plsc.VectorSubcoreMesh(core_axis_name="c", subcore_axis_name="s")
    rpt = 624
    rem = N - NS * rpt
    bpt = NBP // NS
    HB = bpt // 2

    @functools.partial(
        pl.kernel,
        out_type=jax.ShapeDtypeStruct((C * N, F), jnp.float32),
        mesh=mesh,
        scratch_types=[
            [pltpu.VMEM((EB,), jnp.int32) for _ in range(3)],
            [pltpu.VMEM((EB,), jnp.int32) for _ in range(3)],
            [pltpu.VMEM((EB, F), jnp.float32) for _ in range(3)],
            pltpu.VMEM_SHARED((NROWS, F), jnp.float32),
            [pltpu.SemaphoreType.DMA for _ in range(3)],
            [pltpu.SemaphoreType.DMA for _ in range(3)],
            [pltpu.SemaphoreType.DMA for _ in range(3)],
            [pltpu.SemaphoreType.DMA for _ in range(3)],
        ],
    )
    def prop_kernel(hs_hbm, srcf, dstf, out_hbm,
                    sbuf, dbuf, rows, acc, gsem, ssem, sisem, disem):
        c = lax.axis_index("c")
        s = lax.axis_index("s")
        q0 = s * bpt
        db = q0 * EB

        for r in range(cpc):
            chunk = c * cpc + r
            row0 = chunk * N
            cb = (chunk * NBP + q0) * EB

            def ips(v, u):
                pltpu.async_copy(srcf.at[pl.ds(cb + v * EB, EB)],
                                 sbuf[u], sisem[u])

            def ipd(v, u):
                pltpu.async_copy(dstf.at[pl.ds(db + v * EB, EB)],
                                 dbuf[u], disem[u])

            def iws(u):
                pltpu.make_async_copy(srcf.at[pl.ds(0, EB)],
                                      sbuf[u], sisem[u]).wait()

            def iwd(u):
                pltpu.make_async_copy(dstf.at[pl.ds(0, EB)],
                                      dbuf[u], disem[u]).wait()

            def gis(u):
                pltpu.async_copy(hs_hbm.at[sbuf[u]], rows[u], gsem[u])

            def gw(u):
                pltpu.make_async_copy(hs_hbm.at[sbuf[u]],
                                      rows[u], gsem[u]).wait()

            def sis(u):
                pltpu.async_copy(rows[u], acc.at[dbuf[u]], ssem[u], add=True)

            def sw(u):
                pltpu.make_async_copy(rows[u], acc.at[dbuf[u]],
                                      ssem[u]).wait()

            pltpu.sync_copy(
                hs_hbm.at[pl.ds(row0 + s * rpt, rpt)],
                acc.at[pl.ds(s * rpt, rpt)],
            )

            @pl.when(s == NS - 1)
            def _():
                pltpu.sync_copy(
                    hs_hbm.at[pl.ds(row0 + NS * rpt, rem)],
                    acc.at[pl.ds(NS * rpt, rem)],
                )

            ips(0, 0)
            ipd(0, 0)
            ips(1, 1)
            ipd(1, 1)
            ips(2, 2)
            iws(0)
            gis(0)
            iws(1)
            gis(1)
            plsc.subcore_barrier()

            def body(v, u, w, first=False):
                gw(u)
                ips(v + 3, u)
                iwd(u)
                sis(u)
                if not first:
                    sw(w)
                ipd(v + 2, w)
                iws(w)
                gis(w)

            body(0, 0, 2, first=True)

            def triple(j, carry):
                for k, (u, w) in enumerate(((1, 0), (2, 1), (0, 2))):
                    body(1 + 3 * j + k, u, w)
                return carry

            lax.fori_loop(0, 26, triple, 0)
            body(79, 1, 0)
            gw(2)
            gw(0)
            sw(1)
            iws(1)
            iwd(2)
            iwd(0)
            plsc.subcore_barrier()
            pltpu.sync_copy(
                acc.at[pl.ds(s * rpt, rpt)],
                out_hbm.at[pl.ds(row0 + s * rpt, rpt)],
            )

            @pl.when(s == NS - 1)
            def _():
                pltpu.sync_copy(
                    acc.at[pl.ds(NS * rpt, rem)],
                    out_hbm.at[pl.ds(row0 + NS * rpt, rem)],
                )

            if r != cpc - 1:
                plsc.subcore_barrier()

    return prop_kernel


_deg_call = _make_deg()
_prop4_call = _make_prop(4)
_prop2_call = _make_prop(2)


def _dis_body(degp_ref, dis_ref):
    d = 1.0 + degp_ref[0:NDEG // F, :] + degp_ref[NDEG // F:, :]
    dis_ref[...] = lax.rsqrt(d)


def _dis_call(degp):
    out = pl.pallas_call(
        _dis_body,
        out_shape=jax.ShapeDtypeStruct((NDEG // F, F), jnp.float32),
    )(degp.reshape(2 * NDEG // F, F))
    return out.reshape(NDEG)[:N].reshape(N, 1)


def _mm_scale_body(x_ref, w_ref, dis_ref, out_ref):
    h = jnp.dot(x_ref[...], w_ref[...], preferred_element_type=jnp.float32)
    out_ref[...] = h * dis_ref[...]


def _mm_scale_call(x, W, dis2d, C):
    k = x.shape[1]
    return pl.pallas_call(
        _mm_scale_body,
        grid=(N // BN, C),
        in_specs=[
            pl.BlockSpec((BN, k), lambda n, c: (n, 0)),
            pl.BlockSpec((k, F), lambda n, c: (0, c)),
            pl.BlockSpec((BN, 1), lambda n, c: (n, 0)),
        ],
        out_specs=pl.BlockSpec((BN, F), lambda n, c: (c * (N // BN) + n, 0)),
        out_shape=jax.ShapeDtypeStruct((C * N, F), jnp.float32),
    )(x, W, dis2d)


def _mid_body(p_ref, b_ref, w_ref, dis_ref, out_ref, *, nk):
    k = pl.program_id(2)

    @pl.when(k == 0)
    def _():
        out_ref[...] = jnp.zeros_like(out_ref)

    t = jnp.maximum(p_ref[...] * dis_ref[...] + b_ref[0], 0.0)
    out_ref[...] += jnp.dot(t, w_ref[...], preferred_element_type=jnp.float32)

    @pl.when(k == nk - 1)
    def _():
        out_ref[...] *= dis_ref[...]


def _mid_call(p1, b1r, W2, dis2d, C_in, C_out):
    return pl.pallas_call(
        functools.partial(_mid_body, nk=C_in),
        grid=(N // BN, C_out, C_in),
        in_specs=[
            pl.BlockSpec((BN, F), lambda n, f, k: (k * (N // BN) + n, 0)),
            pl.BlockSpec((1, 1, F), lambda n, f, k: (k, 0, 0)),
            pl.BlockSpec((F, F), lambda n, f, k: (k, f)),
            pl.BlockSpec((BN, 1), lambda n, f, k: (n, 0)),
        ],
        out_specs=pl.BlockSpec((BN, F), lambda n, f, k: (f * (N // BN) + n, 0)),
        out_shape=jax.ShapeDtypeStruct((C_out * N, F), jnp.float32),
    )(p1, b1r, W2, dis2d)


def _final_body(p_ref, b_ref, dis_ref, out_ref):
    out_ref[...] = p_ref[...] * dis_ref[...] + b_ref[0]


def _final_call(p2, b2r, dis2d, C):
    return pl.pallas_call(
        _final_body,
        grid=(N // BN, C),
        in_specs=[
            pl.BlockSpec((BN, F), lambda n, f: (f * (N // BN) + n, 0)),
            pl.BlockSpec((1, 1, F), lambda n, f: (f, 0, 0)),
            pl.BlockSpec((BN, 1), lambda n, f: (n, 0)),
        ],
        out_specs=pl.BlockSpec((BN, F), lambda n, f: (n, f)),
        out_shape=jax.ShapeDtypeStruct((N, C * F), jnp.float32),
    )(p2, b2r, dis2d)


def kernel(x, edge_index, W1, b1, W2, b2):
    src = edge_index[0].astype(jnp.int32)
    dst = edge_index[1].astype(jnp.int32)
    src_p = jnp.concatenate(
        [src, jnp.zeros(EP - E, jnp.int32)]).reshape(NBP, EB)
    dst_p = jnp.concatenate(
        [dst, jnp.full(EP - E, N, jnp.int32)]).reshape(NBP, EB)
    src_pc4 = (src_p[None, :, :]
               + (jnp.arange(4, dtype=jnp.int32) * N)[:, None, None]
               ).reshape(4 * NBP, EB)
    pad8 = jnp.zeros((8, EB), jnp.int32)
    srcf4 = jnp.concatenate([src_pc4, pad8]).reshape(-1)
    srcf2 = jnp.concatenate([src_pc4[:2 * NBP], pad8]).reshape(-1)
    dstf = jnp.concatenate(
        [dst_p, jnp.full((8, EB), N, jnp.int32)]).reshape(-1)

    degp = _deg_call(dst)
    dis2d = _dis_call(degp)

    hs1 = _mm_scale_call(x, W1, dis2d, 4)
    p1 = _prop4_call(hs1, srcf4, dstf)
    hs2 = _mid_call(p1, b1.reshape(4, 1, F), W2, dis2d, 4, 2)
    p2 = _prop2_call(hs2, srcf2, dstf)
    z = _final_call(p2, b2.reshape(2, 1, F), dis2d, 2)
    return z

# --- scband reference (transcript-rebuilt; emitter-appended) ---
"""Pipeline reference for scband-gae-63720134803556 (READ-ONLY COPY).

The authoritative reference and input builder live on the scoring server;
editing this copy changes nothing except your own understanding.
"""

import jax, jax.numpy as jnp
import numpy as np

N_NODES = 10000


def gcn_conv(x, edge_index, W, b, num_nodes):
    # linear transform first (PyG GCNConv default)
    h = x @ W
    # add self loops
    src = jnp.concatenate([edge_index[0], jnp.arange(num_nodes, dtype=edge_index.dtype)])
    dst = jnp.concatenate([edge_index[1], jnp.arange(num_nodes, dtype=edge_index.dtype)])
    ew = jnp.ones(src.shape[0], dtype=h.dtype)
    # symmetric normalization: deg from dst scatter-add of edge weights
    deg = jax.ops.segment_sum(ew, dst, num_segments=num_nodes)
    deg_inv_sqrt = jnp.where(deg > 0, jax.lax.rsqrt(jnp.maximum(deg, 1e-12)), 0.0)
    norm = deg_inv_sqrt[src] * deg_inv_sqrt[dst]
    # message passing: gather from src, scale, scatter-add to dst
    msgs = h[src] * norm[:, None]
    out = jax.ops.segment_sum(msgs, dst, num_segments=num_nodes)
    return out + b


def setup_inputs(seed: int = 0) -> dict:
    key = jax.random.key(seed)
    k1, k2, k3, k4, k5 = jax.random.split(key, 5)
    in_ch, hid_ch, out_ch = 256, 512, 256
    n_edges = 160000
    x = jax.random.normal(k1, (N_NODES, in_ch), dtype=jnp.float32)
    edge_index = jax.random.randint(k2, (2, n_edges), 0, N_NODES, dtype=jnp.int64)
    W1 = jax.random.normal(k3, (in_ch, hid_ch), dtype=jnp.float32) * (1.0 / np.sqrt(in_ch))
    b1 = jnp.zeros((hid_ch,), dtype=jnp.float32)
    W2 = jax.random.normal(k4, (hid_ch, out_ch), dtype=jnp.float32) * (1.0 / np.sqrt(hid_ch))
    b2 = jnp.zeros((out_ch,), dtype=jnp.float32)
    return {"x": x, "edge_index": edge_index, "W1": W1, "b1": b1, "W2": W2, "b2": b2}


def reference(x, edge_index, W1, b1, W2, b2):
    # GAE.encoder: gc1 -> relu -> gc2
    h = gcn_conv(x, edge_index, W1, b1, N_NODES)
    h = jax.nn.relu(h)
    z = gcn_conv(h, edge_index, W2, b2, N_NODES)
    return z

if __name__ == "__main__":
    import jax
    _d = setup_inputs()
    print(jax.jit(kernel)(*tuple(_d.values())))

</pallas_src>

<mosaic_0001>
#map = affine_map<(d0, d1) -> (0, 0)>
#map1 = affine_map<(d0, d1) -> (0)>
module attributes {stable_mosaic.version = 14 : i64} {
  func.func @prop_kernel(%arg0: i32, %arg1: i32, %arg2: memref<40000x128xf32, #tpu.memory_space<hbm>>, %arg3: memref<656384xi32, #tpu.memory_space<hbm>>, %arg4: memref<164864xi32, #tpu.memory_space<hbm>>, %arg5: memref<40000x128xf32, #tpu.memory_space<hbm>>, %arg6: memref<128xi32, #tpu.memory_space<vmem>>, %arg7: memref<128xi32, #tpu.memory_space<vmem>>, %arg8: memref<128xi32, #tpu.memory_space<vmem>>, %arg9: memref<128xi32, #tpu.memory_space<vmem>>, %arg10: memref<128xi32, #tpu.memory_space<vmem>>, %arg11: memref<128xi32, #tpu.memory_space<vmem>>, %arg12: memref<128x128xf32, #tpu.memory_space<vmem>>, %arg13: memref<128x128xf32, #tpu.memory_space<vmem>>, %arg14: memref<128x128xf32, #tpu.memory_space<vmem>>, %arg15: memref<10016x128xf32, #tpu.memory_space<vmem_shared>>, %arg16: memref<!tpu.dma_semaphore, #tpu.memory_space<semaphore_mem>>, %arg17: memref<!tpu.dma_semaphore, #tpu.memory_space<semaphore_mem>>, %arg18: memref<!tpu.dma_semaphore, #tpu.memory_space<semaphore_mem>>, %arg19: memref<!tpu.dma_semaphore, #tpu.memory_space<semaphore_mem>>, %arg20: memref<!tpu.dma_semaphore, #tpu.memory_space<semaphore_mem>>, %arg21: memref<!tpu.dma_semaphore, #tpu.memory_space<semaphore_mem>>, %arg22: memref<!tpu.dma_semaphore, #tpu.memory_space<semaphore_mem>>, %arg23: memref<!tpu.dma_semaphore, #tpu.memory_space<semaphore_mem>>, %arg24: memref<!tpu.dma_semaphore, #tpu.memory_space<semaphore_mem>>, %arg25: memref<!tpu.dma_semaphore, #tpu.memory_space<semaphore_mem>>, %arg26: memref<!tpu.dma_semaphore, #tpu.memory_space<semaphore_mem>>, %arg27: memref<!tpu.dma_semaphore, #tpu.memory_space<semaphore_mem>>) attributes {dimension_semantics = [#tpu.dimension_semantics<core_parallel>, #tpu.dimension_semantics<subcore_parallel>], iteration_bounds = array<i64: 2, 16>, scalar_prefetch = 0 : i64, scratch_operands = 22 : i64, tpu.core_type = #tpu.core_type<sc_vector_subcore>, window_params = [{transform_indices = #map}, {transform_indices = #map1}, {transform_indices = #map1}, {transform_indices = #map}]} {
    %mul3A = arith.constant 80 : i32
    %mul3A_0 = arith.muli %arg1, %mul3A : i32
    %mul3A_1 = arith.constant 128 : i32
    %mul3A_2 = arith.muli %mul3A_0, %mul3A_1 : i32
    %mul3A_3 = arith.constant 2 : i32
    %mul3A_4 = arith.muli %arg0, %mul3A_3 : i32
    %add3A = arith.constant 0 : i32
    %add3A_5 = arith.addi %mul3A_4, %add3A : i32
    %mul3A_6 = arith.constant 10000 : i32
    %mul3A_7 = arith.muli %add3A_5, %mul3A_6 : i32
    %mul3A_8 = arith.constant 1280 : i32
    %mul3A_9 = arith.muli %add3A_5, %mul3A_8 : i32
    %add3A_10 = arith.addi %mul3A_9, %mul3A_0 : i32
    %mul3A_11 = arith.constant 128 : i32
    %mul3A_12 = arith.muli %add3A_10, %mul3A_11 : i32
    %mul3A_13 = arith.constant 624 : i32
    %mul3A_14 = arith.muli %arg1, %mul3A_13 : i32
    %add3A_15 = arith.addi %mul3A_7, %mul3A_14 : i32
    %mul3A_16 = arith.constant 624 : i32
    %mul3A_17 = arith.muli %arg1, %mul3A_16 : i32
    "tpu.region"() ({
      %run_scoped3A = tpu.sem_alloc : memref<!tpu.dma_semaphore, #tpu.memory_space<semaphore_mem>>
      %dma_start3A_290 = arith.constant 0 : i32
      %dma_start3A_291 = tpu.memref_slice %arg15[%mul3A_17, %dma_start3A_290] : memref<10016x128xf32, #tpu.memory_space<vmem_shared>> -> memref<624x128xf32, #tpu.memory_space<vmem_shared>>
      %dma_start3A_292 = arith.constant 0 : i32
      %dma_start3A_293 = tpu.memref_slice %arg2[%add3A_15, %dma_start3A_292] : memref<40000x128xf32, #tpu.memory_space<hbm>> -> memref<624x128xf32, #tpu.memory_space<hbm>>
      tpu.enqueue_dma source(%dma_start3A_293 : memref<624x128xf32, #tpu.memory_space<hbm>>) target(%dma_start3A_291 : memref<624x128xf32, #tpu.memory_space<vmem_shared>>) target_semaphore(%run_scoped3A : memref<!tpu.dma_semaphore, #tpu.memory_space<semaphore_mem>>)
      %dma_wait3A_294 = arith.constant 0 : i32
      %dma_wait3A_295 = tpu.memref_slice %arg15[%mul3A_17, %dma_wait3A_294] : memref<10016x128xf32, #tpu.memory_space<vmem_shared>> -> memref<624x128xf32, #tpu.memory_space<vmem_shared>>
      %dma_wait3A_296 = arith.constant 0 : i32
      %dma_wait3A_297 = tpu.memref_slice %arg2[%add3A_15, %dma_wait3A_296] : memref<40000x128xf32, #tpu.memory_space<hbm>> -> memref<624x128xf32, #tpu.memory_space<hbm>>
      tpu.wait_dma2 semaphore(%run_scoped3A : memref<!tpu.dma_semaphore, #tpu.memory_space<semaphore_mem>>) src(%dma_wait3A_297 : memref<624x128xf32, #tpu.memory_space<hbm>>) dst(%dma_wait3A_295 : memref<624x128xf32, #tpu.memory_space<vmem_shared>>)
      tpu.yield
    }) : () -> ()
    %eq3A = arith.constant 15 : i32
    %eq3A_18 = arith.cmpi eq, %arg1, %eq3A : i32
    %convert_element_type3A = arith.extui %eq3A_18 : i1 to i32
    %cond3A = arith.constant 0 : i32
    %cond3A_19 = arith.cmpi ne, %convert_element_type3A, %cond3A : i32
    scf.if %cond3A_19 {
      %add3A_290 = arith.constant 9984 : i32
      %add3A_291 = arith.addi %mul3A_7, %add3A_290 : i32
      "tpu.region"() ({
        %run_scoped3A = tpu.sem_alloc : memref<!tpu.dma_semaphore, #tpu.memory_space<semaphore_mem>>
        %dma_start3A_292 = arith.constant 9984 : i32
        %dma_start3A_293 = arith.constant 0 : i32
        %dma_start3A_294 = tpu.memref_slice %arg15[%dma_start3A_292, %dma_start3A_293] : memref<10016x128xf32, #tpu.memory_space<vmem_shared>> -> memref<16x128xf32, #tpu.memory_space<vmem_shared>>
        %dma_start3A_295 = arith.constant 0 : i32
        %dma_start3A_296 = tpu.memref_slice %arg2[%add3A_291, %dma_start3A_295] : memref<40000x128xf32, #tpu.memory_space<hbm>> -> memref<16x128xf32, #tpu.memory_space<hbm>>
        tpu.enqueue_dma source(%dma_start3A_296 : memref<16x128xf32, #tpu.memory_space<hbm>>) target(%dma_start3A_294 : memref<16x128xf32, #tpu.memory_space<vmem_shared>>) target_semaphore(%run_scoped3A : memref<!tpu.dma_semaphore, #tpu.memory_space<semaphore_mem>>)
        %dma_wait3A_297 = arith.constant 9984 : i32
        %dma_wait3A_298 = arith.constant 0 : i32
        %dma_wait3A_299 = tpu.memref_slice %arg15[%dma_wait3A_297, %dma_wait3A_298] : memref<10016x128xf32, #tpu.memory_space<vmem_shared>> -> memref<16x128xf32, #tpu.memory_space<vmem_shared>>
        %dma_wait3A_300 = arith.constant 0 : i32
        %dma_wait3A_301 = tpu.memref_slice %arg2[%add3A_291, %dma_wait3A_300] : memref<40000x128xf32, #tpu.memory_space<hbm>> -> memref<16x128xf32, #tpu.memory_space<hbm>>
        tpu.wait_dma2 semaphore(%run_scoped3A : memref<!tpu.dma_semaphore, #tpu.memory_space<semaphore_mem>>) src(%dma_wait3A_301 : memref<16x128xf32, #tpu.memory_space<hbm>>) dst(%dma_wait3A_299 : memref<16x128xf32, #tpu.memory_space<vmem_shared>>)
        tpu.yield
      }) : () -> ()
    } else {
    }
    %add3A_20 = arith.constant 0 : i32
    %add3A_21 = arith.addi %mul3A_12, %add3A_20 : i32
    %dma_start3A = tpu.memref_slice %arg3[%add3A_21] : memref<656384xi32, #tpu.memory_space<hbm>> -> memref<128xi32, #tpu.memory_space<hbm>>
    %dma_start3A_22 = tpu.memref_slice %arg3[%add3A_21] : memref<656384xi32, #tpu.memory_space<hbm>> -> memref<128xi32, #tpu.memory_space<hbm>>
    tpu.enqueue_dma source(%dma_start3A_22 : memref<128xi32, #tpu.memory_space<hbm>>) target(%arg6 : memref<128xi32, #tpu.memory_space<vmem>>) target_semaphore(%arg22 : memref<!tpu.dma_semaphore, #tpu.memory_space<semaphore_mem>>)
    %add3A_23 = arith.constant 0 : i32
    %add3A_24 = arith.addi %mul3A_2, %add3A_23 : i32
    %dma_start3A_25 = tpu.memref_slice %arg4[%add3A_24] : memref<164864xi32, #tpu.memory_space<hbm>> -> memref<128xi32, #tpu.memory_space<hbm>>
    %dma_start3A_26 = tpu.memref_slice %arg4[%add3A_24] : memref<164864xi32, #tpu.memory_space<hbm>> -> memref<128xi32, #tpu.memory_space<hbm>>
    tpu.enqueue_dma source(%dma_start3A_26 : memref<128xi32, #tpu.memory_space<hbm>>) target(%arg9 : memref<128xi32, #tpu.memory_space<vmem>>) target_semaphore(%arg25 : memref<!tpu.dma_semaphore, #tpu.memory_space<semaphore_mem>>)
    %add3A_27 = arith.constant 128 : i32
    %add3A_28 = arith.addi %mul3A_12, %add3A_27 : i32
    %dma_start3A_29 = tpu.memref_slice %arg3[%add3A_28] : memref<656384xi32, #tpu.memory_space<hbm>> -> memref<128xi32, #tpu.memory_space<hbm>>
    %dma_start3A_30 = tpu.memref_slice %arg3[%add3A_28] : memref<656384xi32, #tpu.memory_space<hbm>> -> memref<128xi32, #tpu.memory_space<hbm>>
    tpu.enqueue_dma source(%dma_start3A_30 : memref<128xi32, #tpu.memory_space<hbm>>) target(%arg7 : memref<128xi32, #tpu.memory_space<vmem>>) target_semaphore(%arg23 : memref<!tpu.dma_semaphore, #tpu.memory_space<semaphore_mem>>)
    %add3A_31 = arith.constant 128 : i32
    %add3A_32 = arith.addi %mul3A_2, %add3A_31 : i32
    %dma_start3A_33 = tpu.memref_slice %arg4[%add3A_32] : memref<164864xi32, #tpu.memory_space<hbm>> -> memref<128xi32, #tpu.memory_space<hbm>>
    %dma_start3A_34 = tpu.memref_slice %arg4[%add3A_32] : memref<164864xi32, #tpu.memory_space<hbm>> -> memref<128xi32, #tpu.memory_space<hbm>>
    tpu.enqueue_dma source(%dma_start3A_34 : memref<128xi32, #tpu.memory_space<hbm>>) target(%arg10 : memref<128xi32, #tpu.memory_space<vmem>>) target_semaphore(%arg26 : memref<!tpu.dma_semaphore, #tpu.memory_space<semaphore_mem>>)
    %add3A_35 = arith.constant 256 : i32
    %add3A_36 = arith.addi %mul3A_12, %add3A_35 : i32
    %dma_start3A_37 = tpu.memref_slice %arg3[%add3A_36] : memref<656384xi32, #tpu.memory_space<hbm>> -> memref<128xi32, #tpu.memory_space<hbm>>
    %dma_start3A_38 = tpu.memref_slice %arg3[%add3A_36] : memref<656384xi32, #tpu.memory_space<hbm>> -> memref<128xi32, #tpu.memory_space<hbm>>
    tpu.enqueue_dma source(%dma_start3A_38 : memref<128xi32, #tpu.memory_space<hbm>>) target(%arg8 : memref<128xi32, #tpu.memory_space<vmem>>) target_semaphore(%arg24 : memref<!tpu.dma_semaphore, #tpu.memory_space<semaphore_mem>>)
    %dma_wait3A = arith.constant 0 : i32
    %dma_wait3A_39 = tpu.memref_slice %arg3[%dma_wait3A] : memref<656384xi32, #tpu.memory_space<hbm>> -> memref<128xi32, #tpu.memory_space<hbm>>
    %dma_wait3A_40 = arith.constant 0 : i32
    %dma_wait3A_41 = tpu.memref_slice %arg3[%dma_wait3A_40] : memref<656384xi32, #tpu.memory_space<hbm>> -> memref<128xi32, #tpu.memory_space<hbm>>
    tpu.wait_dma2 semaphore(%arg22 : memref<!tpu.dma_semaphore, #tpu.memory_space<semaphore_mem>>) src(%dma_wait3A_41 : memref<128xi32, #tpu.memory_space<hbm>>) dst(%arg6 : memref<128xi32, #tpu.memory_space<vmem>>)
    %dma_start3A_42 = arith.constant 0 : i32
    %dma_start3A_43 = arith.constant 0 : i32
    %dma_start3A_44 = tpu.memref_slice %arg2[%dma_start3A_42, %dma_start3A_43] : memref<40000x128xf32, #tpu.memory_space<hbm>> -> memref<40000x128xf32, #tpu.memory_space<hbm>>
    tpu.enqueue_indirect_dma source(%dma_start3A_44 : memref<40000x128xf32, #tpu.memory_space<hbm>>) target(%arg12 : memref<128x128xf32, #tpu.memory_space<vmem>>) offsets(%arg6 : memref<128xi32, #tpu.memory_space<vmem>>) semaphore(%arg16 : memref<!tpu.dma_semaphore, #tpu.memory_space<semaphore_mem>>)
    %dma_wait3A_45 = arith.constant 0 : i32
    %dma_wait3A_46 = tpu.memref_slice %arg3[%dma_wait3A_45] : memref<656384xi32, #tpu.memory_space<hbm>> -> memref<128xi32, #tpu.memory_space<hbm>>
    %dma_wait3A_47 = arith.constant 0 : i32
    %dma_wait3A_48 = tpu.memref_slice %arg3[%dma_wait3A_47] : memref<656384xi32, #tpu.memory_space<hbm>> -> memref<128xi32, #tpu.memory_space<hbm>>
    tpu.wait_dma2 semaphore(%arg23 : memref<!tpu.dma_semaphore, #tpu.memory_space<semaphore_mem>>) src(%dma_wait3A_48 : memref<128xi32, #tpu.memory_space<hbm>>) dst(%arg7 : memref<128xi32, #tpu.memory_space<vmem>>)
    %dma_start3A_49 = arith.constant 0 : i32
    %dma_start3A_50 = arith.constant 0 : i32
    %dma_start3A_51 = tpu.memref_slice %arg2[%dma_start3A_49, %dma_start3A_50] : memref<40000x128xf32, #tpu.memory_space<hbm>> -> memref<40000x128xf32, #tpu.memory_space<hbm>>
    tpu.enqueue_indirect_dma source(%dma_start3A_51 : memref<40000x128xf32, #tpu.memory_space<hbm>>) target(%arg13 : memref<128x128xf32, #tpu.memory_space<vmem>>) offsets(%arg7 : memref<128xi32, #tpu.memory_space<vmem>>) semaphore(%arg17 : memref<!tpu.dma_semaphore, #tpu.memory_space<semaphore_mem>>)
    %barrier3A = arith.constant 0 : index
    tpu.barrier barrier_id(%barrier3A)
    %dma_wait3A_52 = arith.constant 0 : i32
    %dma_wait3A_53 = arith.constant 0 : i32
    %dma_wait3A_54 = tpu.memref_slice %arg2[%dma_wait3A_52, %dma_wait3A_53] : memref<40000x128xf32, #tpu.memory_space<hbm>> -> memref<40000x128xf32, #tpu.memory_space<hbm>>
    tpu.wait_indirect_dma semaphore(%arg16 : memref<!tpu.dma_semaphore, #tpu.memory_space<semaphore_mem>>) src(%dma_wait3A_54 : memref<40000x128xf32, #tpu.memory_space<hbm>>) dst(%arg12 : memref<128x128xf32, #tpu.memory_space<vmem>>)
    %add3A_55 = arith.constant 384 : i32
    %add3A_56 = arith.addi %mul3A_12, %add3A_55 : i32
    %dma_start3A_57 = tpu.memref_slice %arg3[%add3A_56] : memref<656384xi32, #tpu.memory_space<hbm>> -> memref<128xi32, #tpu.memory_space<hbm>>
    %dma_start3A_58 = tpu.memref_slice %arg3[%add3A_56] : memref<656384xi32, #tpu.memory_space<hbm>> -> memref<128xi32, #tpu.memory_space<hbm>>
    tpu.enqueue_dma source(%dma_start3A_58 : memref<128xi32, #tpu.memory_space<hbm>>) target(%arg6 : memref<128xi32, #tpu.memory_space<vmem>>) target_semaphore(%arg22 : memref<!tpu.dma_semaphore, #tpu.memory_space<semaphore_mem>>)
    %dma_wait3A_59 = arith.constant 0 : i32
    %dma_wait3A_60 = tpu.memref_slice %arg4[%dma_wait3A_59] : memref<164864xi32, #tpu.memory_space<hbm>> -> memref<128xi32, #tpu.memory_space<hbm>>
    %dma_wait3A_61 = arith.constant 0 : i32
    %dma_wait3A_62 = tpu.memref_slice %arg4[%dma_wait3A_61] : memref<164864xi32, #tpu.memory_space<hbm>> -> memref<128xi32, #tpu.memory_space<hbm>>
    tpu.wait_dma2 semaphore(%arg25 : memref<!tpu.dma_semaphore, #tpu.memory_space<semaphore_mem>>) src(%dma_wait3A_62 : memref<128xi32, #tpu.memory_space<hbm>>) dst(%arg9 : memref<128xi32, #tpu.memory_space<vmem>>)
    %dma_start3A_63 = arith.constant 0 : i32
    %dma_start3A_64 = arith.constant 0 : i32
    %dma_start3A_65 = tpu.memref_slice %arg15[%dma_start3A_63, %dma_start3A_64] : memref<10016x128xf32, #tpu.memory_space<vmem_shared>> -> memref<10016x128xf32, #tpu.memory_space<vmem_shared>>
    tpu.enqueue_indirect_dma source(%arg12 : memref<128x128xf32, #tpu.memory_space<vmem>>) target(%dma_start3A_65 : memref<10016x128xf32, #tpu.memory_space<vmem_shared>>) offsets(%arg9 : memref<128xi32, #tpu.memory_space<vmem>>) semaphore(%arg19 : memref<!tpu.dma_semaphore, #tpu.memory_space<semaphore_mem>>) {add = true}
    %add3A_66 = arith.constant 256 : i32
    %add3A_67 = arith.addi %mul3A_2, %add3A_66 : i32
    %dma_start3A_68 = tpu.memref_slice %arg4[%add3A_67] : memref<164864xi32, #tpu.memory_space<hbm>> -> memref<128xi32, #tpu.memory_space<hbm>>
    %dma_start3A_69 = tpu.memref_slice %arg4[%add3A_67] : memref<164864xi32, #tpu.memory_space<hbm>> -> memref<128xi32, #tpu.memory_space<hbm>>
    tpu.enqueue_dma source(%dma_start3A_69 : memref<128xi32, #tpu.memory_space<hbm>>) target(%arg11 : memref<128xi32, #tpu.memory_space<vmem>>) target_semaphore(%arg27 : memref<!tpu.dma_semaphore, #tpu.memory_space<semaphore_mem>>)
    %dma_wait3A_70 = arith.constant 0 : i32
    %dma_wait3A_71 = tpu.memref_slice %arg3[%dma_wait3A_70] : memref<656384xi32, #tpu.memory_space<hbm>> -> memref<128xi32, #tpu.memory_space<hbm>>
    %dma_wait3A_72 = arith.constant 0 : i32
    %dma_wait3A_73 = tpu.memref_slice %arg3[%dma_wait3A_72] : memref<656384xi32, #tpu.memory_space<hbm>> -> memref<128xi32, #tpu.memory_space<hbm>>
    tpu.wait_dma2 semaphore(%arg24 : memref<!tpu.dma_semaphore, #tpu.memory_space<semaphore_mem>>) src(%dma_wait3A_73 : memref<128xi32, #tpu.memory_space<hbm>>) dst(%arg8 : memref<128xi32, #tpu.memory_space<vmem>>)
    %dma_start3A_74 = arith.constant 0 : i32
    %dma_start3A_75 = arith.constant 0 : i32
    %dma_start3A_76 = tpu.memref_slice %arg2[%dma_start3A_74, %dma_start3A_75] : memref<40000x128xf32, #tpu.memory_space<hbm>> -> memref<40000x128xf32, #tpu.memory_space<hbm>>
    tpu.enqueue_indirect_dma source(%dma_start3A_76 : memref<40000x128xf32, #tpu.memory_space<hbm>>) target(%arg14 : memref<128x128xf32, #tpu.memory_space<vmem>>) offsets(%arg8 : memref<128xi32, #tpu.memory_space<vmem>>) semaphore(%arg18 : memref<!tpu.dma_semaphore, #tpu.memory_space<semaphore_mem>>)
    %scan3A = arith.constant 0 : i32
    %scan3A_77 = arith.constant 0 : i32
    %scan3A_78 = arith.constant 26 : i32
    %scan3A_79 = arith.addi %scan3A_77, %scan3A_78 : i32
    %scan3A_80 = arith.constant 1 : i32
    scf.for %scan3A_290 = %scan3A_77 to %scan3A_79 step %scan3A_80  : i32 {
      %mul3A_291 = arith.constant 3 : i32
      %mul3A_292 = arith.muli %mul3A_291, %scan3A_290 : i32
      %add3A_293 = arith.constant 1 : i32
      %add3A_294 = arith.addi %add3A_293, %mul3A_292 : i32
      %add3A_295 = arith.constant 0 : i32
      %add3A_296 = arith.addi %add3A_294, %add3A_295 : i32
      %dma_wait3A_297 = arith.constant 0 : i32
      %dma_wait3A_298 = arith.constant 0 : i32
      %dma_wait3A_299 = tpu.memref_slice %arg2[%dma_wait3A_297, %dma_wait3A_298] : memref<40000x128xf32, #tpu.memory_space<hbm>> -> memref<40000x128xf32, #tpu.memory_space<hbm>>
      tpu.wait_indirect_dma semaphore(%arg17 : memref<!tpu.dma_semaphore, #tpu.memory_space<semaphore_mem>>) src(%dma_wait3A_299 : memref<40000x128xf32, #tpu.memory_space<hbm>>) dst(%arg13 : memref<128x128xf32, #tpu.memory_space<vmem>>)
      %add3A_300 = arith.constant 3 : i32
      %add3A_301 = arith.addi %add3A_296, %add3A_300 : i32
      %mul3A_302 = arith.constant 128 : i32
      %mul3A_303 = arith.muli %add3A_301, %mul3A_302 : i32
      %add3A_304 = arith.addi %mul3A_12, %mul3A_303 : i32
      %dma_start3A_305 = tpu.memref_slice %arg3[%add3A_304] : memref<656384xi32, #tpu.memory_space<hbm>> -> memref<128xi32, #tpu.memory_space<hbm>>
      %dma_start3A_306 = tpu.memref_slice %arg3[%add3A_304] : memref<656384xi32, #tpu.memory_space<hbm>> -> memref<128xi32, #tpu.memory_space<hbm>>
      tpu.enqueue_dma source(%dma_start3A_306 : memref<128xi32, #tpu.memory_space<hbm>>) target(%arg7 : memref<128xi32, #tpu.memory_space<vmem>>) target_semaphore(%arg23 : memref<!tpu.dma_semaphore, #tpu.memory_space<semaphore_mem>>)
      %dma_wait3A_307 = arith.constant 0 : i32
      %dma_wait3A_308 = tpu.memref_slice %arg4[%dma_wait3A_307] : memref<164864xi32, #tpu.memory_space<hbm>> -> memref<128xi32, #tpu.memory_space<hbm>>
      %dma_wait3A_309 = arith.constant 0 : i32
      %dma_wait3A_310 = tpu.memref_slice %arg4[%dma_wait3A_309] : memref<164864xi32, #tpu.memory_space<hbm>> -> memref<128xi32, #tpu.memory_space<hbm>>
      tpu.wait_dma2 semaphore(%arg26 : memref<!tpu.dma_semaphore, #tpu.memory_space<semaphore_mem>>) src(%dma_wait3A_310 : memref<128xi32, #tpu.memory_space<hbm>>) dst(%arg10 : memref<128xi32, #tpu.memory_space<vmem>>)
      %dma_start3A_311 = arith.constant 0 : i32
      %dma_start3A_312 = arith.constant 0 : i32
      %dma_start3A_313 = tpu.memref_slice %arg15[%dma_start3A_311, %dma_start3A_312] : memref<10016x128xf32, #tpu.memory_space<vmem_shared>> -> memref<10016x128xf32, #tpu.memory_space<vmem_shared>>
      tpu.enqueue_indirect_dma source(%arg13 : memref<128x128xf32, #tpu.memory_space<vmem>>) target(%dma_start3A_313 : memref<10016x128xf32, #tpu.memory_space<vmem_shared>>) offsets(%arg10 : memref<128xi32, #tpu.memory_space<vmem>>) semaphore(%arg20 : memref<!tpu.dma_semaphore, #tpu.memory_space<semaphore_mem>>) {add = true}
      %dma_wait3A_314 = arith.constant 0 : i32
      %dma_wait3A_315 = arith.constant 0 : i32
      %dma_wait3A_316 = tpu.memref_slice %arg15[%dma_wait3A_314, %dma_wait3A_315] : memref<10016x128xf32, #tpu.memory_space<vmem_shared>> -> memref<10016x128xf32, #tpu.memory_space<vmem_shared>>
      tpu.wait_indirect_dma semaphore(%arg19 : memref<!tpu.dma_semaphore, #tpu.memory_space<semaphore_mem>>) src(%arg12 : memref<128x128xf32, #tpu.memory_space<vmem>>) dst(%dma_wait3A_316 : memref<10016x128xf32, #tpu.memory_space<vmem_shared>>)
      %add3A_317 = arith.constant 2 : i32
      %add3A_318 = arith.addi %add3A_296, %add3A_317 : i32
      %mul3A_319 = arith.constant 128 : i32
      %mul3A_320 = arith.muli %add3A_318, %mul3A_319 : i32
      %add3A_321 = arith.addi %mul3A_2, %mul3A_320 : i32
      %dma_start3A_322 = tpu.memref_slice %arg4[%add3A_321] : memref<164864xi32, #tpu.memory_space<hbm>> -> memref<128xi32, #tpu.memory_space<hbm>>
      %dma_start3A_323 = tpu.memref_slice %arg4[%add3A_321] : memref<164864xi32, #tpu.memory_space<hbm>> -> memref<128xi32, #tpu.memory_space<hbm>>
      tpu.enqueue_dma source(%dma_start3A_323 : memref<128xi32, #tpu.memory_space<hbm>>) target(%arg9 : memref<128xi32, #tpu.memory_space<vmem>>) target_semaphore(%arg25 : memref<!tpu.dma_semaphore, #tpu.memory_space<semaphore_mem>>)
      %dma_wait3A_324 = arith.constant 0 : i32
      %dma_wait3A_325 = tpu.memref_slice %arg3[%dma_wait3A_324] : memref<656384xi32, #tpu.memory_space<hbm>> -> memref<128xi32, #tpu.memory_space<hbm>>
      %dma_wait3A_326 = arith.constant 0 : i32
      %dma_wait3A_327 = tpu.memref_slice %arg3[%dma_wait3A_326] : memref<656384xi32, #tpu.memory_space<hbm>> -> memref<128xi32, #tpu.memory_space<hbm>>
      tpu.wait_dma2 semaphore(%arg22 : memref<!tpu.dma_semaphore, #tpu.memory_space<semaphore_mem>>) src(%dma_wait3A_327 : memref<128xi32, #tpu.memory_space<hbm>>) dst(%arg6 : memref<128xi32, #tpu.memory_space<vmem>>)
      %dma_start3A_328 = arith.constant 0 : i32
      %dma_start3A_329 = arith.constant 0 : i32
      %dma_start3A_330 = tpu.memref_slice %arg2[%dma_start3A_328, %dma_start3A_329] : memref<40000x128xf32, #tpu.memory_space<hbm>> -> memref<40000x128xf32, #tpu.memory_space<hbm>>
      tpu.enqueue_indirect_dma source(%dma_start3A_330 : memref<40000x128xf32, #tpu.memory_space<hbm>>) target(%arg12 : memref<128x128xf32, #tpu.memory_space<vmem>>) offsets(%arg6 : memref<128xi32, #tpu.memory_space<vmem>>) semaphore(%arg16 : memref<!tpu.dma_semaphore, #tpu.memory_space<semaphore_mem>>)
      %mul3A_331 = arith.constant 3 : i32
      %mul3A_332 = arith.muli %mul3A_331, %scan3A_290 : i32
      %add3A_333 = arith.constant 1 : i32
      %add3A_334 = arith.addi %add3A_333, %mul3A_332 : i32
      %add3A_335 = arith.constant 1 : i32
      %add3A_336 = arith.addi %add3A_334, %add3A_335 : i32
      %dma_wait3A_337 = arith.constant 0 : i32
      %dma_wait3A_338 = arith.constant 0 : i32
      %dma_wait3A_339 = tpu.memref_slice %arg2[%dma_wait3A_337, %dma_wait3A_338] : memref<40000x128xf32, #tpu.memory_space<hbm>> -> memref<40000x128xf32, #tpu.memory_space<hbm>>
      tpu.wait_indirect_dma semaphore(%arg18 : memref<!tpu.dma_semaphore, #tpu.memory_space<semaphore_mem>>) src(%dma_wait3A_339 : memref<40000x128xf32, #tpu.memory_space<hbm>>) dst(%arg14 : memref<128x128xf32, #tpu.memory_space<vmem>>)
      %add3A_340 = arith.constant 3 : i32
      %add3A_341 = arith.addi %add3A_336, %add3A_340 : i32
      %mul3A_342 = arith.constant 128 : i32
      %mul3A_343 = arith.muli %add3A_341, %mul3A_342 : i32
      %add3A_344 = arith.addi %mul3A_12, %mul3A_343 : i32
      %dma_start3A_345 = tpu.memref_slice %arg3[%add3A_344] : memref<656384xi32, #tpu.memory_space<hbm>> -> memref<128xi32, #tpu.memory_space<hbm>>
      %dma_start3A_346 = tpu.memref_slice %arg3[%add3A_344] : memref<656384xi32, #tpu.memory_space<hbm>> -> memref<128xi32, #tpu.memory_space<hbm>>
      tpu.enqueue_dma source(%dma_start3A_346 : memref<128xi32, #tpu.memory_space<hbm>>) target(%arg8 : memref<128xi32, #tpu.memory_space<vmem>>) target_semaphore(%arg24 : memref<!tpu.dma_semaphore, #tpu.memory_space<semaphore_mem>>)
      %dma_wait3A_347 = arith.constant 0 : i32
      %dma_wait3A_348 = tpu.memref_slice %arg4[%dma_wait3A_347] : memref<164864xi32, #tpu.memory_space<hbm>> -> memref<128xi32, #tpu.memory_space<hbm>>
      %dma_wait3A_349 = arith.constant 0 : i32
      %dma_wait3A_350 = tpu.memref_slice %arg4[%dma_wait3A_349] : memref<164864xi32, #tpu.memory_space<hbm>> -> memref<128xi32, #tpu.memory_space<hbm>>
      tpu.wait_dma2 semaphore(%arg27 : memref<!tpu.dma_semaphore, #tpu.memory_space<semaphore_mem>>) src(%dma_wait3A_350 : memref<128xi32, #tpu.memory_space<hbm>>) dst(%arg11 : memref<128xi32, #tpu.memory_space<vmem>>)
      %dma_start3A_351 = arith.constant 0 : i32
      %dma_start3A_352 = arith.constant 0 : i32
      %dma_start3A_353 = tpu.memref_slice %arg15[%dma_start3A_351, %dma_start3A_352] : memref<10016x128xf32, #tpu.memory_space<vmem_shared>> -> memref<10016x128xf32, #tpu.memory_space<vmem_shared>>
      tpu.enqueue_indirect_dma source(%arg14 : memref<128x128xf32, #tpu.memory_space<vmem>>) target(%dma_start3A_353 : memref<10016x128xf32, #tpu.memory_space<vmem_shared>>) offsets(%arg11 : memref<128xi32, #tpu.memory_space<vmem>>) semaphore(%arg21 : memref<!tpu.dma_semaphore, #tpu.memory_space<semaphore_mem>>) {add = true}
      %dma_wait3A_354 = arith.constant 0 : i32
      %dma_wait3A_355 = arith.constant 0 : i32
      %dma_wait3A_356 = tpu.memref_slice %arg15[%dma_wait3A_354, %dma_wait3A_355] : memref<10016x128xf32, #tpu.memory_space<vmem_shared>> -> memref<10016x128xf32, #tpu.memory_space<vmem_shared>>
      tpu.wait_indirect_dma semaphore(%arg20 : memref<!tpu.dma_semaphore, #tpu.memory_space<semaphore_mem>>) src(%arg13 : memref<128x128xf32, #tpu.memory_space<vmem>>) dst(%dma_wait3A_356 : memref<10016x128xf32, #tpu.memory_space<vmem_shared>>)
      %add3A_357 = arith.constant 2 : i32
      %add3A_358 = arith.addi %add3A_336, %add3A_357 : i32
      %mul3A_359 = arith.constant 128 : i32
      %mul3A_360 = arith.muli %add3A_358, %mul3A_359 : i32
      %add3A_361 = arith.addi %mul3A_2, %mul3A_360 : i32
      %dma_start3A_362 = tpu.memref_slice %arg4[%add3A_361] : memref<164864xi32, #tpu.memory_space<hbm>> -> memref<128xi32, #tpu.memory_space<hbm>>
      %dma_start3A_363 = tpu.memref_slice %arg4[%add3A_361] : memref<164864xi32, #tpu.memory_space<hbm>> -> memref<128xi32, #tpu.memory_space<hbm>>
      tpu.enqueue_dma source(%dma_start3A_363 : memref<128xi32, #tpu.memory_space<hbm>>) target(%arg10 : memref<128xi32, #tpu.memory_space<vmem>>) target_semaphore(%arg26 : memref<!tpu.dma_semaphore, #tpu.memory_space<semaphore_mem>>)
      %dma_wait3A_364 = arith.constant 0 : i32
      %dma_wait3A_365 = tpu.memref_slice %arg3[%dma_wait3A_364] : memref<656384xi32, #tpu.memory_space<hbm>> -> memref<128xi32, #tpu.memory_space<hbm>>
      %dma_wait3A_366 = arith.constant 0 : i32
      %dma_wait3A_367 = tpu.memref_slice %arg3[%dma_wait3A_366] : memref<656384xi32, #tpu.memory_space<hbm>> -> memref<128xi32, #tpu.memory_space<hbm>>
      tpu.wait_dma2 semaphore(%arg23 : memref<!tpu.dma_semaphore, #tpu.memory_space<semaphore_mem>>) src(%dma_wait3A_367 : memref<128xi32, #tpu.memory_space<hbm>>) dst(%arg7 : memref<128xi32, #tpu.memory_space<vmem>>)
      %dma_start3A_368 = arith.constant 0 : i32
      %dma_start3A_369 = arith.constant 0 : i32
      %dma_start3A_370 = tpu.memref_slice %arg2[%dma_start3A_368, %dma_start3A_369] : memref<40000x128xf32, #tpu.memory_space<hbm>> -> memref<40000x128xf32, #tpu.memory_space<hbm>>
      tpu.enqueue_indirect_dma source(%dma_start3A_370 : memref<40000x128xf32, #tpu.memory_space<hbm>>) target(%arg13 : memref<128x128xf32, #tpu.memory_space<vmem>>) offsets(%arg7 : memref<128xi32, #tpu.memory_space<vmem>>) semaphore(%arg17 : memref<!tpu.dma_semaphore, #tpu.memory_space<semaphore_mem>>)
      %mul3A_371 = arith.constant 3 : i32
      %mul3A_372 = arith.muli %mul3A_371, %scan3A_290 : i32
      %add3A_373 = arith.constant 1 : i32
      %add3A_374 = arith.addi %add3A_373, %mul3A_372 : i32
      %add3A_375 = arith.constant 2 : i32
      %add3A_376 = arith.addi %add3A_374, %add3A_375 : i32
      %dma_wait3A_377 = arith.constant 0 : i32
      %dma_wait3A_378 = arith.constant 0 : i32
      %dma_wait3A_379 = tpu.memref_slice %arg2[%dma_wait3A_377, %dma_wait3A_378] : memref<40000x128xf32, #tpu.memory_space<hbm>> -> memref<40000x128xf32, #tpu.memory_space<hbm>>
      tpu.wait_indirect_dma semaphore(%arg16 : memref<!tpu.dma_semaphore, #tpu.memory_space<semaphore_mem>>) src(%dma_wait3A_379 : memref<40000x128xf32, #tpu.memory_space<hbm>>) dst(%arg12 : memref<128x128xf32, #tpu.memory_space<vmem>>)
      %add3A_380 = arith.constant 3 : i32
      %add3A_381 = arith.addi %add3A_376, %add3A_380 : i32
      %mul3A_382 = arith.constant 128 : i32
      %mul3A_383 = arith.muli %add3A_381, %mul3A_382 : i32
      %add3A_384 = arith.addi %mul3A_12, %mul3A_383 : i32
      %dma_start3A_385 = tpu.memref_slice %arg3[%add3A_384] : memref<656384xi32, #tpu.memory_space<hbm>> -> memref<128xi32, #tpu.memory_space<hbm>>
      %dma_start3A_386 = tpu.memref_slice %arg3[%add3A_384] : memref<656384xi32, #tpu.memory_space<hbm>> -> memref<128xi32, #tpu.memory_space<hbm>>
      tpu.enqueue_dma source(%dma_start3A_386 : memref<128xi32, #tpu.memory_space<hbm>>) target(%arg6 : memref<128xi32, #tpu.memory_space<vmem>>) target_semaphore(%arg22 : memref<!tpu.dma_semaphore, #tpu.memory_space<semaphore_mem>>)
      %dma_wait3A_387 = arith.constant 0 : i32
      %dma_wait3A_388 = tpu.memref_slice %arg4[%dma_wait3A_387] : memref<164864xi32, #tpu.memory_space<hbm>> -> memref<128xi32, #tpu.memory_space<hbm>>
      %dma_wait3A_389 = arith.constant 0 : i32
      %dma_wait3A_390 = tpu.memref_slice %arg4[%dma_wait3A_389] : memref<164864xi32, #tpu.memory_space<hbm>> -> memref<128xi32, #tpu.memory_space<hbm>>
      tpu.wait_dma2 semaphore(%arg25 : memref<!tpu.dma_semaphore, #tpu.memory_space<semaphore_mem>>) src(%dma_wait3A_390 : memref<128xi32, #tpu.memory_space<hbm>>) dst(%arg9 : memref<128xi32, #tpu.memory_space<vmem>>)
      %dma_start3A_391 = arith.constant 0 : i32
      %dma_start3A_392 = arith.constant 0 : i32
      %dma_start3A_393 = tpu.memref_slice %arg15[%dma_start3A_391, %dma_start3A_392] : memref<10016x128xf32, #tpu.memory_space<vmem_shared>> -> memref<10016x128xf32, #tpu.memory_space<vmem_shared>>
      tpu.enqueue_indirect_dma source(%arg12 : memref<128x128xf32, #tpu.memory_space<vmem>>) target(%dma_start3A_393 : memref<10016x128xf32, #tpu.memory_space<vmem_shared>>) offsets(%arg9 : memref<128xi32, #tpu.memory_space<vmem>>) semaphore(%arg19 : memref<!tpu.dma_semaphore, #tpu.memory_space<semaphore_mem>>) {add = true}
      %dma_wait3A_394 = arith.constant 0 : i32
      %dma_wait3A_395 = arith.constant 0 : i32
      %dma_wait3A_396 = tpu.memref_slice %arg15[%dma_wait3A_394, %dma_wait3A_395] : memref<10016x128xf32, #tpu.memory_space<vmem_shared>> -> memref<10016x128xf32, #tpu.memory_space<vmem_shared>>
      tpu.wait_indirect_dma semaphore(%arg21 : memref<!tpu.dma_semaphore, #tpu.memory_space<semaphore_mem>>) src(%arg14 : memref<128x128xf32, #tpu.memory_space<vmem>>) dst(%dma_wait3A_396 : memref<10016x128xf32, #tpu.memory_space<vmem_shared>>)
      %add3A_397 = arith.constant 2 : i32
      %add3A_398 = arith.addi %add3A_376, %add3A_397 : i32
      %mul3A_399 = arith.constant 128 : i32
      %mul3A_400 = arith.muli %add3A_398, %mul3A_399 : i32
      %add3A_401 = arith.addi %mul3A_2, %mul3A_400 : i32
      %dma_start3A_402 = tpu.memref_slice %arg4[%add3A_401] : memref<164864xi32, #tpu.memory_space<hbm>> -> memref<128xi32, #tpu.memory_space<hbm>>
      %dma_start3A_403 = tpu.memref_slice %arg4[%add3A_401] : memref<164864xi32, #tpu.memory_space<hbm>> -> memref<128xi32, #tpu.memory_space<hbm>>
      tpu.enqueue_dma source(%dma_start3A_403 : memref<128xi32, #tpu.memory_space<hbm>>) target(%arg11 : memref<128xi32, #tpu.memory_space<vmem>>) target_semaphore(%arg27 : memref<!tpu.dma_semaphore, #tpu.memory_space<semaphore_mem>>)
      %dma_wait3A_404 = arith.constant 0 : i32
      %dma_wait3A_405 = tpu.memref_slice %arg3[%dma_wait3A_404] : memref<656384xi32, #tpu.memory_space<hbm>> -> memref<128xi32, #tpu.memory_space<hbm>>
      %dma_wait3A_406 = arith.constant 0 : i32
      %dma_wait3A_407 = tpu.memref_slice %arg3[%dma_wait3A_406] : memref<656384xi32, #tpu.memory_space<hbm>> -> memref<128xi32, #tpu.memory_space<hbm>>
      tpu.wait_dma2 semaphore(%arg24 : memref<!tpu.dma_semaphore, #tpu.memory_space<semaphore_mem>>) src(%dma_wait3A_407 : memref<128xi32, #tpu.memory_space<hbm>>) dst(%arg8 : memref<128xi32, #tpu.memory_space<vmem>>)
      %dma_start3A_408 = arith.constant 0 : i32
      %dma_start3A_409 = arith.constant 0 : i32
      %dma_start3A_410 = tpu.memref_slice %arg2[%dma_start3A_408, %dma_start3A_409] : memref<40000x128xf32, #tpu.memory_space<hbm>> -> memref<40000x128xf32, #tpu.memory_space<hbm>>
      tpu.enqueue_indirect_dma source(%dma_start3A_410 : memref<40000x128xf32, #tpu.memory_space<hbm>>) target(%arg14 : memref<128x128xf32, #tpu.memory_space<vmem>>) offsets(%arg8 : memref<128xi32, #tpu.memory_space<vmem>>) semaphore(%arg18 : memref<!tpu.dma_semaphore, #tpu.memory_space<semaphore_mem>>)
    }
    %scan3A_81 = arith.constant 26 : i32
    %dma_wait3A_82 = arith.constant 0 : i32
    %dma_wait3A_83 = arith.constant 0 : i32
    %dma_wait3A_84 = tpu.memref_slice %arg2[%dma_wait3A_82, %dma_wait3A_83] : memref<40000x128xf32, #tpu.memory_space<hbm>> -> memref<40000x128xf32, #tpu.memory_space<hbm>>
    tpu.wait_indirect_dma semaphore(%arg17 : memref<!tpu.dma_semaphore, #tpu.memory_space<semaphore_mem>>) src(%dma_wait3A_84 : memref<40000x128xf32, #tpu.memory_space<hbm>>) dst(%arg13 : memref<128x128xf32, #tpu.memory_space<vmem>>)
    %add3A_85 = arith.constant 10496 : i32
    %add3A_86 = arith.addi %mul3A_12, %add3A_85 : i32
    %dma_start3A_87 = tpu.memref_slice %arg3[%add3A_86] : memref<656384xi32, #tpu.memory_space<hbm>> -> memref<128xi32, #tpu.memory_space<hbm>>
    %dma_start3A_88 = tpu.memref_slice %arg3[%add3A_86] : memref<656384xi32, #tpu.memory_space<hbm>> -> memref<128xi32, #tpu.memory_space<hbm>>
    tpu.enqueue_dma source(%dma_start3A_88 : memref<128xi32, #tpu.memory_space<hbm>>) target(%arg7 : memref<128xi32, #tpu.memory_space<vmem>>) target_semaphore(%arg23 : memref<!tpu.dma_semaphore, #tpu.memory_space<semaphore_mem>>)
    %dma_wait3A_89 = arith.constant 0 : i32
    %dma_wait3A_90 = tpu.memref_slice %arg4[%dma_wait3A_89] : memref<164864xi32, #tpu.memory_space<hbm>> -> memref<128xi32, #tpu.memory_space<hbm>>
    %dma_wait3A_91 = arith.constant 0 : i32
    %dma_wait3A_92 = tpu.memref_slice %arg4[%dma_wait3A_91] : memref<164864xi32, #tpu.memory_space<hbm>> -> memref<128xi32, #tpu.memory_space<hbm>>
    tpu.wait_dma2 semaphore(%arg26 : memref<!tpu.dma_semaphore, #tpu.memory_space<semaphore_mem>>) src(%dma_wait3A_92 : memref<128xi32, #tpu.memory_space<hbm>>) dst(%arg10 : memref<128xi32, #tpu.memory_space<vmem>>)
    %dma_start3A_93 = arith.constant 0 : i32
    %dma_start3A_94 = arith.constant 0 : i32
    %dma_start3A_95 = tpu.memref_slice %arg15[%dma_start3A_93, %dma_start3A_94] : memref<10016x128xf32, #tpu.memory_space<vmem_shared>> -> memref<10016x128xf32, #tpu.memory_space<vmem_shared>>
    tpu.enqueue_indirect_dma source(%arg13 : memref<128x128xf32, #tpu.memory_space<vmem>>) target(%dma_start3A_95 : memref<10016x128xf32, #tpu.memory_space<vmem_shared>>) offsets(%arg10 : memref<128xi32, #tpu.memory_space<vmem>>) semaphore(%arg20 : memref<!tpu.dma_semaphore, #tpu.memory_space<semaphore_mem>>) {add = true}
    %dma_wait3A_96 = arith.constant 0 : i32
    %dma_wait3A_97 = arith.constant 0 : i32
    %dma_wait3A_98 = tpu.memref_slice %arg15[%dma_wait3A_96, %dma_wait3A_97] : memref<10016x128xf32, #tpu.memory_space<vmem_shared>> -> memref<10016x128xf32, #tpu.memory_space<vmem_shared>>
    tpu.wait_indirect_dma semaphore(%arg19 : memref<!tpu.dma_semaphore, #tpu.memory_space<semaphore_mem>>) src(%arg12 : memref<128x128xf32, #tpu.memory_space<vmem>>) dst(%dma_wait3A_98 : memref<10016x128xf32, #tpu.memory_space<vmem_shared>>)
    %add3A_99 = arith.constant 10368 : i32
    %add3A_100 = arith.addi %mul3A_2, %add3A_99 : i32
    %dma_start3A_101 = tpu.memref_slice %arg4[%add3A_100] : memref<164864xi32, #tpu.memory_space<hbm>> -> memref<128xi32, #tpu.memory_space<hbm>>
    %dma_start3A_102 = tpu.memref_slice %arg4[%add3A_100] : memref<164864xi32, #tpu.memory_space<hbm>> -> memref<128xi32, #tpu.memory_space<hbm>>
    tpu.enqueue_dma source(%dma_start3A_102 : memref<128xi32, #tpu.memory_space<hbm>>) target(%arg9 : memref<128xi32, #tpu.memory_space<vmem>>) target_semaphore(%arg25 : memref<!tpu.dma_semaphore, #tpu.memory_space<semaphore_mem>>)
    %dma_wait3A_103 = arith.constant 0 : i32
    %dma_wait3A_104 = tpu.memref_slice %arg3[%dma_wait3A_103] : memref<656384xi32, #tpu.memory_space<hbm>> -> memref<128xi32, #tpu.memory_space<hbm>>
    %dma_wait3A_105 = arith.constant 0 : i32
    %dma_wait3A_106 = tpu.memref_slice %arg3[%dma_wait3A_105] : memref<656384xi32, #tpu.memory_space<hbm>> -> memref<128xi32, #tpu.memory_space<hbm>>
    tpu.wait_dma2 semaphore(%arg22 : memref<!tpu.dma_semaphore, #tpu.memory_space<semaphore_mem>>) src(%dma_wait3A_106 : memref<128xi32, #tpu.memory_space<hbm>>) dst(%arg6 : memref<128xi32, #tpu.memory_space<vmem>>)
    %dma_start3A_107 = arith.constant 0 : i32
    %dma_start3A_108 = arith.constant 0 : i32
    %dma_start3A_109 = tpu.memref_slice %arg2[%dma_start3A_107, %dma_start3A_108] : memref<40000x128xf32, #tpu.memory_space<hbm>> -> memref<40000x128xf32, #tpu.memory_space<hbm>>
    tpu.enqueue_indirect_dma source(%dma_start3A_109 : memref<40000x128xf32, #tpu.memory_space<hbm>>) target(%arg12 : memref<128x128xf32, #tpu.memory_space<vmem>>) offsets(%arg6 : memref<128xi32, #tpu.memory_space<vmem>>) semaphore(%arg16 : memref<!tpu.dma_semaphore, #tpu.memory_space<semaphore_mem>>)
    %dma_wait3A_110 = arith.constant 0 : i32
    %dma_wait3A_111 = arith.constant 0 : i32
    %dma_wait3A_112 = tpu.memref_slice %arg2[%dma_wait3A_110, %dma_wait3A_111] : memref<40000x128xf32, #tpu.memory_space<hbm>> -> memref<40000x128xf32, #tpu.memory_space<hbm>>
    tpu.wait_indirect_dma semaphore(%arg18 : memref<!tpu.dma_semaphore, #tpu.memory_space<semaphore_mem>>) src(%dma_wait3A_112 : memref<40000x128xf32, #tpu.memory_space<hbm>>) dst(%arg14 : memref<128x128xf32, #tpu.memory_space<vmem>>)
    %dma_wait3A_113 = arith.constant 0 : i32
    %dma_wait3A_114 = arith.constant 0 : i32
    %dma_wait3A_115 = tpu.memref_slice %arg2[%dma_wait3A_113, %dma_wait3A_114] : memref<40000x128xf32, #tpu.memory_space<hbm>> -> memref<40000x128xf32, #tpu.memory_space<hbm>>
    tpu.wait_indirect_dma semaphore(%arg16 : memref<!tpu.dma_semaphore, #tpu.memory_space<semaphore_mem>>) src(%dma_wait3A_115 : memref<40000x128xf32, #tpu.memory_space<hbm>>) dst(%arg12 : memref<128x128xf32, #tpu.memory_space<vmem>>)
    %dma_wait3A_116 = arith.constant 0 : i32
    %dma_wait3A_117 = arith.constant 0 : i32
    %dma_wait3A_118 = tpu.memref_slice %arg15[%dma_wait3A_116, %dma_wait3A_117] : memref<10016x128xf32, #tpu.memory_space<vmem_shared>> -> memref<10016x128xf32, #tpu.memory_space<vmem_shared>>
    tpu.wait_indirect_dma semaphore(%arg20 : memref<!tpu.dma_semaphore, #tpu.memory_space<semaphore_mem>>) src(%arg13 : memref<128x128xf32, #tpu.memory_space<vmem>>) dst(%dma_wait3A_118 : memref<10016x128xf32, #tpu.memory_space<vmem_shared>>)
    %dma_wait3A_119 = arith.constant 0 : i32
    %dma_wait3A_120 = tpu.memref_slice %arg3[%dma_wait3A_119] : memref<656384xi32, #tpu.memory_space<hbm>> -> memref<128xi32, #tpu.memory_space<hbm>>
    %dma_wait3A_121 = arith.constant 0 : i32
    %dma_wait3A_122 = tpu.memref_slice %arg3[%dma_wait3A_121] : memref<656384xi32, #tpu.memory_space<hbm>> -> memref<128xi32, #tpu.memory_space<hbm>>
    tpu.wait_dma2 semaphore(%arg23 : memref<!tpu.dma_semaphore, #tpu.memory_space<semaphore_mem>>) src(%dma_wait3A_122 : memref<128xi32, #tpu.memory_space<hbm>>) dst(%arg7 : memref<128xi32, #tpu.memory_space<vmem>>)
    %dma_wait3A_123 = arith.constant 0 : i32
    %dma_wait3A_124 = tpu.memref_slice %arg4[%dma_wait3A_123] : memref<164864xi32, #tpu.memory_space<hbm>> -> memref<128xi32, #tpu.memory_space<hbm>>
    %dma_wait3A_125 = arith.constant 0 : i32
    %dma_wait3A_126 = tpu.memref_slice %arg4[%dma_wait3A_125] : memref<164864xi32, #tpu.memory_space<hbm>> -> memref<128xi32, #tpu.memory_space<hbm>>
    tpu.wait_dma2 semaphore(%arg27 : memref<!tpu.dma_semaphore, #tpu.memory_space<semaphore_mem>>) src(%dma_wait3A_126 : memref<128xi32, #tpu.memory_space<hbm>>) dst(%arg11 : memref<128xi32, #tpu.memory_space<vmem>>)
    %dma_wait3A_127 = arith.constant 0 : i32
    %dma_wait3A_128 = tpu.memref_slice %arg4[%dma_wait3A_127] : memref<164864xi32, #tpu.memory_space<hbm>> -> memref<128xi32, #tpu.memory_space<hbm>>
    %dma_wait3A_129 = arith.constant 0 : i32
    %dma_wait3A_130 = tpu.memref_slice %arg4[%dma_wait3A_129] : memref<164864xi32, #tpu.memory_space<hbm>> -> memref<128xi32, #tpu.memory_space<hbm>>
    tpu.wait_dma2 semaphore(%arg25 : memref<!tpu.dma_semaphore, #tpu.memory_space<semaphore_mem>>) src(%dma_wait3A_130 : memref<128xi32, #tpu.memory_space<hbm>>) dst(%arg9 : memref<128xi32, #tpu.memory_space<vmem>>)
    %barrier3A_131 = arith.constant 0 : index
    tpu.barrier barrier_id(%barrier3A_131)
    %mul3A_132 = arith.constant 624 : i32
    %mul3A_133 = arith.muli %arg1, %mul3A_132 : i32
    %mul3A_134 = arith.constant 624 : i32
    %mul3A_135 = arith.muli %arg1, %mul3A_134 : i32
    %add3A_136 = arith.addi %mul3A_7, %mul3A_135 : i32
    "tpu.region"() ({
      %run_scoped3A = tpu.sem_alloc : memref<!tpu.dma_semaphore, #tpu.memory_space<semaphore_mem>>
      %dma_start3A_290 = arith.constant 0 : i32
      %dma_start3A_291 = tpu.memref_slice %arg5[%add3A_136, %dma_start3A_290] : memref<40000x128xf32, #tpu.memory_space<hbm>> -> memref<624x128xf32, #tpu.memory_space<hbm>>
      %dma_start3A_292 = arith.constant 0 : i32
      %dma_start3A_293 = tpu.memref_slice %arg15[%mul3A_133, %dma_start3A_292] : memref<10016x128xf32, #tpu.memory_space<vmem_shared>> -> memref<624x128xf32, #tpu.memory_space<vmem_shared>>
      tpu.enqueue_dma source(%dma_start3A_293 : memref<624x128xf32, #tpu.memory_space<vmem_shared>>) target(%dma_start3A_291 : memref<624x128xf32, #tpu.memory_space<hbm>>) target_semaphore(%run_scoped3A : memref<!tpu.dma_semaphore, #tpu.memory_space<semaphore_mem>>)
      %dma_wait3A_294 = arith.constant 0 : i32
      %dma_wait3A_295 = tpu.memref_slice %arg5[%add3A_136, %dma_wait3A_294] : memref<40000x128xf32, #tpu.memory_space<hbm>> -> memref<624x128xf32, #tpu.memory_space<hbm>>
      %dma_wait3A_296 = arith.constant 0 : i32
      %dma_wait3A_297 = tpu.memref_slice %arg15[%mul3A_133, %dma_wait3A_296] : memref<10016x128xf32, #tpu.memory_space<vmem_shared>> -> memref<624x128xf32, #tpu.memory_space<vmem_shared>>
      tpu.wait_dma2 semaphore(%run_scoped3A : memref<!tpu.dma_semaphore, #tpu.memory_space<semaphore_mem>>) src(%dma_wait3A_297 : memref<624x128xf32, #tpu.memory_space<vmem_shared>>) dst(%dma_wait3A_295 : memref<624x128xf32, #tpu.memory_space<hbm>>)
      tpu.yield
    }) : () -> ()
    %eq3A_137 = arith.constant 15 : i32
    %eq3A_138 = arith.cmpi eq, %arg1, %eq3A_137 : i32
    %convert_element_type3A_139 = arith.extui %eq3A_138 : i1 to i32
    %cond3A_140 = arith.constant 0 : i32
    %cond3A_141 = arith.cmpi ne, %convert_element_type3A_139, %cond3A_140 : i32
    scf.if %cond3A_141 {
      %add3A_290 = arith.constant 9984 : i32
      %add3A_291 = arith.addi %mul3A_7, %add3A_290 : i32
      "tpu.region"() ({
        %run_scoped3A = tpu.sem_alloc : memref<!tpu.dma_semaphore, #tpu.memory_space<semaphore_mem>>
        %dma_start3A_292 = arith.constant 0 : i32
        %dma_start3A_293 = tpu.memref_slice %arg5[%add3A_291, %dma_start3A_292] : memref<40000x128xf32, #tpu.memory_space<hbm>> -> memref<16x128xf32, #tpu.memory_space<hbm>>
        %dma_start3A_294 = arith.constant 9984 : i32
        %dma_start3A_295 = arith.constant 0 : i32
        %dma_start3A_296 = tpu.memref_slice %arg15[%dma_start3A_294, %dma_start3A_295] : memref<10016x128xf32, #tpu.memory_space<vmem_shared>> -> memref<16x128xf32, #tpu.memory_space<vmem_shared>>
        tpu.enqueue_dma source(%dma_start3A_296 : memref<16x128xf32, #tpu.memory_space<vmem_shared>>) target(%dma_start3A_293 : memref<16x128xf32, #tpu.memory_space<hbm>>) target_semaphore(%run_scoped3A : memref<!tpu.dma_semaphore, #tpu.memory_space<semaphore_mem>>)
        %dma_wait3A_297 = arith.constant 0 : i32
        %dma_wait3A_298 = tpu.memref_slice %arg5[%add3A_291, %dma_wait3A_297] : memref<40000x128xf32, #tpu.memory_space<hbm>> -> memref<16x128xf32, #tpu.memory_space<hbm>>
        %dma_wait3A_299 = arith.constant 9984 : i32
        %dma_wait3A_300 = arith.constant 0 : i32
        %dma_wait3A_301 = tpu.memref_slice %arg15[%dma_wait3A_299, %dma_wait3A_300] : memref<10016x128xf32, #tpu.memory_space<vmem_shared>> -> memref<16x128xf32, #tpu.memory_space<vmem_shared>>
        tpu.wait_dma2 semaphore(%run_scoped3A : memref<!tpu.dma_semaphore, #tpu.memory_space<semaphore_mem>>) src(%dma_wait3A_301 : memref<16x128xf32, #tpu.memory_space<vmem_shared>>) dst(%dma_wait3A_298 : memref<16x128xf32, #tpu.memory_space<hbm>>)
        tpu.yield
      }) : () -> ()
    } else {
    }
    %barrier3A_142 = arith.constant 0 : index
    tpu.barrier barrier_id(%barrier3A_142)
    %mul3A_143 = arith.constant 2 : i32
    %mul3A_144 = arith.muli %arg0, %mul3A_143 : i32
    %add3A_145 = arith.constant 1 : i32
    %add3A_146 = arith.addi %mul3A_144, %add3A_145 : i32
    %mul3A_147 = arith.constant 10000 : i32
    %mul3A_148 = arith.muli %add3A_146, %mul3A_147 : i32
    %mul3A_149 = arith.constant 1280 : i32
    %mul3A_150 = arith.muli %add3A_146, %mul3A_149 : i32
    %add3A_151 = arith.addi %mul3A_150, %mul3A_0 : i32
    %mul3A_152 = arith.constant 128 : i32
    %mul3A_153 = arith.muli %add3A_151, %mul3A_152 : i32
    %mul3A_154 = arith.constant 624 : i32
    %mul3A_155 = arith.muli %arg1, %mul3A_154 : i32
    %add3A_156 = arith.addi %mul3A_148, %mul3A_155 : i32
    %mul3A_157 = arith.constant 624 : i32
    %mul3A_158 = arith.muli %arg1, %mul3A_157 : i32
    "tpu.region"() ({
      %run_scoped3A = tpu.sem_alloc : memref<!tpu.dma_semaphore, #tpu.memory_space<semaphore_mem>>
      %dma_start3A_290 = arith.constant 0 : i32
      %dma_start3A_291 = tpu.memref_slice %arg15[%mul3A_158, %dma_start3A_290] : memref<10016x128xf32, #tpu.memory_space<vmem_shared>> -> memref<624x128xf32, #tpu.memory_space<vmem_shared>>
      %dma_start3A_292 = arith.constant 0 : i32
      %dma_start3A_293 = tpu.memref_slice %arg2[%add3A_156, %dma_start3A_292] : memref<40000x128xf32, #tpu.memory_space<hbm>> -> memref<624x128xf32, #tpu.memory_space<hbm>>
      tpu.enqueue_dma source(%dma_start3A_293 : memref<624x128xf32, #tpu.memory_space<hbm>>) target(%dma_start3A_291 : memref<624x128xf32, #tpu.memory_space<vmem_shared>>) target_semaphore(%run_scoped3A : memref<!tpu.dma_semaphore, #tpu.memory_space<semaphore_mem>>)
      %dma_wait3A_294 = arith.constant 0 : i32
      %dma_wait3A_295 = tpu.memref_slice %arg15[%mul3A_158, %dma_wait3A_294] : memref<10016x128xf32, #tpu.memory_space<vmem_shared>> -> memref<624x128xf32, #tpu.memory_space<vmem_shared>>
      %dma_wait3A_296 = arith.constant 0 : i32
      %dma_wait3A_297 = tpu.memref_slice %arg2[%add3A_156, %dma_wait3A_296] : memref<40000x128xf32, #tpu.memory_space<hbm>> -> memref<624x128xf32, #tpu.memory_space<hbm>>
      tpu.wait_dma2 semaphore(%run_scoped3A : memref<!tpu.dma_semaphore, #tpu.memory_space<semaphore_mem>>) src(%dma_wait3A_297 : memref<624x128xf32, #tpu.memory_space<hbm>>) dst(%dma_wait3A_295 : memref<624x128xf32, #tpu.memory_space<vmem_shared>>)
      tpu.yield
    }) : () -> ()
    %eq3A_159 = arith.constant 15 : i32
    %eq3A_160 = arith.cmpi eq, %arg1, %eq3A_159 : i32
    %convert_element_type3A_161 = arith.extui %eq3A_160 : i1 to i32
    %cond3A_162 = arith.constant 0 : i32
    %cond3A_163 = arith.cmpi ne, %convert_element_type3A_161, %cond3A_162 : i32
    scf.if %cond3A_163 {
      %add3A_290 = arith.constant 9984 : i32
      %add3A_291 = arith.addi %mul3A_148, %add3A_290 : i32
      "tpu.region"() ({
        %run_scoped3A = tpu.sem_alloc : memref<!tpu.dma_semaphore, #tpu.memory_space<semaphore_mem>>
        %dma_start3A_292 = arith.constant 9984 : i32
        %dma_start3A_293 = arith.constant 0 : i32
        %dma_start3A_294 = tpu.memref_slice %arg15[%dma_start3A_292, %dma_start3A_293] : memref<10016x128xf32, #tpu.memory_space<vmem_shared>> -> memref<16x128xf32, #tpu.memory_space<vmem_shared>>
        %dma_start3A_295 = arith.constant 0 : i32
        %dma_start3A_296 = tpu.memref_slice %arg2[%add3A_291, %dma_start3A_295] : memref<40000x128xf32, #tpu.memory_space<hbm>> -> memref<16x128xf32, #tpu.memory_space<hbm>>
        tpu.enqueue_dma source(%dma_start3A_296 : memref<16x128xf32, #tpu.memory_space<hbm>>) target(%dma_start3A_294 : memref<16x128xf32, #tpu.memory_space<vmem_shared>>) target_semaphore(%run_scoped3A : memref<!tpu.dma_semaphore, #tpu.memory_space<semaphore_mem>>)
        %dma_wait3A_297 = arith.constant 9984 : i32
        %dma_wait3A_298 = arith.constant 0 : i32
        %dma_wait3A_299 = tpu.memref_slice %arg15[%dma_wait3A_297, %dma_wait3A_298] : memref<10016x128xf32, #tpu.memory_space<vmem_shared>> -> memref<16x128xf32, #tpu.memory_space<vmem_shared>>
        %dma_wait3A_300 = arith.constant 0 : i32
        %dma_wait3A_301 = tpu.memref_slice %arg2[%add3A_291, %dma_wait3A_300] : memref<40000x128xf32, #tpu.memory_space<hbm>> -> memref<16x128xf32, #tpu.memory_space<hbm>>
        tpu.wait_dma2 semaphore(%run_scoped3A : memref<!tpu.dma_semaphore, #tpu.memory_space<semaphore_mem>>) src(%dma_wait3A_301 : memref<16x128xf32, #tpu.memory_space<hbm>>) dst(%dma_wait3A_299 : memref<16x128xf32, #tpu.memory_space<vmem_shared>>)
        tpu.yield
      }) : () -> ()
    } else {
    }
    %add3A_164 = arith.constant 0 : i32
    %add3A_165 = arith.addi %mul3A_153, %add3A_164 : i32
    %dma_start3A_166 = tpu.memref_slice %arg3[%add3A_165] : memref<656384xi32, #tpu.memory_space<hbm>> -> memref<128xi32, #tpu.memory_space<hbm>>
    %dma_start3A_167 = tpu.memref_slice %arg3[%add3A_165] : memref<656384xi32, #tpu.memory_space<hbm>> -> memref<128xi32, #tpu.memory_space<hbm>>
    tpu.enqueue_dma source(%dma_start3A_167 : memref<128xi32, #tpu.memory_space<hbm>>) target(%arg6 : memref<128xi32, #tpu.memory_space<vmem>>) target_semaphore(%arg22 : memref<!tpu.dma_semaphore, #tpu.memory_space<semaphore_mem>>)
    %add3A_168 = arith.constant 0 : i32
    %add3A_169 = arith.addi %mul3A_2, %add3A_168 : i32
    %dma_start3A_170 = tpu.memref_slice %arg4[%add3A_169] : memref<164864xi32, #tpu.memory_space<hbm>> -> memref<128xi32, #tpu.memory_space<hbm>>
    %dma_start3A_171 = tpu.memref_slice %arg4[%add3A_169] : memref<164864xi32, #tpu.memory_space<hbm>> -> memref<128xi32, #tpu.memory_space<hbm>>
    tpu.enqueue_dma source(%dma_start3A_171 : memref<128xi32, #tpu.memory_space<hbm>>) target(%arg9 : memref<128xi32, #tpu.memory_space<vmem>>) target_semaphore(%arg25 : memref<!tpu.dma_semaphore, #tpu.memory_space<semaphore_mem>>)
    %add3A_172 = arith.constant 128 : i32
    %add3A_173 = arith.addi %mul3A_153, %add3A_172 : i32
    %dma_start3A_174 = tpu.memref_slice %arg3[%add3A_173] : memref<656384xi32, #tpu.memory_space<hbm>> -> memref<128xi32, #tpu.memory_space<hbm>>
    %dma_start3A_175 = tpu.memref_slice %arg3[%add3A_173] : memref<656384xi32, #tpu.memory_space<hbm>> -> memref<128xi32, #tpu.memory_space<hbm>>
    tpu.enqueue_dma source(%dma_start3A_175 : memref<128xi32, #tpu.memory_space<hbm>>) target(%arg7 : memref<128xi32, #tpu.memory_space<vmem>>) target_semaphore(%arg23 : memref<!tpu.dma_semaphore, #tpu.memory_space<semaphore_mem>>)
    %add3A_176 = arith.constant 128 : i32
    %add3A_177 = arith.addi %mul3A_2, %add3A_176 : i32
    %dma_start3A_178 = tpu.memref_slice %arg4[%add3A_177] : memref<164864xi32, #tpu.memory_space<hbm>> -> memref<128xi32, #tpu.memory_space<hbm>>
    %dma_start3A_179 = tpu.memref_slice %arg4[%add3A_177] : memref<164864xi32, #tpu.memory_space<hbm>> -> memref<128xi32, #tpu.memory_space<hbm>>
    tpu.enqueue_dma source(%dma_start3A_179 : memref<128xi32, #tpu.memory_space<hbm>>) target(%arg10 : memref<128xi32, #tpu.memory_space<vmem>>) target_semaphore(%arg26 : memref<!tpu.dma_semaphore, #tpu.memory_space<semaphore_mem>>)
    %add3A_180 = arith.constant 256 : i32
    %add3A_181 = arith.addi %mul3A_153, %add3A_180 : i32
    %dma_start3A_182 = tpu.memref_slice %arg3[%add3A_181] : memref<656384xi32, #tpu.memory_space<hbm>> -> memref<128xi32, #tpu.memory_space<hbm>>
    %dma_start3A_183 = tpu.memref_slice %arg3[%add3A_181] : memref<656384xi32, #tpu.memory_space<hbm>> -> memref<128xi32, #tpu.memory_space<hbm>>
    tpu.enqueue_dma source(%dma_start3A_183 : memref<128xi32, #tpu.memory_space<hbm>>) target(%arg8 : memref<128xi32, #tpu.memory_space<vmem>>) target_semaphore(%arg24 : memref<!tpu.dma_semaphore, #tpu.memory_space<semaphore_mem>>)
    %dma_wait3A_184 = arith.constant 0 : i32
    %dma_wait3A_185 = tpu.memref_slice %arg3[%dma_wait3A_184] : memref<656384xi32, #tpu.memory_space<hbm>> -> memref<128xi32, #tpu.memory_space<hbm>>
    %dma_wait3A_186 = arith.constant 0 : i32
    %dma_wait3A_187 = tpu.memref_slice %arg3[%dma_wait3A_186] : memref<656384xi32, #tpu.memory_space<hbm>> -> memref<128xi32, #tpu.memory_space<hbm>>
    tpu.wait_dma2 semaphore(%arg22 : memref<!tpu.dma_semaphore, #tpu.memory_space<semaphore_mem>>) src(%dma_wait3A_187 : memref<128xi32, #tpu.memory_space<hbm>>) dst(%arg6 : memref<128xi32, #tpu.memory_space<vmem>>)
    %dma_start3A_188 = arith.constant 0 : i32
    %dma_start3A_189 = arith.constant 0 : i32
    %dma_start3A_190 = tpu.memref_slice %arg2[%dma_start3A_188, %dma_start3A_189] : memref<40000x128xf32, #tpu.memory_space<hbm>> -> memref<40000x128xf32, #tpu.memory_space<hbm>>
    tpu.enqueue_indirect_dma source(%dma_start3A_190 : memref<40000x128xf32, #tpu.memory_space<hbm>>) target(%arg12 : memref<128x128xf32, #tpu.memory_space<vmem>>) offsets(%arg6 : memref<128xi32, #tpu.memory_space<vmem>>) semaphore(%arg16 : memref<!tpu.dma_semaphore, #tpu.memory_space<semaphore_mem>>)
    %dma_wait3A_191 = arith.constant 0 : i32
    %dma_wait3A_192 = tpu.memref_slice %arg3[%dma_wait3A_191] : memref<656384xi32, #tpu.memory_space<hbm>> -> memref<128xi32, #tpu.memory_space<hbm>>
    %dma_wait3A_193 = arith.constant 0 : i32
    %dma_wait3A_194 = tpu.memref_slice %arg3[%dma_wait3A_193] : memref<656384xi32, #tpu.memory_space<hbm>> -> memref<128xi32, #tpu.memory_space<hbm>>
    tpu.wait_dma2 semaphore(%arg23 : memref<!tpu.dma_semaphore, #tpu.memory_space<semaphore_mem>>) src(%dma_wait3A_194 : memref<128xi32, #tpu.memory_space<hbm>>) dst(%arg7 : memref<128xi32, #tpu.memory_space<vmem>>)
    %dma_start3A_195 = arith.constant 0 : i32
    %dma_start3A_196 = arith.constant 0 : i32
    %dma_start3A_197 = tpu.memref_slice %arg2[%dma_start3A_195, %dma_start3A_196] : memref<40000x128xf32, #tpu.memory_space<hbm>> -> memref<40000x128xf32, #tpu.memory_space<hbm>>
    tpu.enqueue_indirect_dma source(%dma_start3A_197 : memref<40000x128xf32, #tpu.memory_space<hbm>>) target(%arg13 : memref<128x128xf32, #tpu.memory_space<vmem>>) offsets(%arg7 : memref<128xi32, #tpu.memory_space<vmem>>) semaphore(%arg17 : memref<!tpu.dma_semaphore, #tpu.memory_space<semaphore_mem>>)
    %barrier3A_198 = arith.constant 0 : index
    tpu.barrier barrier_id(%barrier3A_198)
    %dma_wait3A_199 = arith.constant 0 : i32
    %dma_wait3A_200 = arith.constant 0 : i32
    %dma_wait3A_201 = tpu.memref_slice %arg2[%dma_wait3A_199, %dma_wait3A_200] : memref<40000x128xf32, #tpu.memory_space<hbm>> -> memref<40000x128xf32, #tpu.memory_space<hbm>>
    tpu.wait_indirect_dma semaphore(%arg16 : memref<!tpu.dma_semaphore, #tpu.memory_space<semaphore_mem>>) src(%dma_wait3A_201 : memref<40000x128xf32, #tpu.memory_space<hbm>>) dst(%arg12 : memref<128x128xf32, #tpu.memory_space<vmem>>)
    %add3A_202 = arith.constant 384 : i32
    %add3A_203 = arith.addi %mul3A_153, %add3A_202 : i32
    %dma_start3A_204 = tpu.memref_slice %arg3[%add3A_203] : memref<656384xi32, #tpu.memory_space<hbm>> -> memref<128xi32, #tpu.memory_space<hbm>>
    %dma_start3A_205 = tpu.memref_slice %arg3[%add3A_203] : memref<656384xi32, #tpu.memory_space<hbm>> -> memref<128xi32, #tpu.memory_space<hbm>>
    tpu.enqueue_dma source(%dma_start3A_205 : memref<128xi32, #tpu.memory_space<hbm>>) target(%arg6 : memref<128xi32, #tpu.memory_space<vmem>>) target_semaphore(%arg22 : memref<!tpu.dma_semaphore, #tpu.memory_space<semaphore_mem>>)
    %dma_wait3A_206 = arith.constant 0 : i32
    %dma_wait3A_207 = tpu.memref_slice %arg4[%dma_wait3A_206] : memref<164864xi32, #tpu.memory_space<hbm>> -> memref<128xi32, #tpu.memory_space<hbm>>
    %dma_wait3A_208 = arith.constant 0 : i32
    %dma_wait3A_209 = tpu.memref_slice %arg4[%dma_wait3A_208] : memref<164864xi32, #tpu.memory_space<hbm>> -> memref<128xi32, #tpu.memory_space<hbm>>
    tpu.wait_dma2 semaphore(%arg25 : memref<!tpu.dma_semaphore, #tpu.memory_space<semaphore_mem>>) src(%dma_wait3A_209 : memref<128xi32, #tpu.memory_space<hbm>>) dst(%arg9 : memref<128xi32, #tpu.memory_space<vmem>>)
    %dma_start3A_210 = arith.constant 0 : i32
    %dma_start3A_211 = arith.constant 0 : i32
    %dma_start3A_212 = tpu.memref_slice %arg15[%dma_start3A_210, %dma_start3A_211] : memref<10016x128xf32, #tpu.memory_space<vmem_shared>> -> memref<10016x128xf32, #tpu.memory_space<vmem_shared>>
    tpu.enqueue_indirect_dma source(%arg12 : memref<128x128xf32, #tpu.memory_space<vmem>>) target(%dma_start3A_212 : memref<10016x128xf32, #tpu.memory_space<vmem_shared>>) offsets(%arg9 : memref<128xi32, #tpu.memory_space<vmem>>) semaphore(%arg19 : memref<!tpu.dma_semaphore, #tpu.memory_space<semaphore_mem>>) {add = true}
    %add3A_213 = arith.constant 256 : i32
    %add3A_214 = arith.addi %mul3A_2, %add3A_213 : i32
    %dma_start3A_215 = tpu.memref_slice %arg4[%add3A_214] : memref<164864xi32, #tpu.memory_space<hbm>> -> memref<128xi32, #tpu.memory_space<hbm>>
    %dma_start3A_216 = tpu.memref_slice %arg4[%add3A_214] : memref<164864xi32, #tpu.memory_space<hbm>> -> memref<128xi32, #tpu.memory_space<hbm>>
    tpu.enqueue_dma source(%dma_start3A_216 : memref<128xi32, #tpu.memory_space<hbm>>) target(%arg11 : memref<128xi32, #tpu.memory_space<vmem>>) target_semaphore(%arg27 : memref<!tpu.dma_semaphore, #tpu.memory_space<semaphore_mem>>)
    %dma_wait3A_217 = arith.constant 0 : i32
    %dma_wait3A_218 = tpu.memref_slice %arg3[%dma_wait3A_217] : memref<656384xi32, #tpu.memory_space<hbm>> -> memref<128xi32, #tpu.memory_space<hbm>>
    %dma_wait3A_219 = arith.constant 0 : i32
    %dma_wait3A_220 = tpu.memref_slice %arg3[%dma_wait3A_219] : memref<656384xi32, #tpu.memory_space<hbm>> -> memref<128xi32, #tpu.memory_space<hbm>>
    tpu.wait_dma2 semaphore(%arg24 : memref<!tpu.dma_semaphore, #tpu.memory_space<semaphore_mem>>) src(%dma_wait3A_220 : memref<128xi32, #tpu.memory_space<hbm>>) dst(%arg8 : memref<128xi32, #tpu.memory_space<vmem>>)
    %dma_start3A_221 = arith.constant 0 : i32
    %dma_start3A_222 = arith.constant 0 : i32
    %dma_start3A_223 = tpu.memref_slice %arg2[%dma_start3A_221, %dma_start3A_222] : memref<40000x128xf32, #tpu.memory_space<hbm>> -> memref<40000x128xf32, #tpu.memory_space<hbm>>
    tpu.enqueue_indirect_dma source(%dma_start3A_223 : memref<40000x128xf32, #tpu.memory_space<hbm>>) target(%arg14 : memref<128x128xf32, #tpu.memory_space<vmem>>) offsets(%arg8 : memref<128xi32, #tpu.memory_space<vmem>>) semaphore(%arg18 : memref<!tpu.dma_semaphore, #tpu.memory_space<semaphore_mem>>)
    %scan3A_224 = arith.constant 0 : i32
    %scan3A_225 = arith.constant 0 : i32
    %scan3A_226 = arith.constant 26 : i32
    %scan3A_227 = arith.addi %scan3A_225, %scan3A_226 : i32
    %scan3A_228 = arith.constant 1 : i32
    scf.for %scan3A_290 = %scan3A_225 to %scan3A_227 step %scan3A_228  : i32 {
      %mul3A_291 = arith.constant 3 : i32
      %mul3A_292 = arith.muli %mul3A_291, %scan3A_290 : i32
      %add3A_293 = arith.constant 1 : i32
      %add3A_294 = arith.addi %add3A_293, %mul3A_292 : i32
      %add3A_295 = arith.constant 0 : i32
      %add3A_296 = arith.addi %add3A_294, %add3A_295 : i32
      %dma_wait3A_297 = arith.constant 0 : i32
      %dma_wait3A_298 = arith.constant 0 : i32
      %dma_wait3A_299 = tpu.memref_slice %arg2[%dma_wait3A_297, %dma_wait3A_298] : memref<40000x128xf32, #tpu.memory_space<hbm>> -> memref<40000x128xf32, #tpu.memory_space<hbm>>
      tpu.wait_indirect_dma semaphore(%arg17 : memref<!tpu.dma_semaphore, #tpu.memory_space<semaphore_mem>>) src(%dma_wait3A_299 : memref<40000x128xf32, #tpu.memory_space<hbm>>) dst(%arg13 : memref<128x128xf32, #tpu.memory_space<vmem>>)
      %add3A_300 = arith.constant 3 : i32
      %add3A_301 = arith.addi %add3A_296, %add3A_300 : i32
      %mul3A_302 = arith.constant 128 : i32
      %mul3A_303 = arith.muli %add3A_301, %mul3A_302 : i32
      %add3A_304 = arith.addi %mul3A_153, %mul3A_303 : i32
      %dma_start3A_305 = tpu.memref_slice %arg3[%add3A_304] : memref<656384xi32, #tpu.memory_space<hbm>> -> memref<128xi32, #tpu.memory_space<hbm>>
      %dma_start3A_306 = tpu.memref_slice %arg3[%add3A_304] : memref<656384xi32, #tpu.memory_space<hbm>> -> memref<128xi32, #tpu.memory_space<hbm>>
      tpu.enqueue_dma source(%dma_start3A_306 : memref<128xi32, #tpu.memory_space<hbm>>) target(%arg7 : memref<128xi32, #tpu.memory_space<vmem>>) target_semaphore(%arg23 : memref<!tpu.dma_semaphore, #tpu.memory_space<semaphore_mem>>)
      %dma_wait3A_307 = arith.constant 0 : i32
      %dma_wait3A_308 = tpu.memref_slice %arg4[%dma_wait3A_307] : memref<164864xi32, #tpu.memory_space<hbm>> -> memref<128xi32, #tpu.memory_space<hbm>>
      %dma_wait3A_309 = arith.constant 0 : i32
      %dma_wait3A_310 = tpu.memref_slice %arg4[%dma_wait3A_309] : memref<164864xi32, #tpu.memory_space<hbm>> -> memref<128xi32, #tpu.memory_space<hbm>>
      tpu.wait_dma2 semaphore(%arg26 : memref<!tpu.dma_semaphore, #tpu.memory_space<semaphore_mem>>) src(%dma_wait3A_310 : memref<128xi32, #tpu.memory_space<hbm>>) dst(%arg10 : memref<128xi32, #tpu.memory_space<vmem>>)
      %dma_start3A_311 = arith.constant 0 : i32
      %dma_start3A_312 = arith.constant 0 : i32
      %dma_start3A_313 = tpu.memref_slice %arg15[%dma_start3A_311, %dma_start3A_312] : memref<10016x128xf32, #tpu.memory_space<vmem_shared>> -> memref<10016x128xf32, #tpu.memory_space<vmem_shared>>
      tpu.enqueue_indirect_dma source(%arg13 : memref<128x128xf32, #tpu.memory_space<vmem>>) target(%dma_start3A_313 : memref<10016x128xf32, #tpu.memory_space<vmem_shared>>) offsets(%arg10 : memref<128xi32, #tpu.memory_space<vmem>>) semaphore(%arg20 : memref<!tpu.dma_semaphore, #tpu.memory_space<semaphore_mem>>) {add = true}
      %dma_wait3A_314 = arith.constant 0 : i32
      %dma_wait3A_315 = arith.constant 0 : i32
      %dma_wait3A_316 = tpu.memref_slice %arg15[%dma_wait3A_314, %dma_wait3A_315] : memref<10016x128xf32, #tpu.memory_space<vmem_shared>> -> memref<10016x128xf32, #tpu.memory_space<vmem_shared>>
      tpu.wait_indirect_dma semaphore(%arg19 : memref<!tpu.dma_semaphore, #tpu.memory_space<semaphore_mem>>) src(%arg12 : memref<128x128xf32, #tpu.memory_space<vmem>>) dst(%dma_wait3A_316 : memref<10016x128xf32, #tpu.memory_space<vmem_shared>>)
      %add3A_317 = arith.constant 2 : i32
      %add3A_318 = arith.addi %add3A_296, %add3A_317 : i32
      %mul3A_319 = arith.constant 128 : i32
      %mul3A_320 = arith.muli %add3A_318, %mul3A_319 : i32
      %add3A_321 = arith.addi %mul3A_2, %mul3A_320 : i32
      %dma_start3A_322 = tpu.memref_slice %arg4[%add3A_321] : memref<164864xi32, #tpu.memory_space<hbm>> -> memref<128xi32, #tpu.memory_space<hbm>>
      %dma_start3A_323 = tpu.memref_slice %arg4[%add3A_321] : memref<164864xi32, #tpu.memory_space<hbm>> -> memref<128xi32, #tpu.memory_space<hbm>>
      tpu.enqueue_dma source(%dma_start3A_323 : memref<128xi32, #tpu.memory_space<hbm>>) target(%arg9 : memref<128xi32, #tpu.memory_space<vmem>>) target_semaphore(%arg25 : memref<!tpu.dma_semaphore, #tpu.memory_space<semaphore_mem>>)
      %dma_wait3A_324 = arith.constant 0 : i32
      %dma_wait3A_325 = tpu.memref_slice %arg3[%dma_wait3A_324] : memref<656384xi32, #tpu.memory_space<hbm>> -> memref<128xi32, #tpu.memory_space<hbm>>
      %dma_wait3A_326 = arith.constant 0 : i32
      %dma_wait3A_327 = tpu.memref_slice %arg3[%dma_wait3A_326] : memref<656384xi32, #tpu.memory_space<hbm>> -> memref<128xi32, #tpu.memory_space<hbm>>
      tpu.wait_dma2 semaphore(%arg22 : memref<!tpu.dma_semaphore, #tpu.memory_space<semaphore_mem>>) src(%dma_wait3A_327 : memref<128xi32, #tpu.memory_space<hbm>>) dst(%arg6 : memref<128xi32, #tpu.memory_space<vmem>>)
      %dma_start3A_328 = arith.constant 0 : i32
      %dma_start3A_329 = arith.constant 0 : i32
      %dma_start3A_330 = tpu.memref_slice %arg2[%dma_start3A_328, %dma_start3A_329] : memref<40000x128xf32, #tpu.memory_space<hbm>> -> memref<40000x128xf32, #tpu.memory_space<hbm>>
      tpu.enqueue_indirect_dma source(%dma_start3A_330 : memref<40000x128xf32, #tpu.memory_space<hbm>>) target(%arg12 : memref<128x128xf32, #tpu.memory_space<vmem>>) offsets(%arg6 : memref<128xi32, #tpu.memory_space<vmem>>) semaphore(%arg16 : memref<!tpu.dma_semaphore, #tpu.memory_space<semaphore_mem>>)
      %mul3A_331 = arith.constant 3 : i32
      %mul3A_332 = arith.muli %mul3A_331, %scan3A_290 : i32
      %add3A_333 = arith.constant 1 : i32
      %add3A_334 = arith.addi %add3A_333, %mul3A_332 : i32
      %add3A_335 = arith.constant 1 : i32
      %add3A_336 = arith.addi %add3A_334, %add3A_335 : i32
      %dma_wait3A_337 = arith.constant 0 : i32
      %dma_wait3A_338 = arith.constant 0 : i32
      %dma_wait3A_339 = tpu.memref_slice %arg2[%dma_wait3A_337, %dma_wait3A_338] : memref<40000x128xf32, #tpu.memory_space<hbm>> -> memref<40000x128xf32, #tpu.memory_space<hbm>>
      tpu.wait_indirect_dma semaphore(%arg18 : memref<!tpu.dma_semaphore, #tpu.memory_space<semaphore_mem>>) src(%dma_wait3A_339 : memref<40000x128xf32, #tpu.memory_space<hbm>>) dst(%arg14 : memref<128x128xf32, #tpu.memory_space<vmem>>)
      %add3A_340 = arith.constant 3 : i32
      %add3A_341 = arith.addi %add3A_336, %add3A_340 : i32
      %mul3A_342 = arith.constant 128 : i32
      %mul3A_343 = arith.muli %add3A_341, %mul3A_342 : i32
      %add3A_344 = arith.addi %mul3A_153, %mul3A_343 : i32
      %dma_start3A_345 = tpu.memref_slice %arg3[%add3A_344] : memref<656384xi32, #tpu.memory_space<hbm>> -> memref<128xi32, #tpu.memory_space<hbm>>
      %dma_start3A_346 = tpu.memref_slice %arg3[%add3A_344] : memref<656384xi32, #tpu.memory_space<hbm>> -> memref<128xi32, #tpu.memory_space<hbm>>
      tpu.enqueue_dma source(%dma_start3A_346 : memref<128xi32, #tpu.memory_space<hbm>>) target(%arg8 : memref<128xi32, #tpu.memory_space<vmem>>) target_semaphore(%arg24 : memref<!tpu.dma_semaphore, #tpu.memory_space<semaphore_mem>>)
      %dma_wait3A_347 = arith.constant 0 : i32
      %dma_wait3A_348 = tpu.memref_slice %arg4[%dma_wait3A_347] : memref<164864xi32, #tpu.memory_space<hbm>> -> memref<128xi32, #tpu.memory_space<hbm>>
      %dma_wait3A_349 = arith.constant 0 : i32
      %dma_wait3A_350 = tpu.memref_slice %arg4[%dma_wait3A_349] : memref<164864xi32, #tpu.memory_space<hbm>> -> memref<128xi32, #tpu.memory_space<hbm>>
      tpu.wait_dma2 semaphore(%arg27 : memref<!tpu.dma_semaphore, #tpu.memory_space<semaphore_mem>>) src(%dma_wait3A_350 : memref<128xi32, #tpu.memory_space<hbm>>) dst(%arg11 : memref<128xi32, #tpu.memory_space<vmem>>)
      %dma_start3A_351 = arith.constant 0 : i32
      %dma_start3A_352 = arith.constant 0 : i32
      %dma_start3A_353 = tpu.memref_slice %arg15[%dma_start3A_351, %dma_start3A_352] : memref<10016x128xf32, #tpu.memory_space<vmem_shared>> -> memref<10016x128xf32, #tpu.memory_space<vmem_shared>>
      tpu.enqueue_indirect_dma source(%arg14 : memref<128x128xf32, #tpu.memory_space<vmem>>) target(%dma_start3A_353 : memref<10016x128xf32, #tpu.memory_space<vmem_shared>>) offsets(%arg11 : memref<128xi32, #tpu.memory_space<vmem>>) semaphore(%arg21 : memref<!tpu.dma_semaphore, #tpu.memory_space<semaphore_mem>>) {add = true}
      %dma_wait3A_354 = arith.constant 0 : i32
      %dma_wait3A_355 = arith.constant 0 : i32
      %dma_wait3A_356 = tpu.memref_slice %arg15[%dma_wait3A_354, %dma_wait3A_355] : memref<10016x128xf32, #tpu.memory_space<vmem_shared>> -> memref<10016x128xf32, #tpu.memory_space<vmem_shared>>
      tpu.wait_indirect_dma semaphore(%arg20 : memref<!tpu.dma_semaphore, #tpu.memory_space<semaphore_mem>>) src(%arg13 : memref<128x128xf32, #tpu.memory_space<vmem>>) dst(%dma_wait3A_356 : memref<10016x128xf32, #tpu.memory_space<vmem_shared>>)
      %add3A_357 = arith.constant 2 : i32
      %add3A_358 = arith.addi %add3A_336, %add3A_357 : i32
      %mul3A_359 = arith.constant 128 : i32
      %mul3A_360 = arith.muli %add3A_358, %mul3A_359 : i32
      %add3A_361 = arith.addi %mul3A_2, %mul3A_360 : i32
      %dma_start3A_362 = tpu.memref_slice %arg4[%add3A_361] : memref<164864xi32, #tpu.memory_space<hbm>> -> memref<128xi32, #tpu.memory_space<hbm>>
      %dma_start3A_363 = tpu.memref_slice %arg4[%add3A_361] : memref<164864xi32, #tpu.memory_space<hbm>> -> memref<128xi32, #tpu.memory_space<hbm>>
      tpu.enqueue_dma source(%dma_start3A_363 : memref<128xi32, #tpu.memory_space<hbm>>) target(%arg10 : memref<128xi32, #tpu.memory_space<vmem>>) target_semaphore(%arg26 : memref<!tpu.dma_semaphore, #tpu.memory_space<semaphore_mem>>)
      %dma_wait3A_364 = arith.constant 0 : i32
      %dma_wait3A_365 = tpu.memref_slice %arg3[%dma_wait3A_364] : memref<656384xi32, #tpu.memory_space<hbm>> -> memref<128xi32, #tpu.memory_space<hbm>>
      %dma_wait3A_366 = arith.constant 0 : i32
      %dma_wait3A_367 = tpu.memref_slice %arg3[%dma_wait3A_366] : memref<656384xi32, #tpu.memory_space<hbm>> -> memref<128xi32, #tpu.memory_space<hbm>>
      tpu.wait_dma2 semaphore(%arg23 : memref<!tpu.dma_semaphore, #tpu.memory_space<semaphore_mem>>) src(%dma_wait3A_367 : memref<128xi32, #tpu.memory_space<hbm>>) dst(%arg7 : memref<128xi32, #tpu.memory_space<vmem>>)
      %dma_start3A_368 = arith.constant 0 : i32
      %dma_start3A_369 = arith.constant 0 : i32
      %dma_start3A_370 = tpu.memref_slice %arg2[%dma_start3A_368, %dma_start3A_369] : memref<40000x128xf32, #tpu.memory_space<hbm>> -> memref<40000x128xf32, #tpu.memory_space<hbm>>
      tpu.enqueue_indirect_dma source(%dma_start3A_370 : memref<40000x128xf32, #tpu.memory_space<hbm>>) target(%arg13 : memref<128x128xf32, #tpu.memory_space<vmem>>) offsets(%arg7 : memref<128xi32, #tpu.memory_space<vmem>>) semaphore(%arg17 : memref<!tpu.dma_semaphore, #tpu.memory_space<semaphore_mem>>)
      %mul3A_371 = arith.constant 3 : i32
      %mul3A_372 = arith.muli %mul3A_371, %scan3A_290 : i32
      %add3A_373 = arith.constant 1 : i32
      %add3A_374 = arith.addi %add3A_373, %mul3A_372 : i32
      %add3A_375 = arith.constant 2 : i32
      %add3A_376 = arith.addi %add3A_374, %add3A_375 : i32
      %dma_wait3A_377 = arith.constant 0 : i32
      %dma_wait3A_378 = arith.constant 0 : i32
      %dma_wait3A_379 = tpu.memref_slice %arg2[%dma_wait3A_377, %dma_wait3A_378] : memref<40000x128xf32, #tpu.memory_space<hbm>> -> memref<40000x128xf32, #tpu.memory_space<hbm>>
      tpu.wait_indirect_dma semaphore(%arg16 : memref<!tpu.dma_semaphore, #tpu.memory_space<semaphore_mem>>) src(%dma_wait3A_379 : memref<40000x128xf32, #tpu.memory_space<hbm>>) dst(%arg12 : memref<128x128xf32, #tpu.memory_space<vmem>>)
      %add3A_380 = arith.constant 3 : i32
      %add3A_381 = arith.addi %add3A_376, %add3A_380 : i32
      %mul3A_382 = arith.constant 128 : i32
      %mul3A_383 = arith.muli %add3A_381, %mul3A_382 : i32
      %add3A_384 = arith.addi %mul3A_153, %mul3A_383 : i32
      %dma_start3A_385 = tpu.memref_slice %arg3[%add3A_384] : memref<656384xi32, #tpu.memory_space<hbm>> -> memref<128xi32, #tpu.memory_space<hbm>>
      %dma_start3A_386 = tpu.memref_slice %arg3[%add3A_384] : memref<656384xi32, #tpu.memory_space<hbm>> -> memref<128xi32, #tpu.memory_space<hbm>>
      tpu.enqueue_dma source(%dma_start3A_386 : memref<128xi32, #tpu.memory_space<hbm>>) target(%arg6 : memref<128xi32, #tpu.memory_space<vmem>>) target_semaphore(%arg22 : memref<!tpu.dma_semaphore, #tpu.memory_space<semaphore_mem>>)
      %dma_wait3A_387 = arith.constant 0 : i32
      %dma_wait3A_388 = tpu.memref_slice %arg4[%dma_wait3A_387] : memref<164864xi32, #tpu.memory_space<hbm>> -> memref<128xi32, #tpu.memory_space<hbm>>
      %dma_wait3A_389 = arith.constant 0 : i32
      %dma_wait3A_390 = tpu.memref_slice %arg4[%dma_wait3A_389] : memref<164864xi32, #tpu.memory_space<hbm>> -> memref<128xi32, #tpu.memory_space<hbm>>
      tpu.wait_dma2 semaphore(%arg25 : memref<!tpu.dma_semaphore, #tpu.memory_space<semaphore_mem>>) src(%dma_wait3A_390 : memref<128xi32, #tpu.memory_space<hbm>>) dst(%arg9 : memref<128xi32, #tpu.memory_space<vmem>>)
      %dma_start3A_391 = arith.constant 0 : i32
      %dma_start3A_392 = arith.constant 0 : i32
      %dma_start3A_393 = tpu.memref_slice %arg15[%dma_start3A_391, %dma_start3A_392] : memref<10016x128xf32, #tpu.memory_space<vmem_shared>> -> memref<10016x128xf32, #tpu.memory_space<vmem_shared>>
      tpu.enqueue_indirect_dma source(%arg12 : memref<128x128xf32, #tpu.memory_space<vmem>>) target(%dma_start3A_393 : memref<10016x128xf32, #tpu.memory_space<vmem_shared>>) offsets(%arg9 : memref<128xi32, #tpu.memory_space<vmem>>) semaphore(%arg19 : memref<!tpu.dma_semaphore, #tpu.memory_space<semaphore_mem>>) {add = true}
      %dma_wait3A_394 = arith.constant 0 : i32
      %dma_wait3A_395 = arith.constant 0 : i32
      %dma_wait3A_396 = tpu.memref_slice %arg15[%dma_wait3A_394, %dma_wait3A_395] : memref<10016x128xf32, #tpu.memory_space<vmem_shared>> -> memref<10016x128xf32, #tpu.memory_space<vmem_shared>>
      tpu.wait_indirect_dma semaphore(%arg21 : memref<!tpu.dma_semaphore, #tpu.memory_space<semaphore_mem>>) src(%arg14 : memref<128x128xf32, #tpu.memory_space<vmem>>) dst(%dma_wait3A_396 : memref<10016x128xf32, #tpu.memory_space<vmem_shared>>)
      %add3A_397 = arith.constant 2 : i32
      %add3A_398 = arith.addi %add3A_376, %add3A_397 : i32
      %mul3A_399 = arith.constant 128 : i32
      %mul3A_400 = arith.muli %add3A_398, %mul3A_399 : i32
      %add3A_401 = arith.addi %mul3A_2, %mul3A_400 : i32
      %dma_start3A_402 = tpu.memref_slice %arg4[%add3A_401] : memref<164864xi32, #tpu.memory_space<hbm>> -> memref<128xi32, #tpu.memory_space<hbm>>
      %dma_start3A_403 = tpu.memref_slice %arg4[%add3A_401] : memref<164864xi32, #tpu.memory_space<hbm>> -> memref<128xi32, #tpu.memory_space<hbm>>
      tpu.enqueue_dma source(%dma_start3A_403 : memref<128xi32, #tpu.memory_space<hbm>>) target(%arg11 : memref<128xi32, #tpu.memory_space<vmem>>) target_semaphore(%arg27 : memref<!tpu.dma_semaphore, #tpu.memory_space<semaphore_mem>>)
      %dma_wait3A_404 = arith.constant 0 : i32
      %dma_wait3A_405 = tpu.memref_slice %arg3[%dma_wait3A_404] : memref<656384xi32, #tpu.memory_space<hbm>> -> memref<128xi32, #tpu.memory_space<hbm>>
      %dma_wait3A_406 = arith.constant 0 : i32
      %dma_wait3A_407 = tpu.memref_slice %arg3[%dma_wait3A_406] : memref<656384xi32, #tpu.memory_space<hbm>> -> memref<128xi32, #tpu.memory_space<hbm>>
      tpu.wait_dma2 semaphore(%arg24 : memref<!tpu.dma_semaphore, #tpu.memory_space<semaphore_mem>>) src(%dma_wait3A_407 : memref<128xi32, #tpu.memory_space<hbm>>) dst(%arg8 : memref<128xi32, #tpu.memory_space<vmem>>)
      %dma_start3A_408 = arith.constant 0 : i32
      %dma_start3A_409 = arith.constant 0 : i32
      %dma_start3A_410 = tpu.memref_slice %arg2[%dma_start3A_408, %dma_start3A_409] : memref<40000x128xf32, #tpu.memory_space<hbm>> -> memref<40000x128xf32, #tpu.memory_space<hbm>>
      tpu.enqueue_indirect_dma source(%dma_start3A_410 : memref<40000x128xf32, #tpu.memory_space<hbm>>) target(%arg14 : memref<128x128xf32, #tpu.memory_space<vmem>>) offsets(%arg8 : memref<128xi32, #tpu.memory_space<vmem>>) semaphore(%arg18 : memref<!tpu.dma_semaphore, #tpu.memory_space<semaphore_mem>>)
    }
    %scan3A_229 = arith.constant 26 : i32
    %dma_wait3A_230 = arith.constant 0 : i32
    %dma_wait3A_231 = arith.constant 0 : i32
    %dma_wait3A_232 = tpu.memref_slice %arg2[%dma_wait3A_230, %dma_wait3A_231] : memref<40000x128xf32, #tpu.memory_space<hbm>> -> memref<40000x128xf32, #tpu.memory_space<hbm>>
    tpu.wait_indirect_dma semaphore(%arg17 : memref<!tpu.dma_semaphore, #tpu.memory_space<semaphore_mem>>) src(%dma_wait3A_232 : memref<40000x128xf32, #tpu.memory_space<hbm>>) dst(%arg13 : memref<128x128xf32, #tpu.memory_space<vmem>>)
    %add3A_233 = arith.constant 10496 : i32
    %add3A_234 = arith.addi %mul3A_153, %add3A_233 : i32
    %dma_start3A_235 = tpu.memref_slice %arg3[%add3A_234] : memref<656384xi32, #tpu.memory_space<hbm>> -> memref<128xi32, #tpu.memory_space<hbm>>
    %dma_start3A_236 = tpu.memref_slice %arg3[%add3A_234] : memref<656384xi32, #tpu.memory_space<hbm>> -> memref<128xi32, #tpu.memory_space<hbm>>
    tpu.enqueue_dma source(%dma_start3A_236 : memref<128xi32, #tpu.memory_space<hbm>>) target(%arg7 : memref<128xi32, #tpu.memory_space<vmem>>) target_semaphore(%arg23 : memref<!tpu.dma_semaphore, #tpu.memory_space<semaphore_mem>>)
    %dma_wait3A_237 = arith.constant 0 : i32
    %dma_wait3A_238 = tpu.memref_slice %arg4[%dma_wait3A_237] : memref<164864xi32, #tpu.memory_space<hbm>> -> memref<128xi32, #tpu.memory_space<hbm>>
    %dma_wait3A_239 = arith.constant 0 : i32
    %dma_wait3A_240 = tpu.memref_slice %arg4[%dma_wait3A_239] : memref<164864xi32, #tpu.memory_space<hbm>> -> memref<128xi32, #tpu.memory_space<hbm>>
    tpu.wait_dma2 semaphore(%arg26 : memref<!tpu.dma_semaphore, #tpu.memory_space<semaphore_mem>>) src(%dma_wait3A_240 : memref<128xi32, #tpu.memory_space<hbm>>) dst(%arg10 : memref<128xi32, #tpu.memory_space<vmem>>)
    %dma_start3A_241 = arith.constant 0 : i32
    %dma_start3A_242 = arith.constant 0 : i32
    %dma_start3A_243 = tpu.memref_slice %arg15[%dma_start3A_241, %dma_start3A_242] : memref<10016x128xf32, #tpu.memory_space<vmem_shared>> -> memref<10016x128xf32, #tpu.memory_space<vmem_shared>>
    tpu.enqueue_indirect_dma source(%arg13 : memref<128x128xf32, #tpu.memory_space<vmem>>) target(%dma_start3A_243 : memref<10016x128xf32, #tpu.memory_space<vmem_shared>>) offsets(%arg10 : memref<128xi32, #tpu.memory_space<vmem>>) semaphore(%arg20 : memref<!tpu.dma_semaphore, #tpu.memory_space<semaphore_mem>>) {add = true}
    %dma_wait3A_244 = arith.constant 0 : i32
    %dma_wait3A_245 = arith.constant 0 : i32
    %dma_wait3A_246 = tpu.memref_slice %arg15[%dma_wait3A_244, %dma_wait3A_245] : memref<10016x128xf32, #tpu.memory_space<vmem_shared>> -> memref<10016x128xf32, #tpu.memory_space<vmem_shared>>
    tpu.wait_indirect_dma semaphore(%arg19 : memref<!tpu.dma_semaphore, #tpu.memory_space<semaphore_mem>>) src(%arg12 : memref<128x128xf32, #tpu.memory_space<vmem>>) dst(%dma_wait3A_246 : memref<10016x128xf32, #tpu.memory_space<vmem_shared>>)
    %add3A_247 = arith.constant 10368 : i32
    %add3A_248 = arith.addi %mul3A_2, %add3A_247 : i32
    %dma_start3A_249 = tpu.memref_slice %arg4[%add3A_248] : memref<164864xi32, #tpu.memory_space<hbm>> -> memref<128xi32, #tpu.memory_space<hbm>>
    %dma_start3A_250 = tpu.memref_slice %arg4[%add3A_248] : memref<164864xi32, #tpu.memory_space<hbm>> -> memref<128xi32, #tpu.memory_space<hbm>>
    tpu.enqueue_dma source(%dma_start3A_250 : memref<128xi32, #tpu.memory_space<hbm>>) target(%arg9 : memref<128xi32, #tpu.memory_space<vmem>>) target_semaphore(%arg25 : memref<!tpu.dma_semaphore, #tpu.memory_space<semaphore_mem>>)
    %dma_wait3A_251 = arith.constant 0 : i32
    %dma_wait3A_252 = tpu.memref_slice %arg3[%dma_wait3A_251] : memref<656384xi32, #tpu.memory_space<hbm>> -> memref<128xi32, #tpu.memory_space<hbm>>
    %dma_wait3A_253 = arith.constant 0 : i32
    %dma_wait3A_254 = tpu.memref_slice %arg3[%dma_wait3A_253] : memref<656384xi32, #tpu.memory_space<hbm>> -> memref<128xi32, #tpu.memory_space<hbm>>
    tpu.wait_dma2 semaphore(%arg22 : memref<!tpu.dma_semaphore, #tpu.memory_space<semaphore_mem>>) src(%dma_wait3A_254 : memref<128xi32, #tpu.memory_space<hbm>>) dst(%arg6 : memref<128xi32, #tpu.memory_space<vmem>>)
    %dma_start3A_255 = arith.constant 0 : i32
    %dma_start3A_256 = arith.constant 0 : i32
    %dma_start3A_257 = tpu.memref_slice %arg2[%dma_start3A_255, %dma_start3A_256] : memref<40000x128xf32, #tpu.memory_space<hbm>> -> memref<40000x128xf32, #tpu.memory_space<hbm>>
    tpu.enqueue_indirect_dma source(%dma_start3A_257 : memref<40000x128xf32, #tpu.memory_space<hbm>>) target(%arg12 : memref<128x128xf32, #tpu.memory_space<vmem>>) offsets(%arg6 : memref<128xi32, #tpu.memory_space<vmem>>) semaphore(%arg16 : memref<!tpu.dma_semaphore, #tpu.memory_space<semaphore_mem>>)
    %dma_wait3A_258 = arith.constant 0 : i32
    %dma_wait3A_259 = arith.constant 0 : i32
    %dma_wait3A_260 = tpu.memref_slice %arg2[%dma_wait3A_258, %dma_wait3A_259] : memref<40000x128xf32, #tpu.memory_space<hbm>> -> memref<40000x128xf32, #tpu.memory_space<hbm>>
    tpu.wait_indirect_dma semaphore(%arg18 : memref<!tpu.dma_semaphore, #tpu.memory_space<semaphore_mem>>) src(%dma_wait3A_260 : memref<40000x128xf32, #tpu.memory_space<hbm>>) dst(%arg14 : memref<128x128xf32, #tpu.memory_space<vmem>>)
    %dma_wait3A_261 = arith.constant 0 : i32
    %dma_wait3A_262 = arith.constant 0 : i32
    %dma_wait3A_263 = tpu.memref_slice %arg2[%dma_wait3A_261, %dma_wait3A_262] : memref<40000x128xf32, #tpu.memory_space<hbm>> -> memref<40000x128xf32, #tpu.memory_space<hbm>>
    tpu.wait_indirect_dma semaphore(%arg16 : memref<!tpu.dma_semaphore, #tpu.memory_space<semaphore_mem>>) src(%dma_wait3A_263 : memref<40000x128xf32, #tpu.memory_space<hbm>>) dst(%arg12 : memref<128x128xf32, #tpu.memory_space<vmem>>)
    %dma_wait3A_264 = arith.constant 0 : i32
    %dma_wait3A_265 = arith.constant 0 : i32
    %dma_wait3A_266 = tpu.memref_slice %arg15[%dma_wait3A_264, %dma_wait3A_265] : memref<10016x128xf32, #tpu.memory_space<vmem_shared>> -> memref<10016x128xf32, #tpu.memory_space<vmem_shared>>
    tpu.wait_indirect_dma semaphore(%arg20 : memref<!tpu.dma_semaphore, #tpu.memory_space<semaphore_mem>>) src(%arg13 : memref<128x128xf32, #tpu.memory_space<vmem>>) dst(%dma_wait3A_266 : memref<10016x128xf32, #tpu.memory_space<vmem_shared>>)
    %dma_wait3A_267 = arith.constant 0 : i32
    %dma_wait3A_268 = tpu.memref_slice %arg3[%dma_wait3A_267] : memref<656384xi32, #tpu.memory_space<hbm>> -> memref<128xi32, #tpu.memory_space<hbm>>
    %dma_wait3A_269 = arith.constant 0 : i32
    %dma_wait3A_270 = tpu.memref_slice %arg3[%dma_wait3A_269] : memref<656384xi32, #tpu.memory_space<hbm>> -> memref<128xi32, #tpu.memory_space<hbm>>
    tpu.wait_dma2 semaphore(%arg23 : memref<!tpu.dma_semaphore, #tpu.memory_space<semaphore_mem>>) src(%dma_wait3A_270 : memref<128xi32, #tpu.memory_space<hbm>>) dst(%arg7 : memref<128xi32, #tpu.memory_space<vmem>>)
    %dma_wait3A_271 = arith.constant 0 : i32
    %dma_wait3A_272 = tpu.memref_slice %arg4[%dma_wait3A_271] : memref<164864xi32, #tpu.memory_space<hbm>> -> memref<128xi32, #tpu.memory_space<hbm>>
    %dma_wait3A_273 = arith.constant 0 : i32
    %dma_wait3A_274 = tpu.memref_slice %arg4[%dma_wait3A_273] : memref<164864xi32, #tpu.memory_space<hbm>> -> memref<128xi32, #tpu.memory_space<hbm>>
    tpu.wait_dma2 semaphore(%arg27 : memref<!tpu.dma_semaphore, #tpu.memory_space<semaphore_mem>>) src(%dma_wait3A_274 : memref<128xi32, #tpu.memory_space<hbm>>) dst(%arg11 : memref<128xi32, #tpu.memory_space<vmem>>)
    %dma_wait3A_275 = arith.constant 0 : i32
    %dma_wait3A_276 = tpu.memref_slice %arg4[%dma_wait3A_275] : memref<164864xi32, #tpu.memory_space<hbm>> -> memref<128xi32, #tpu.memory_space<hbm>>
    %dma_wait3A_277 = arith.constant 0 : i32
    %dma_wait3A_278 = tpu.memref_slice %arg4[%dma_wait3A_277] : memref<164864xi32, #tpu.memory_space<hbm>> -> memref<128xi32, #tpu.memory_space<hbm>>
    tpu.wait_dma2 semaphore(%arg25 : memref<!tpu.dma_semaphore, #tpu.memory_space<semaphore_mem>>) src(%dma_wait3A_278 : memref<128xi32, #tpu.memory_space<hbm>>) dst(%arg9 : memref<128xi32, #tpu.memory_space<vmem>>)
    %barrier3A_279 = arith.constant 0 : index
    tpu.barrier barrier_id(%barrier3A_279)
    %mul3A_280 = arith.constant 624 : i32
    %mul3A_281 = arith.muli %arg1, %mul3A_280 : i32
    %mul3A_282 = arith.constant 624 : i32
    %mul3A_283 = arith.muli %arg1, %mul3A_282 : i32
    %add3A_284 = arith.addi %mul3A_148, %mul3A_283 : i32
    "tpu.region"() ({
      %run_scoped3A = tpu.sem_alloc : memref<!tpu.dma_semaphore, #tpu.memory_space<semaphore_mem>>
      %dma_start3A_290 = arith.constant 0 : i32
      %dma_start3A_291 = tpu.memref_slice %arg5[%add3A_284, %dma_start3A_290] : memref<40000x128xf32, #tpu.memory_space<hbm>> -> memref<624x128xf32, #tpu.memory_space<hbm>>
      %dma_start3A_292 = arith.constant 0 : i32
      %dma_start3A_293 = tpu.memref_slice %arg15[%mul3A_281, %dma_start3A_292] : memref<10016x128xf32, #tpu.memory_space<vmem_shared>> -> memref<624x128xf32, #tpu.memory_space<vmem_shared>>
      tpu.enqueue_dma source(%dma_start3A_293 : memref<624x128xf32, #tpu.memory_space<vmem_shared>>) target(%dma_start3A_291 : memref<624x128xf32, #tpu.memory_space<hbm>>) target_semaphore(%run_scoped3A : memref<!tpu.dma_semaphore, #tpu.memory_space<semaphore_mem>>)
      %dma_wait3A_294 = arith.constant 0 : i32
      %dma_wait3A_295 = tpu.memref_slice %arg5[%add3A_284, %dma_wait3A_294] : memref<40000x128xf32, #tpu.memory_space<hbm>> -> memref<624x128xf32, #tpu.memory_space<hbm>>
      %dma_wait3A_296 = arith.constant 0 : i32
      %dma_wait3A_297 = tpu.memref_slice %arg15[%mul3A_281, %dma_wait3A_296] : memref<10016x128xf32, #tpu.memory_space<vmem_shared>> -> memref<624x128xf32, #tpu.memory_space<vmem_shared>>
      tpu.wait_dma2 semaphore(%run_scoped3A : memref<!tpu.dma_semaphore, #tpu.memory_space<semaphore_mem>>) src(%dma_wait3A_297 : memref<624x128xf32, #tpu.memory_space<vmem_shared>>) dst(%dma_wait3A_295 : memref<624x128xf32, #tpu.memory_space<hbm>>)
      tpu.yield
    }) : () -> ()
    %eq3A_285 = arith.constant 15 : i32
    %eq3A_286 = arith.cmpi eq, %arg1, %eq3A_285 : i32
    %convert_element_type3A_287 = arith.extui %eq3A_286 : i1 to i32
    %cond3A_288 = arith.constant 0 : i32
    %cond3A_289 = arith.cmpi ne, %convert_element_type3A_287, %cond3A_288 : i32
    scf.if %cond3A_289 {
      %add3A_290 = arith.constant 9984 : i32
      %add3A_291 = arith.addi %mul3A_148, %add3A_290 : i32
      "tpu.region"() ({
        %run_scoped3A = tpu.sem_alloc : memref<!tpu.dma_semaphore, #tpu.memory_space<semaphore_mem>>
        %dma_start3A_292 = arith.constant 0 : i32
        %dma_start3A_293 = tpu.memref_slice %arg5[%add3A_291, %dma_start3A_292] : memref<40000x128xf32, #tpu.memory_space<hbm>> -> memref<16x128xf32, #tpu.memory_space<hbm>>
        %dma_start3A_294 = arith.constant 9984 : i32
        %dma_start3A_295 = arith.constant 0 : i32
        %dma_start3A_296 = tpu.memref_slice %arg15[%dma_start3A_294, %dma_start3A_295] : memref<10016x128xf32, #tpu.memory_space<vmem_shared>> -> memref<16x128xf32, #tpu.memory_space<vmem_shared>>
        tpu.enqueue_dma source(%dma_start3A_296 : memref<16x128xf32, #tpu.memory_space<vmem_shared>>) target(%dma_start3A_293 : memref<16x128xf32, #tpu.memory_space<hbm>>) target_semaphore(%run_scoped3A : memref<!tpu.dma_semaphore, #tpu.memory_space<semaphore_mem>>)
        %dma_wait3A_297 = arith.constant 0 : i32
        %dma_wait3A_298 = tpu.memref_slice %arg5[%add3A_291, %dma_wait3A_297] : memref<40000x128xf32, #tpu.memory_space<hbm>> -> memref<16x128xf32, #tpu.memory_space<hbm>>
        %dma_wait3A_299 = arith.constant 9984 : i32
        %dma_wait3A_300 = arith.constant 0 : i32
        %dma_wait3A_301 = tpu.memref_slice %arg15[%dma_wait3A_299, %dma_wait3A_300] : memref<10016x128xf32, #tpu.memory_space<vmem_shared>> -> memref<16x128xf32, #tpu.memory_space<vmem_shared>>
        tpu.wait_dma2 semaphore(%run_scoped3A : memref<!tpu.dma_semaphore, #tpu.memory_space<semaphore_mem>>) src(%dma_wait3A_301 : memref<16x128xf32, #tpu.memory_space<vmem_shared>>) dst(%dma_wait3A_298 : memref<16x128xf32, #tpu.memory_space<hbm>>)
        tpu.yield
      }) : () -> ()
    } else {
    }
    return
  }
}

#map = affine_map<(d0, d1) -> (0)>
module attributes {stable_mosaic.version = 14 : i64} {
  func.func @deg_kernel(%arg0: i32, %arg1: i32, %arg2: memref<160000xi32, #tpu.memory_space<hbm>>, %arg3: memref<20480xf32, #tpu.memory_space<hbm>>, %arg4: memref<128xi32, #tpu.memory_space<vmem>>, %arg5: memref<128xf32, #tpu.memory_space<vmem>>, %arg6: memref<640xf32, #tpu.memory_space<vmem>>, %arg7: memref<10240xf32, #tpu.memory_space<vmem_shared>>) attributes {dimension_semantics = [#tpu.dimension_semantics<core_parallel>, #tpu.dimension_semantics<subcore_parallel>], iteration_bounds = array<i64: 2, 16>, scalar_prefetch = 0 : i64, scratch_operands = 4 : i64, tpu.core_type = #tpu.core_type<sc_vector_subcore>, window_params = [{transform_indices = #map}, {transform_indices = #map}]} {
    %mul3A = arith.constant 2 : i32
    %mul3A_0 = arith.muli %arg1, %mul3A : i32
    %add3A = arith.addi %mul3A_0, %arg0 : i32
    %broadcast_in_dim3A = arith.constant 1.000000e+00 : f32
    %broadcast_in_dim3A_1 = vector.broadcast %broadcast_in_dim3A : f32 to vector<16xf32>
    %swap3A = arith.constant 0 : index
    %swap3A_2 = tpu.vector_load %arg5[%swap3A] {strides = array<i32>} : memref<128xf32, #tpu.memory_space<vmem>>, vector<16xf32>,
    %swap3A_3 = vector.shape_cast %swap3A_2 : vector<16xf32> to vector<16xf32>
    %swap3A_4 = vector.shape_cast %broadcast_in_dim3A_1 : vector<16xf32> to vector<16xf32>
    tpu.vector_store %arg5[%swap3A], %swap3A_4 {strides = array<i32>} : memref<128xf32, #tpu.memory_space<vmem>>, vector<16xf32>,
    %broadcast_in_dim3A_5 = arith.constant 1.000000e+00 : f32
    %broadcast_in_dim3A_6 = vector.broadcast %broadcast_in_dim3A_5 : f32 to vector<16xf32>
    %swap3A_7 = arith.constant 16 : index
    %swap3A_8 = tpu.vector_load %arg5[%swap3A_7] {strides = array<i32>} : memref<128xf32, #tpu.memory_space<vmem>>, vector<16xf32>,
    %swap3A_9 = vector.shape_cast %swap3A_8 : vector<16xf32> to vector<16xf32>
    %swap3A_10 = vector.shape_cast %broadcast_in_dim3A_6 : vector<16xf32> to vector<16xf32>
    tpu.vector_store %arg5[%swap3A_7], %swap3A_10 {strides = array<i32>} : memref<128xf32, #tpu.memory_space<vmem>>, vector<16xf32>,
    %broadcast_in_dim3A_11 = arith.constant 1.000000e+00 : f32
    %broadcast_in_dim3A_12 = vector.broadcast %broadcast_in_dim3A_11 : f32 to vector<16xf32>
    %swap3A_13 = arith.constant 32 : index
    %swap3A_14 = tpu.vector_load %arg5[%swap3A_13] {strides = array<i32>} : memref<128xf32, #tpu.memory_space<vmem>>, vector<16xf32>,
    %swap3A_15 = vector.shape_cast %swap3A_14 : vector<16xf32> to vector<16xf32>
    %swap3A_16 = vector.shape_cast %broadcast_in_dim3A_12 : vector<16xf32> to vector<16xf32>
    tpu.vector_store %arg5[%swap3A_13], %swap3A_16 {strides = array<i32>} : memref<128xf32, #tpu.memory_space<vmem>>, vector<16xf32>,
    %broadcast_in_dim3A_17 = arith.constant 1.000000e+00 : f32
    %broadcast_in_dim3A_18 = vector.broadcast %broadcast_in_dim3A_17 : f32 to vector<16xf32>
    %swap3A_19 = arith.constant 48 : index
    %swap3A_20 = tpu.vector_load %arg5[%swap3A_19] {strides = array<i32>} : memref<128xf32, #tpu.memory_space<vmem>>, vector<16xf32>,
    %swap3A_21 = vector.shape_cast %swap3A_20 : vector<16xf32> to vector<16xf32>
    %swap3A_22 = vector.shape_cast %broadcast_in_dim3A_18 : vector<16xf32> to vector<16xf32>
    tpu.vector_store %arg5[%swap3A_19], %swap3A_22 {strides = array<i32>} : memref<128xf32, #tpu.memory_space<vmem>>, vector<16xf32>,
    %broadcast_in_dim3A_23 = arith.constant 1.000000e+00 : f32
    %broadcast_in_dim3A_24 = vector.broadcast %broadcast_in_dim3A_23 : f32 to vector<16xf32>
    %swap3A_25 = arith.constant 64 : index
    %swap3A_26 = tpu.vector_load %arg5[%swap3A_25] {strides = array<i32>} : memref<128xf32, #tpu.memory_space<vmem>>, vector<16xf32>,
    %swap3A_27 = vector.shape_cast %swap3A_26 : vector<16xf32> to vector<16xf32>
    %swap3A_28 = vector.shape_cast %broadcast_in_dim3A_24 : vector<16xf32> to vector<16xf32>
    tpu.vector_store %arg5[%swap3A_25], %swap3A_28 {strides = array<i32>} : memref<128xf32, #tpu.memory_space<vmem>>, vector<16xf32>,
    %broadcast_in_dim3A_29 = arith.constant 1.000000e+00 : f32
    %broadcast_in_dim3A_30 = vector.broadcast %broadcast_in_dim3A_29 : f32 to vector<16xf32>
    %swap3A_31 = arith.constant 80 : index
    %swap3A_32 = tpu.vector_load %arg5[%swap3A_31] {strides = array<i32>} : memref<128xf32, #tpu.memory_space<vmem>>, vector<16xf32>,
    %swap3A_33 = vector.shape_cast %swap3A_32 : vector<16xf32> to vector<16xf32>
    %swap3A_34 = vector.shape_cast %broadcast_in_dim3A_30 : vector<16xf32> to vector<16xf32>
    tpu.vector_store %arg5[%swap3A_31], %swap3A_34 {strides = array<i32>} : memref<128xf32, #tpu.memory_space<vmem>>, vector<16xf32>,
    %broadcast_in_dim3A_35 = arith.constant 1.000000e+00 : f32
    %broadcast_in_dim3A_36 = vector.broadcast %broadcast_in_dim3A_35 : f32 to vector<16xf32>
    %swap3A_37 = arith.constant 96 : index
    %swap3A_38 = tpu.vector_load %arg5[%swap3A_37] {strides = array<i32>} : memref<128xf32, #tpu.memory_space<vmem>>, vector<16xf32>,
    %swap3A_39 = vector.shape_cast %swap3A_38 : vector<16xf32> to vector<16xf32>
    %swap3A_40 = vector.shape_cast %broadcast_in_dim3A_36 : vector<16xf32> to vector<16xf32>
    tpu.vector_store %arg5[%swap3A_37], %swap3A_40 {strides = array<i32>} : memref<128xf32, #tpu.memory_space<vmem>>, vector<16xf32>,
    %broadcast_in_dim3A_41 = arith.constant 1.000000e+00 : f32
    %broadcast_in_dim3A_42 = vector.broadcast %broadcast_in_dim3A_41 : f32 to vector<16xf32>
    %swap3A_43 = arith.constant 112 : index
    %swap3A_44 = tpu.vector_load %arg5[%swap3A_43] {strides = array<i32>} : memref<128xf32, #tpu.memory_space<vmem>>, vector<16xf32>,
    %swap3A_45 = vector.shape_cast %swap3A_44 : vector<16xf32> to vector<16xf32>
    %swap3A_46 = vector.shape_cast %broadcast_in_dim3A_42 : vector<16xf32> to vector<16xf32>
    tpu.vector_store %arg5[%swap3A_43], %swap3A_46 {strides = array<i32>} : memref<128xf32, #tpu.memory_space<vmem>>, vector<16xf32>,
    %broadcast_in_dim3A_47 = arith.constant 0.000000e+00 : f32
    %broadcast_in_dim3A_48 = vector.broadcast %broadcast_in_dim3A_47 : f32 to vector<16xf32>
    %swap3A_49 = arith.constant 0 : index
    %swap3A_50 = tpu.vector_load %arg6[%swap3A_49] {strides = array<i32>} : memref<640xf32, #tpu.memory_space<vmem>>, vector<16xf32>,
    %swap3A_51 = vector.shape_cast %swap3A_50 : vector<16xf32> to vector<16xf32>
    %swap3A_52 = vector.shape_cast %broadcast_in_dim3A_48 : vector<16xf32> to vector<16xf32>
    tpu.vector_store %arg6[%swap3A_49], %swap3A_52 {strides = array<i32>} : memref<640xf32, #tpu.memory_space<vmem>>, vector<16xf32>,
    %broadcast_in_dim3A_53 = arith.constant 0.000000e+00 : f32
    %broadcast_in_dim3A_54 = vector.broadcast %broadcast_in_dim3A_53 : f32 to vector<16xf32>
    %swap3A_55 = arith.constant 16 : index
    %swap3A_56 = tpu.vector_load %arg6[%swap3A_55] {strides = array<i32>} : memref<640xf32, #tpu.memory_space<vmem>>, vector<16xf32>,
    %swap3A_57 = vector.shape_cast %swap3A_56 : vector<16xf32> to vector<16xf32>
    %swap3A_58 = vector.shape_cast %broadcast_in_dim3A_54 : vector<16xf32> to vector<16xf32>
    tpu.vector_store %arg6[%swap3A_55], %swap3A_58 {strides = array<i32>} : memref<640xf32, #tpu.memory_space<vmem>>, vector<16xf32>,
    %broadcast_in_dim3A_59 = arith.constant 0.000000e+00 : f32
    %broadcast_in_dim3A_60 = vector.broadcast %broadcast_in_dim3A_59 : f32 to vector<16xf32>
    %swap3A_61 = arith.constant 32 : index
    %swap3A_62 = tpu.vector_load %arg6[%swap3A_61] {strides = array<i32>} : memref<640xf32, #tpu.memory_space<vmem>>, vector<16xf32>,
    %swap3A_63 = vector.shape_cast %swap3A_62 : vector<16xf32> to vector<16xf32>
    %swap3A_64 = vector.shape_cast %broadcast_in_dim3A_60 : vector<16xf32> to vector<16xf32>
    tpu.vector_store %arg6[%swap3A_61], %swap3A_64 {strides = array<i32>} : memref<640xf32, #tpu.memory_space<vmem>>, vector<16xf32>,
    %broadcast_in_dim3A_65 = arith.constant 0.000000e+00 : f32
    %broadcast_in_dim3A_66 = vector.broadcast %broadcast_in_dim3A_65 : f32 to vector<16xf32>
    %swap3A_67 = arith.constant 48 : index
    %swap3A_68 = tpu.vector_load %arg6[%swap3A_67] {strides = array<i32>} : memref<640xf32, #tpu.memory_space<vmem>>, vector<16xf32>,
    %swap3A_69 = vector.shape_cast %swap3A_68 : vector<16xf32> to vector<16xf32>
    %swap3A_70 = vector.shape_cast %broadcast_in_dim3A_66 : vector<16xf32> to vector<16xf32>
    tpu.vector_store %arg6[%swap3A_67], %swap3A_70 {strides = array<i32>} : memref<640xf32, #tpu.memory_space<vmem>>, vector<16xf32>,
    %broadcast_in_dim3A_71 = arith.constant 0.000000e+00 : f32
    %broadcast_in_dim3A_72 = vector.broadcast %broadcast_in_dim3A_71 : f32 to vector<16xf32>
    %swap3A_73 = arith.constant 64 : index
    %swap3A_74 = tpu.vector_load %arg6[%swap3A_73] {strides = array<i32>} : memref<640xf32, #tpu.memory_space<vmem>>, vector<16xf32>,
    %swap3A_75 = vector.shape_cast %swap3A_74 : vector<16xf32> to vector<16xf32>
    %swap3A_76 = vector.shape_cast %broadcast_in_dim3A_72 : vector<16xf32> to vector<16xf32>
    tpu.vector_store %arg6[%swap3A_73], %swap3A_76 {strides = array<i32>} : memref<640xf32, #tpu.memory_space<vmem>>, vector<16xf32>,
    %broadcast_in_dim3A_77 = arith.constant 0.000000e+00 : f32
    %broadcast_in_dim3A_78 = vector.broadcast %broadcast_in_dim3A_77 : f32 to vector<16xf32>
    %swap3A_79 = arith.constant 80 : index
    %swap3A_80 = tpu.vector_load %arg6[%swap3A_79] {strides = array<i32>} : memref<640xf32, #tpu.memory_space<vmem>>, vector<16xf32>,
    %swap3A_81 = vector.shape_cast %swap3A_80 : vector<16xf32> to vector<16xf32>
    %swap3A_82 = vector.shape_cast %broadcast_in_dim3A_78 : vector<16xf32> to vector<16xf32>
    tpu.vector_store %arg6[%swap3A_79], %swap3A_82 {strides = array<i32>} : memref<640xf32, #tpu.memory_space<vmem>>, vector<16xf32>,
    %broadcast_in_dim3A_83 = arith.constant 0.000000e+00 : f32
    %broadcast_in_dim3A_84 = vector.broadcast %broadcast_in_dim3A_83 : f32 to vector<16xf32>
    %swap3A_85 = arith.constant 96 : index
    %swap3A_86 = tpu.vector_load %arg6[%swap3A_85] {strides = array<i32>} : memref<640xf32, #tpu.memory_space<vmem>>, vector<16xf32>,
    %swap3A_87 = vector.shape_cast %swap3A_86 : vector<16xf32> to vector<16xf32>
    %swap3A_88 = vector.shape_cast %broadcast_in_dim3A_84 : vector<16xf32> to vector<16xf32>
    tpu.vector_store %arg6[%swap3A_85], %swap3A_88 {strides = array<i32>} : memref<640xf32, #tpu.memory_space<vmem>>, vector<16xf32>,
    %broadcast_in_dim3A_89 = arith.constant 0.000000e+00 : f32
    %broadcast_in_dim3A_90 = vector.broadcast %broadcast_in_dim3A_89 : f32 to vector<16xf32>
    %swap3A_91 = arith.constant 112 : index
    %swap3A_92 = tpu.vector_load %arg6[%swap3A_91] {strides = array<i32>} : memref<640xf32, #tpu.memory_space<vmem>>, vector<16xf32>,
    %swap3A_93 = vector.shape_cast %swap3A_92 : vector<16xf32> to vector<16xf32>
    %swap3A_94 = vector.shape_cast %broadcast_in_dim3A_90 : vector<16xf32> to vector<16xf32>
    tpu.vector_store %arg6[%swap3A_91], %swap3A_94 {strides = array<i32>} : memref<640xf32, #tpu.memory_space<vmem>>, vector<16xf32>,
    %broadcast_in_dim3A_95 = arith.constant 0.000000e+00 : f32
    %broadcast_in_dim3A_96 = vector.broadcast %broadcast_in_dim3A_95 : f32 to vector<16xf32>
    %swap3A_97 = arith.constant 128 : index
    %swap3A_98 = tpu.vector_load %arg6[%swap3A_97] {strides = array<i32>} : memref<640xf32, #tpu.memory_space<vmem>>, vector<16xf32>,
    %swap3A_99 = vector.shape_cast %swap3A_98 : vector<16xf32> to vector<16xf32>
    %swap3A_100 = vector.shape_cast %broadcast_in_dim3A_96 : vector<16xf32> to vector<16xf32>
    tpu.vector_store %arg6[%swap3A_97], %swap3A_100 {strides = array<i32>} : memref<640xf32, #tpu.memory_space<vmem>>, vector<16xf32>,
    %broadcast_in_dim3A_101 = arith.constant 0.000000e+00 : f32
    %broadcast_in_dim3A_102 = vector.broadcast %broadcast_in_dim3A_101 : f32 to vector<16xf32>
    %swap3A_103 = arith.constant 144 : index
    %swap3A_104 = tpu.vector_load %arg6[%swap3A_103] {strides = array<i32>} : memref<640xf32, #tpu.memory_space<vmem>>, vector<16xf32>,
    %swap3A_105 = vector.shape_cast %swap3A_104 : vector<16xf32> to vector<16xf32>
    %swap3A_106 = vector.shape_cast %broadcast_in_dim3A_102 : vector<16xf32> to vector<16xf32>
    tpu.vector_store %arg6[%swap3A_103], %swap3A_106 {strides = array<i32>} : memref<640xf32, #tpu.memory_space<vmem>>, vector<16xf32>,
    %broadcast_in_dim3A_107 = arith.constant 0.000000e+00 : f32
    %broadcast_in_dim3A_108 = vector.broadcast %broadcast_in_dim3A_107 : f32 to vector<16xf32>
    %swap3A_109 = arith.constant 160 : index
    %swap3A_110 = tpu.vector_load %arg6[%swap3A_109] {strides = array<i32>} : memref<640xf32, #tpu.memory_space<vmem>>, vector<16xf32>,
    %swap3A_111 = vector.shape_cast %swap3A_110 : vector<16xf32> to vector<16xf32>
    %swap3A_112 = vector.shape_cast %broadcast_in_dim3A_108 : vector<16xf32> to vector<16xf32>
    tpu.vector_store %arg6[%swap3A_109], %swap3A_112 {strides = array<i32>} : memref<640xf32, #tpu.memory_space<vmem>>, vector<16xf32>,
    %broadcast_in_dim3A_113 = arith.constant 0.000000e+00 : f32
    %broadcast_in_dim3A_114 = vector.broadcast %broadcast_in_dim3A_113 : f32 to vector<16xf32>
    %swap3A_115 = arith.constant 176 : index
    %swap3A_116 = tpu.vector_load %arg6[%swap3A_115] {strides = array<i32>} : memref<640xf32, #tpu.memory_space<vmem>>, vector<16xf32>,
    %swap3A_117 = vector.shape_cast %swap3A_116 : vector<16xf32> to vector<16xf32>
    %swap3A_118 = vector.shape_cast %broadcast_in_dim3A_114 : vector<16xf32> to vector<16xf32>
    tpu.vector_store %arg6[%swap3A_115], %swap3A_118 {strides = array<i32>} : memref<640xf32, #tpu.memory_space<vmem>>, vector<16xf32>,
    %broadcast_in_dim3A_119 = arith.constant 0.000000e+00 : f32
    %broadcast_in_dim3A_120 = vector.broadcast %broadcast_in_dim3A_119 : f32 to vector<16xf32>
    %swap3A_121 = arith.constant 192 : index
    %swap3A_122 = tpu.vector_load %arg6[%swap3A_121] {strides = array<i32>} : memref<640xf32, #tpu.memory_space<vmem>>, vector<16xf32>,
    %swap3A_123 = vector.shape_cast %swap3A_122 : vector<16xf32> to vector<16xf32>
    %swap3A_124 = vector.shape_cast %broadcast_in_dim3A_120 : vector<16xf32> to vector<16xf32>
    tpu.vector_store %arg6[%swap3A_121], %swap3A_124 {strides = array<i32>} : memref<640xf32, #tpu.memory_space<vmem>>, vector<16xf32>,
    %broadcast_in_dim3A_125 = arith.constant 0.000000e+00 : f32
    %broadcast_in_dim3A_126 = vector.broadcast %broadcast_in_dim3A_125 : f32 to vector<16xf32>
    %swap3A_127 = arith.constant 208 : index
    %swap3A_128 = tpu.vector_load %arg6[%swap3A_127] {strides = array<i32>} : memref<640xf32, #tpu.memory_space<vmem>>, vector<16xf32>,
    %swap3A_129 = vector.shape_cast %swap3A_128 : vector<16xf32> to vector<16xf32>
    %swap3A_130 = vector.shape_cast %broadcast_in_dim3A_126 : vector<16xf32> to vector<16xf32>
    tpu.vector_store %arg6[%swap3A_127], %swap3A_130 {strides = array<i32>} : memref<640xf32, #tpu.memory_space<vmem>>, vector<16xf32>,
    %broadcast_in_dim3A_131 = arith.constant 0.000000e+00 : f32
    %broadcast_in_dim3A_132 = vector.broadcast %broadcast_in_dim3A_131 : f32 to vector<16xf32>
    %swap3A_133 = arith.constant 224 : index
    %swap3A_134 = tpu.vector_load %arg6[%swap3A_133] {strides = array<i32>} : memref<640xf32, #tpu.memory_space<vmem>>, vector<16xf32>,
    %swap3A_135 = vector.shape_cast %swap3A_134 : vector<16xf32> to vector<16xf32>
    %swap3A_136 = vector.shape_cast %broadcast_in_dim3A_132 : vector<16xf32> to vector<16xf32>
    tpu.vector_store %arg6[%swap3A_133], %swap3A_136 {strides = array<i32>} : memref<640xf32, #tpu.memory_space<vmem>>, vector<16xf32>,
    %broadcast_in_dim3A_137 = arith.constant 0.000000e+00 : f32
    %broadcast_in_dim3A_138 = vector.broadcast %broadcast_in_dim3A_137 : f32 to vector<16xf32>
    %swap3A_139 = arith.constant 240 : index
    %swap3A_140 = tpu.vector_load %arg6[%swap3A_139] {strides = array<i32>} : memref<640xf32, #tpu.memory_space<vmem>>, vector<16xf32>,
    %swap3A_141 = vector.shape_cast %swap3A_140 : vector<16xf32> to vector<16xf32>
    %swap3A_142 = vector.shape_cast %broadcast_in_dim3A_138 : vector<16xf32> to vector<16xf32>
    tpu.vector_store %arg6[%swap3A_139], %swap3A_142 {strides = array<i32>} : memref<640xf32, #tpu.memory_space<vmem>>, vector<16xf32>,
    %broadcast_in_dim3A_143 = arith.constant 0.000000e+00 : f32
    %broadcast_in_dim3A_144 = vector.broadcast %broadcast_in_dim3A_143 : f32 to vector<16xf32>
    %swap3A_145 = arith.constant 256 : index
    %swap3A_146 = tpu.vector_load %arg6[%swap3A_145] {strides = array<i32>} : memref<640xf32, #tpu.memory_space<vmem>>, vector<16xf32>,
    %swap3A_147 = vector.shape_cast %swap3A_146 : vector<16xf32> to vector<16xf32>
    %swap3A_148 = vector.shape_cast %broadcast_in_dim3A_144 : vector<16xf32> to vector<16xf32>
    tpu.vector_store %arg6[%swap3A_145], %swap3A_148 {strides = array<i32>} : memref<640xf32, #tpu.memory_space<vmem>>, vector<16xf32>,
    %broadcast_in_dim3A_149 = arith.constant 0.000000e+00 : f32
    %broadcast_in_dim3A_150 = vector.broadcast %broadcast_in_dim3A_149 : f32 to vector<16xf32>
    %swap3A_151 = arith.constant 272 : index
    %swap3A_152 = tpu.vector_load %arg6[%swap3A_151] {strides = array<i32>} : memref<640xf32, #tpu.memory_space<vmem>>, vector<16xf32>,
    %swap3A_153 = vector.shape_cast %swap3A_152 : vector<16xf32> to vector<16xf32>
    %swap3A_154 = vector.shape_cast %broadcast_in_dim3A_150 : vector<16xf32> to vector<16xf32>
    tpu.vector_store %arg6[%swap3A_151], %swap3A_154 {strides = array<i32>} : memref<640xf32, #tpu.memory_space<vmem>>, vector<16xf32>,
    %broadcast_in_dim3A_155 = arith.constant 0.000000e+00 : f32
    %broadcast_in_dim3A_156 = vector.broadcast %broadcast_in_dim3A_155 : f32 to vector<16xf32>
    %swap3A_157 = arith.constant 288 : index
    %swap3A_158 = tpu.vector_load %arg6[%swap3A_157] {strides = array<i32>} : memref<640xf32, #tpu.memory_space<vmem>>, vector<16xf32>,
    %swap3A_159 = vector.shape_cast %swap3A_158 : vector<16xf32> to vector<16xf32>
    %swap3A_160 = vector.shape_cast %broadcast_in_dim3A_156 : vector<16xf32> to vector<16xf32>
    tpu.vector_store %arg6[%swap3A_157], %swap3A_160 {strides = array<i32>} : memref<640xf32, #tpu.memory_space<vmem>>, vector<16xf32>,
    %broadcast_in_dim3A_161 = arith.constant 0.000000e+00 : f32
    %broadcast_in_dim3A_162 = vector.broadcast %broadcast_in_dim3A_161 : f32 to vector<16xf32>
    %swap3A_163 = arith.constant 304 : index
    %swap3A_164 = tpu.vector_load %arg6[%swap3A_163] {strides = array<i32>} : memref<640xf32, #tpu.memory_space<vmem>>, vector<16xf32>,
    %swap3A_165 = vector.shape_cast %swap3A_164 : vector<16xf32> to vector<16xf32>
    %swap3A_166 = vector.shape_cast %broadcast_in_dim3A_162 : vector<16xf32> to vector<16xf32>
    tpu.vector_store %arg6[%swap3A_163], %swap3A_166 {strides = array<i32>} : memref<640xf32, #tpu.memory_space<vmem>>, vector<16xf32>,
    %broadcast_in_dim3A_167 = arith.constant 0.000000e+00 : f32
    %broadcast_in_dim3A_168 = vector.broadcast %broadcast_in_dim3A_167 : f32 to vector<16xf32>
    %swap3A_169 = arith.constant 320 : index
    %swap3A_170 = tpu.vector_load %arg6[%swap3A_169] {strides = array<i32>} : memref<640xf32, #tpu.memory_space<vmem>>, vector<16xf32>,
    %swap3A_171 = vector.shape_cast %swap3A_170 : vector<16xf32> to vector<16xf32>
    %swap3A_172 = vector.shape_cast %broadcast_in_dim3A_168 : vector<16xf32> to vector<16xf32>
    tpu.vector_store %arg6[%swap3A_169], %swap3A_172 {strides = array<i32>} : memref<640xf32, #tpu.memory_space<vmem>>, vector<16xf32>,
    %broadcast_in_dim3A_173 = arith.constant 0.000000e+00 : f32
    %broadcast_in_dim3A_174 = vector.broadcast %broadcast_in_dim3A_173 : f32 to vector<16xf32>
    %swap3A_175 = arith.constant 336 : index
    %swap3A_176 = tpu.vector_load %arg6[%swap3A_175] {strides = array<i32>} : memref<640xf32, #tpu.memory_space<vmem>>, vector<16xf32>,
    %swap3A_177 = vector.shape_cast %swap3A_176 : vector<16xf32> to vector<16xf32>
    %swap3A_178 = vector.shape_cast %broadcast_in_dim3A_174 : vector<16xf32> to vector<16xf32>
    tpu.vector_store %arg6[%swap3A_175], %swap3A_178 {strides = array<i32>} : memref<640xf32, #tpu.memory_space<vmem>>, vector<16xf32>,
    %broadcast_in_dim3A_179 = arith.constant 0.000000e+00 : f32
    %broadcast_in_dim3A_180 = vector.broadcast %broadcast_in_dim3A_179 : f32 to vector<16xf32>
    %swap3A_181 = arith.constant 352 : index
    %swap3A_182 = tpu.vector_load %arg6[%swap3A_181] {strides = array<i32>} : memref<640xf32, #tpu.memory_space<vmem>>, vector<16xf32>,
    %swap3A_183 = vector.shape_cast %swap3A_182 : vector<16xf32> to vector<16xf32>
    %swap3A_184 = vector.shape_cast %broadcast_in_dim3A_180 : vector<16xf32> to vector<16xf32>
    tpu.vector_store %arg6[%swap3A_181], %swap3A_184 {strides = array<i32>} : memref<640xf32, #tpu.memory_space<vmem>>, vector<16xf32>,
    %broadcast_in_dim3A_185 = arith.constant 0.000000e+00 : f32
    %broadcast_in_dim3A_186 = vector.broadcast %broadcast_in_dim3A_185 : f32 to vector<16xf32>
    %swap3A_187 = arith.constant 368 : index
    %swap3A_188 = tpu.vector_load %arg6[%swap3A_187] {strides = array<i32>} : memref<640xf32, #tpu.memory_space<vmem>>, vector<16xf32>,
    %swap3A_189 = vector.shape_cast %swap3A_188 : vector<16xf32> to vector<16xf32>
    %swap3A_190 = vector.shape_cast %broadcast_in_dim3A_186 : vector<16xf32> to vector<16xf32>
    tpu.vector_store %arg6[%swap3A_187], %swap3A_190 {strides = array<i32>} : memref<640xf32, #tpu.memory_space<vmem>>, vector<16xf32>,
    %broadcast_in_dim3A_191 = arith.constant 0.000000e+00 : f32
    %broadcast_in_dim3A_192 = vector.broadcast %broadcast_in_dim3A_191 : f32 to vector<16xf32>
    %swap3A_193 = arith.constant 384 : index
    %swap3A_194 = tpu.vector_load %arg6[%swap3A_193] {strides = array<i32>} : memref<640xf32, #tpu.memory_space<vmem>>, vector<16xf32>,
    %swap3A_195 = vector.shape_cast %swap3A_194 : vector<16xf32> to vector<16xf32>
    %swap3A_196 = vector.shape_cast %broadcast_in_dim3A_192 : vector<16xf32> to vector<16xf32>
    tpu.vector_store %arg6[%swap3A_193], %swap3A_196 {strides = array<i32>} : memref<640xf32, #tpu.memory_space<vmem>>, vector<16xf32>,
    %broadcast_in_dim3A_197 = arith.constant 0.000000e+00 : f32
    %broadcast_in_dim3A_198 = vector.broadcast %broadcast_in_dim3A_197 : f32 to vector<16xf32>
    %swap3A_199 = arith.constant 400 : index
    %swap3A_200 = tpu.vector_load %arg6[%swap3A_199] {strides = array<i32>} : memref<640xf32, #tpu.memory_space<vmem>>, vector<16xf32>,
    %swap3A_201 = vector.shape_cast %swap3A_200 : vector<16xf32> to vector<16xf32>
    %swap3A_202 = vector.shape_cast %broadcast_in_dim3A_198 : vector<16xf32> to vector<16xf32>
    tpu.vector_store %arg6[%swap3A_199], %swap3A_202 {strides = array<i32>} : memref<640xf32, #tpu.memory_space<vmem>>, vector<16xf32>,
    %broadcast_in_dim3A_203 = arith.constant 0.000000e+00 : f32
    %broadcast_in_dim3A_204 = vector.broadcast %broadcast_in_dim3A_203 : f32 to vector<16xf32>
    %swap3A_205 = arith.constant 416 : index
    %swap3A_206 = tpu.vector_load %arg6[%swap3A_205] {strides = array<i32>} : memref<640xf32, #tpu.memory_space<vmem>>, vector<16xf32>,
    %swap3A_207 = vector.shape_cast %swap3A_206 : vector<16xf32> to vector<16xf32>
    %swap3A_208 = vector.shape_cast %broadcast_in_dim3A_204 : vector<16xf32> to vector<16xf32>
    tpu.vector_store %arg6[%swap3A_205], %swap3A_208 {strides = array<i32>} : memref<640xf32, #tpu.memory_space<vmem>>, vector<16xf32>,
    %broadcast_in_dim3A_209 = arith.constant 0.000000e+00 : f32
    %broadcast_in_dim3A_210 = vector.broadcast %broadcast_in_dim3A_209 : f32 to vector<16xf32>
    %swap3A_211 = arith.constant 432 : index
    %swap3A_212 = tpu.vector_load %arg6[%swap3A_211] {strides = array<i32>} : memref<640xf32, #tpu.memory_space<vmem>>, vector<16xf32>,
    %swap3A_213 = vector.shape_cast %swap3A_212 : vector<16xf32> to vector<16xf32>
    %swap3A_214 = vector.shape_cast %broadcast_in_dim3A_210 : vector<16xf32> to vector<16xf32>
    tpu.vector_store %arg6[%swap3A_211], %swap3A_214 {strides = array<i32>} : memref<640xf32, #tpu.memory_space<vmem>>, vector<16xf32>,
    %broadcast_in_dim3A_215 = arith.constant 0.000000e+00 : f32
    %broadcast_in_dim3A_216 = vector.broadcast %broadcast_in_dim3A_215 : f32 to vector<16xf32>
    %swap3A_217 = arith.constant 448 : index
    %swap3A_218 = tpu.vector_load %arg6[%swap3A_217] {strides = array<i32>} : memref<640xf32, #tpu.memory_space<vmem>>, vector<16xf32>,
    %swap3A_219 = vector.shape_cast %swap3A_218 : vector<16xf32> to vector<16xf32>
    %swap3A_220 = vector.shape_cast %broadcast_in_dim3A_216 : vector<16xf32> to vector<16xf32>
    tpu.vector_store %arg6[%swap3A_217], %swap3A_220 {strides = array<i32>} : memref<640xf32, #tpu.memory_space<vmem>>, vector<16xf32>,
    %broadcast_in_dim3A_221 = arith.constant 0.000000e+00 : f32
    %broadcast_in_dim3A_222 = vector.broadcast %broadcast_in_dim3A_221 : f32 to vector<16xf32>
    %swap3A_223 = arith.constant 464 : index
    %swap3A_224 = tpu.vector_load %arg6[%swap3A_223] {strides = array<i32>} : memref<640xf32, #tpu.memory_space<vmem>>, vector<16xf32>,
    %swap3A_225 = vector.shape_cast %swap3A_224 : vector<16xf32> to vector<16xf32>
    %swap3A_226 = vector.shape_cast %broadcast_in_dim3A_222 : vector<16xf32> to vector<16xf32>
    tpu.vector_store %arg6[%swap3A_223], %swap3A_226 {strides = array<i32>} : memref<640xf32, #tpu.memory_space<vmem>>, vector<16xf32>,
    %broadcast_in_dim3A_227 = arith.constant 0.000000e+00 : f32
    %broadcast_in_dim3A_228 = vector.broadcast %broadcast_in_dim3A_227 : f32 to vector<16xf32>
    %swap3A_229 = arith.constant 480 : index
    %swap3A_230 = tpu.vector_load %arg6[%swap3A_229] {strides = array<i32>} : memref<640xf32, #tpu.memory_space<vmem>>, vector<16xf32>,
    %swap3A_231 = vector.shape_cast %swap3A_230 : vector<16xf32> to vector<16xf32>
    %swap3A_232 = vector.shape_cast %broadcast_in_dim3A_228 : vector<16xf32> to vector<16xf32>
    tpu.vector_store %arg6[%swap3A_229], %swap3A_232 {strides = array<i32>} : memref<640xf32, #tpu.memory_space<vmem>>, vector<16xf32>,
    %broadcast_in_dim3A_233 = arith.constant 0.000000e+00 : f32
    %broadcast_in_dim3A_234 = vector.broadcast %broadcast_in_dim3A_233 : f32 to vector<16xf32>
    %swap3A_235 = arith.constant 496 : index
    %swap3A_236 = tpu.vector_load %arg6[%swap3A_235] {strides = array<i32>} : memref<640xf32, #tpu.memory_space<vmem>>, vector<16xf32>,
    %swap3A_237 = vector.shape_cast %swap3A_236 : vector<16xf32> to vector<16xf32>
    %swap3A_238 = vector.shape_cast %broadcast_in_dim3A_234 : vector<16xf32> to vector<16xf32>
    tpu.vector_store %arg6[%swap3A_235], %swap3A_238 {strides = array<i32>} : memref<640xf32, #tpu.memory_space<vmem>>, vector<16xf32>,
    %broadcast_in_dim3A_239 = arith.constant 0.000000e+00 : f32
    %broadcast_in_dim3A_240 = vector.broadcast %broadcast_in_dim3A_239 : f32 to vector<16xf32>
    %swap3A_241 = arith.constant 512 : index
    %swap3A_242 = tpu.vector_load %arg6[%swap3A_241] {strides = array<i32>} : memref<640xf32, #tpu.memory_space<vmem>>, vector<16xf32>,
    %swap3A_243 = vector.shape_cast %swap3A_242 : vector<16xf32> to vector<16xf32>
    %swap3A_244 = vector.shape_cast %broadcast_in_dim3A_240 : vector<16xf32> to vector<16xf32>
    tpu.vector_store %arg6[%swap3A_241], %swap3A_244 {strides = array<i32>} : memref<640xf32, #tpu.memory_space<vmem>>, vector<16xf32>,
    %broadcast_in_dim3A_245 = arith.constant 0.000000e+00 : f32
    %broadcast_in_dim3A_246 = vector.broadcast %broadcast_in_dim3A_245 : f32 to vector<16xf32>
    %swap3A_247 = arith.constant 528 : index
    %swap3A_248 = tpu.vector_load %arg6[%swap3A_247] {strides = array<i32>} : memref<640xf32, #tpu.memory_space<vmem>>, vector<16xf32>,
    %swap3A_249 = vector.shape_cast %swap3A_248 : vector<16xf32> to vector<16xf32>
    %swap3A_250 = vector.shape_cast %broadcast_in_dim3A_246 : vector<16xf32> to vector<16xf32>
    tpu.vector_store %arg6[%swap3A_247], %swap3A_250 {strides = array<i32>} : memref<640xf32, #tpu.memory_space<vmem>>, vector<16xf32>,
    %broadcast_in_dim3A_251 = arith.constant 0.000000e+00 : f32
    %broadcast_in_dim3A_252 = vector.broadcast %broadcast_in_dim3A_251 : f32 to vector<16xf32>
    %swap3A_253 = arith.constant 544 : index
    %swap3A_254 = tpu.vector_load %arg6[%swap3A_253] {strides = array<i32>} : memref<640xf32, #tpu.memory_space<vmem>>, vector<16xf32>,
    %swap3A_255 = vector.shape_cast %swap3A_254 : vector<16xf32> to vector<16xf32>
    %swap3A_256 = vector.shape_cast %broadcast_in_dim3A_252 : vector<16xf32> to vector<16xf32>
    tpu.vector_store %arg6[%swap3A_253], %swap3A_256 {strides = array<i32>} : memref<640xf32, #tpu.memory_space<vmem>>, vector<16xf32>,
    %broadcast_in_dim3A_257 = arith.constant 0.000000e+00 : f32
    %broadcast_in_dim3A_258 = vector.broadcast %broadcast_in_dim3A_257 : f32 to vector<16xf32>
    %swap3A_259 = arith.constant 560 : index
    %swap3A_260 = tpu.vector_load %arg6[%swap3A_259] {strides = array<i32>} : memref<640xf32, #tpu.memory_space<vmem>>, vector<16xf32>,
    %swap3A_261 = vector.shape_cast %swap3A_260 : vector<16xf32> to vector<16xf32>
    %swap3A_262 = vector.shape_cast %broadcast_in_dim3A_258 : vector<16xf32> to vector<16xf32>
    tpu.vector_store %arg6[%swap3A_259], %swap3A_262 {strides = array<i32>} : memref<640xf32, #tpu.memory_space<vmem>>, vector<16xf32>,
    %broadcast_in_dim3A_263 = arith.constant 0.000000e+00 : f32
    %broadcast_in_dim3A_264 = vector.broadcast %broadcast_in_dim3A_263 : f32 to vector<16xf32>
    %swap3A_265 = arith.constant 576 : index
    %swap3A_266 = tpu.vector_load %arg6[%swap3A_265] {strides = array<i32>} : memref<640xf32, #tpu.memory_space<vmem>>, vector<16xf32>,
    %swap3A_267 = vector.shape_cast %swap3A_266 : vector<16xf32> to vector<16xf32>
    %swap3A_268 = vector.shape_cast %broadcast_in_dim3A_264 : vector<16xf32> to vector<16xf32>
    tpu.vector_store %arg6[%swap3A_265], %swap3A_268 {strides = array<i32>} : memref<640xf32, #tpu.memory_space<vmem>>, vector<16xf32>,
    %broadcast_in_dim3A_269 = arith.constant 0.000000e+00 : f32
    %broadcast_in_dim3A_270 = vector.broadcast %broadcast_in_dim3A_269 : f32 to vector<16xf32>
    %swap3A_271 = arith.constant 592 : index
    %swap3A_272 = tpu.vector_load %arg6[%swap3A_271] {strides = array<i32>} : memref<640xf32, #tpu.memory_space<vmem>>, vector<16xf32>,
    %swap3A_273 = vector.shape_cast %swap3A_272 : vector<16xf32> to vector<16xf32>
    %swap3A_274 = vector.shape_cast %broadcast_in_dim3A_270 : vector<16xf32> to vector<16xf32>
    tpu.vector_store %arg6[%swap3A_271], %swap3A_274 {strides = array<i32>} : memref<640xf32, #tpu.memory_space<vmem>>, vector<16xf32>,
    %broadcast_in_dim3A_275 = arith.constant 0.000000e+00 : f32
    %broadcast_in_dim3A_276 = vector.broadcast %broadcast_in_dim3A_275 : f32 to vector<16xf32>
    %swap3A_277 = arith.constant 608 : index
    %swap3A_278 = tpu.vector_load %arg6[%swap3A_277] {strides = array<i32>} : memref<640xf32, #tpu.memory_space<vmem>>, vector<16xf32>,
    %swap3A_279 = vector.shape_cast %swap3A_278 : vector<16xf32> to vector<16xf32>
    %swap3A_280 = vector.shape_cast %broadcast_in_dim3A_276 : vector<16xf32> to vector<16xf32>
    tpu.vector_store %arg6[%swap3A_277], %swap3A_280 {strides = array<i32>} : memref<640xf32, #tpu.memory_space<vmem>>, vector<16xf32>,
    %broadcast_in_dim3A_281 = arith.constant 0.000000e+00 : f32
    %broadcast_in_dim3A_282 = vector.broadcast %broadcast_in_dim3A_281 : f32 to vector<16xf32>
    %swap3A_283 = arith.constant 624 : index
    %swap3A_284 = tpu.vector_load %arg6[%swap3A_283] {strides = array<i32>} : memref<640xf32, #tpu.memory_space<vmem>>, vector<16xf32>,
    %swap3A_285 = vector.shape_cast %swap3A_284 : vector<16xf32> to vector<16xf32>
    %swap3A_286 = vector.shape_cast %broadcast_in_dim3A_282 : vector<16xf32> to vector<16xf32>
    tpu.vector_store %arg6[%swap3A_283], %swap3A_286 {strides = array<i32>} : memref<640xf32, #tpu.memory_space<vmem>>, vector<16xf32>,
    %mul3A_287 = arith.constant 640 : i32
    %mul3A_288 = arith.muli %arg1, %mul3A_287 : i32
    "tpu.region"() ({
      %run_scoped3A = tpu.sem_alloc : memref<!tpu.dma_semaphore, #tpu.memory_space<semaphore_mem>>
      %dma_start3A = tpu.memref_slice %arg7[%mul3A_288] : memref<10240xf32, #tpu.memory_space<vmem_shared>> -> memref<640xf32, #tpu.memory_space<vmem_shared>>
      %dma_start3A_308 = tpu.memref_slice %arg7[%mul3A_288] : memref<10240xf32, #tpu.memory_space<vmem_shared>> -> memref<640xf32, #tpu.memory_space<vmem_shared>>
      tpu.enqueue_dma source(%arg6 : memref<640xf32, #tpu.memory_space<vmem>>) target(%dma_start3A_308 : memref<640xf32, #tpu.memory_space<vmem_shared>>) target_semaphore(%run_scoped3A : memref<!tpu.dma_semaphore, #tpu.memory_space<semaphore_mem>>)
      %dma_wait3A = tpu.memref_slice %arg7[%mul3A_288] : memref<10240xf32, #tpu.memory_space<vmem_shared>> -> memref<640xf32, #tpu.memory_space<vmem_shared>>
      %dma_wait3A_309 = tpu.memref_slice %arg7[%mul3A_288] : memref<10240xf32, #tpu.memory_space<vmem_shared>> -> memref<640xf32, #tpu.memory_space<vmem_shared>>
      tpu.wait_dma2 semaphore(%run_scoped3A : memref<!tpu.dma_semaphore, #tpu.memory_space<semaphore_mem>>) src(%arg6 : memref<640xf32, #tpu.memory_space<vmem>>) dst(%dma_wait3A_309 : memref<640xf32, #tpu.memory_space<vmem_shared>>)
      tpu.yield
    }) : () -> ()
    %barrier3A = arith.constant 0 : index
    tpu.barrier barrier_id(%barrier3A)
    %lt3A = arith.constant 2 : i32
    %lt3A_289 = arith.cmpi slt, %add3A, %lt3A : i32
    %jit3A = arith.constant 40 : i32
    %jit3A_290 = arith.constant 39 : i32
    %select_n3A = arith.select %lt3A_289, %jit3A, %jit3A_290 : i32
    %while3A = arith.constant 0 : i32
    %while3A_291 = arith.constant 0 : i32
    %while3A_292 = arith.subi %select_n3A, %while3A_291 : i32
    %while3A_293 = arith.addi %while3A_291, %while3A_292 : i32
    %while3A_294 = arith.constant 1 : i32
    %while3A_295 = arith.divsi %while3A_292, %while3A_294 : i32
    %while3A_296 = arith.muli %while3A_295, %while3A_294 : i32
    %while3A_297 = arith.addi %while3A_291, %while3A_296 : i32
    %while3A_298 = arith.constant 1 : i32
    scf.for %while3A_308 = %while3A_291 to %while3A_297 step %while3A_298  : i32 {
      %mul3A_309 = arith.constant 32 : i32
      %mul3A_310 = arith.muli %while3A_308, %mul3A_309 : i32
      %add3A_311 = arith.addi %add3A, %mul3A_310 : i32
      %mul3A_312 = arith.constant 128 : i32
      %mul3A_313 = arith.muli %add3A_311, %mul3A_312 : i32
      "tpu.region"() ({
        %run_scoped3A = tpu.sem_alloc : memref<!tpu.dma_semaphore, #tpu.memory_space<semaphore_mem>>
        %dma_start3A = tpu.memref_slice %arg2[%mul3A_313] : memref<160000xi32, #tpu.memory_space<hbm>> -> memref<128xi32, #tpu.memory_space<hbm>>
        %dma_start3A_314 = tpu.memref_slice %arg2[%mul3A_313] : memref<160000xi32, #tpu.memory_space<hbm>> -> memref<128xi32, #tpu.memory_space<hbm>>
        tpu.enqueue_dma source(%dma_start3A_314 : memref<128xi32, #tpu.memory_space<hbm>>) target(%arg4 : memref<128xi32, #tpu.memory_space<vmem>>) target_semaphore(%run_scoped3A : memref<!tpu.dma_semaphore, #tpu.memory_space<semaphore_mem>>)
        %dma_wait3A = tpu.memref_slice %arg2[%mul3A_313] : memref<160000xi32, #tpu.memory_space<hbm>> -> memref<128xi32, #tpu.memory_space<hbm>>
        %dma_wait3A_315 = tpu.memref_slice %arg2[%mul3A_313] : memref<160000xi32, #tpu.memory_space<hbm>> -> memref<128xi32, #tpu.memory_space<hbm>>
        tpu.wait_dma2 semaphore(%run_scoped3A : memref<!tpu.dma_semaphore, #tpu.memory_space<semaphore_mem>>) src(%dma_wait3A_315 : memref<128xi32, #tpu.memory_space<hbm>>) dst(%arg4 : memref<128xi32, #tpu.memory_space<vmem>>)
        tpu.yield
      }) : () -> ()
      "tpu.region"() ({
        %run_scoped3A = tpu.sem_alloc : memref<!tpu.dma_semaphore, #tpu.memory_space<semaphore_mem>>
        %dma_start3A = arith.constant 0 : i32
        %dma_start3A_314 = tpu.memref_slice %arg7[%dma_start3A] : memref<10240xf32, #tpu.memory_space<vmem_shared>> -> memref<10240xf32, #tpu.memory_space<vmem_shared>>
        tpu.enqueue_indirect_dma source(%arg5 : memref<128xf32, #tpu.memory_space<vmem>>) target(%dma_start3A_314 : memref<10240xf32, #tpu.memory_space<vmem_shared>>) offsets(%arg4 : memref<128xi32, #tpu.memory_space<vmem>>) semaphore(%run_scoped3A : memref<!tpu.dma_semaphore, #tpu.memory_space<semaphore_mem>>) {add = true}
        %dma_wait3A = arith.constant 0 : i32
        %dma_wait3A_315 = tpu.memref_slice %arg7[%dma_wait3A] : memref<10240xf32, #tpu.memory_space<vmem_shared>> -> memref<10240xf32, #tpu.memory_space<vmem_shared>>
        tpu.wait_indirect_dma semaphore(%run_scoped3A : memref<!tpu.dma_semaphore, #tpu.memory_space<semaphore_mem>>) src(%arg5 : memref<128xf32, #tpu.memory_space<vmem>>) dst(%dma_wait3A_315 : memref<10240xf32, #tpu.memory_space<vmem_shared>>)
        tpu.yield
      }) : () -> ()
    }
    %while3A_299 = arith.constant 1 : i32
    scf.for %while3A_308 = %while3A_297 to %while3A_293 step %while3A_299  : i32 {
      %mul3A_309 = arith.constant 32 : i32
      %mul3A_310 = arith.muli %while3A_308, %mul3A_309 : i32
      %add3A_311 = arith.addi %add3A, %mul3A_310 : i32
      %mul3A_312 = arith.constant 128 : i32
      %mul3A_313 = arith.muli %add3A_311, %mul3A_312 : i32
      "tpu.region"() ({
        %run_scoped3A = tpu.sem_alloc : memref<!tpu.dma_semaphore, #tpu.memory_space<semaphore_mem>>
        %dma_start3A = tpu.memref_slice %arg2[%mul3A_313] : memref<160000xi32, #tpu.memory_space<hbm>> -> memref<128xi32, #tpu.memory_space<hbm>>
        %dma_start3A_314 = tpu.memref_slice %arg2[%mul3A_313] : memref<160000xi32, #tpu.memory_space<hbm>> -> memref<128xi32, #tpu.memory_space<hbm>>
        tpu.enqueue_dma source(%dma_start3A_314 : memref<128xi32, #tpu.memory_space<hbm>>) target(%arg4 : memref<128xi32, #tpu.memory_space<vmem>>) target_semaphore(%run_scoped3A : memref<!tpu.dma_semaphore, #tpu.memory_space<semaphore_mem>>)
        %dma_wait3A = tpu.memref_slice %arg2[%mul3A_313] : memref<160000xi32, #tpu.memory_space<hbm>> -> memref<128xi32, #tpu.memory_space<hbm>>
        %dma_wait3A_315 = tpu.memref_slice %arg2[%mul3A_313] : memref<160000xi32, #tpu.memory_space<hbm>> -> memref<128xi32, #tpu.memory_space<hbm>>
        tpu.wait_dma2 semaphore(%run_scoped3A : memref<!tpu.dma_semaphore, #tpu.memory_space<semaphore_mem>>) src(%dma_wait3A_315 : memref<128xi32, #tpu.memory_space<hbm>>) dst(%arg4 : memref<128xi32, #tpu.memory_space<vmem>>)
        tpu.yield
      }) : () -> ()
      "tpu.region"() ({
        %run_scoped3A = tpu.sem_alloc : memref<!tpu.dma_semaphore, #tpu.memory_space<semaphore_mem>>
        %dma_start3A = arith.constant 0 : i32
        %dma_start3A_314 = tpu.memref_slice %arg7[%dma_start3A] : memref<10240xf32, #tpu.memory_space<vmem_shared>> -> memref<10240xf32, #tpu.memory_space<vmem_shared>>
        tpu.enqueue_indirect_dma source(%arg5 : memref<128xf32, #tpu.memory_space<vmem>>) target(%dma_start3A_314 : memref<10240xf32, #tpu.memory_space<vmem_shared>>) offsets(%arg4 : memref<128xi32, #tpu.memory_space<vmem>>) semaphore(%run_scoped3A : memref<!tpu.dma_semaphore, #tpu.memory_space<semaphore_mem>>) {add = true}
        %dma_wait3A = arith.constant 0 : i32
        %dma_wait3A_315 = tpu.memref_slice %arg7[%dma_wait3A] : memref<10240xf32, #tpu.memory_space<vmem_shared>> -> memref<10240xf32, #tpu.memory_space<vmem_shared>>
        tpu.wait_indirect_dma semaphore(%run_scoped3A : memref<!tpu.dma_semaphore, #tpu.memory_space<semaphore_mem>>) src(%arg5 : memref<128xf32, #tpu.memory_space<vmem>>) dst(%dma_wait3A_315 : memref<10240xf32, #tpu.memory_space<vmem_shared>>)
        tpu.yield
      }) : () -> ()
    }
    %barrier3A_300 = arith.constant 0 : index
    tpu.barrier barrier_id(%barrier3A_300)
    %mul3A_301 = arith.constant 640 : i32
    %mul3A_302 = arith.muli %arg1, %mul3A_301 : i32
    %mul3A_303 = arith.constant 10240 : i32
    %mul3A_304 = arith.muli %arg0, %mul3A_303 : i32
    %mul3A_305 = arith.constant 640 : i32
    %mul3A_306 = arith.muli %arg1, %mul3A_305 : i32
    %add3A_307 = arith.addi %mul3A_304, %mul3A_306 : i32
    "tpu.region"() ({
      %run_scoped3A = tpu.sem_alloc : memref<!tpu.dma_semaphore, #tpu.memory_space<semaphore_mem>>
      %dma_start3A = tpu.memref_slice %arg3[%add3A_307] : memref<20480xf32, #tpu.memory_space<hbm>> -> memref<640xf32, #tpu.memory_space<hbm>>
      %dma_start3A_308 = tpu.memref_slice %arg7[%mul3A_302] : memref<10240xf32, #tpu.memory_space<vmem_shared>> -> memref<640xf32, #tpu.memory_space<vmem_shared>>
      tpu.enqueue_dma source(%dma_start3A_308 : memref<640xf32, #tpu.memory_space<vmem_shared>>) target(%dma_start3A : memref<640xf32, #tpu.memory_space<hbm>>) target_semaphore(%run_scoped3A : memref<!tpu.dma_semaphore, #tpu.memory_space<semaphore_mem>>)
      %dma_wait3A = tpu.memref_slice %arg3[%add3A_307] : memref<20480xf32, #tpu.memory_space<hbm>> -> memref<640xf32, #tpu.memory_space<hbm>>
      %dma_wait3A_309 = tpu.memref_slice %arg7[%mul3A_302] : memref<10240xf32, #tpu.memory_space<vmem_shared>> -> memref<640xf32, #tpu.memory_space<vmem_shared>>
      tpu.wait_dma2 semaphore(%run_scoped3A : memref<!tpu.dma_semaphore, #tpu.memory_space<semaphore_mem>>) src(%dma_wait3A_309 : memref<640xf32, #tpu.memory_space<vmem_shared>>) dst(%dma_wait3A : memref<640xf32, #tpu.memory_space<hbm>>)
      tpu.yield
    }) : () -> ()
    return
  }
}

#map = affine_map<(d0, d1) -> (0, 0)>
#map1 = affine_map<(d0, d1) -> (0)>
module attributes {stable_mosaic.version = 14 : i64} {
  func.func @prop_kernel(%arg0: i32, %arg1: i32, %arg2: memref<20000x128xf32, #tpu.memory_space<hbm>>, %arg3: memref<328704xi32, #tpu.memory_space<hbm>>, %arg4: memref<164864xi32, #tpu.memory_space<hbm>>, %arg5: memref<20000x128xf32, #tpu.memory_space<hbm>>, %arg6: memref<128xi32, #tpu.memory_space<vmem>>, %arg7: memref<128xi32, #tpu.memory_space<vmem>>, %arg8: memref<128xi32, #tpu.memory_space<vmem>>, %arg9: memref<128xi32, #tpu.memory_space<vmem>>, %arg10: memref<128xi32, #tpu.memory_space<vmem>>, %arg11: memref<128xi32, #tpu.memory_space<vmem>>, %arg12: memref<128x128xf32, #tpu.memory_space<vmem>>, %arg13: memref<128x128xf32, #tpu.memory_space<vmem>>, %arg14: memref<128x128xf32, #tpu.memory_space<vmem>>, %arg15: memref<10016x128xf32, #tpu.memory_space<vmem_shared>>, %arg16: memref<!tpu.dma_semaphore, #tpu.memory_space<semaphore_mem>>, %arg17: memref<!tpu.dma_semaphore, #tpu.memory_space<semaphore_mem>>, %arg18: memref<!tpu.dma_semaphore, #tpu.memory_space<semaphore_mem>>, %arg19: memref<!tpu.dma_semaphore, #tpu.memory_space<semaphore_mem>>, %arg20: memref<!tpu.dma_semaphore, #tpu.memory_space<semaphore_mem>>, %arg21: memref<!tpu.dma_semaphore, #tpu.memory_space<semaphore_mem>>, %arg22: memref<!tpu.dma_semaphore, #tpu.memory_space<semaphore_mem>>, %arg23: memref<!tpu.dma_semaphore, #tpu.memory_space<semaphore_mem>>, %arg24: memref<!tpu.dma_semaphore, #tpu.memory_space<semaphore_mem>>, %arg25: memref<!tpu.dma_semaphore, #tpu.memory_space<semaphore_mem>>, %arg26: memref<!tpu.dma_semaphore, #tpu.memory_space<semaphore_mem>>, %arg27: memref<!tpu.dma_semaphore, #tpu.memory_space<semaphore_mem>>) attributes {dimension_semantics = [#tpu.dimension_semantics<core_parallel>, #tpu.dimension_semantics<subcore_parallel>], iteration_bounds = array<i64: 2, 16>, scalar_prefetch = 0 : i64, scratch_operands = 22 : i64, tpu.core_type = #tpu.core_type<sc_vector_subcore>, window_params = [{transform_indices = #map}, {transform_indices = #map1}, {transform_indices = #map1}, {transform_indices = #map}]} {
    %mul3A = arith.constant 80 : i32
    %mul3A_0 = arith.muli %arg1, %mul3A : i32
    %mul3A_1 = arith.constant 128 : i32
    %mul3A_2 = arith.muli %mul3A_0, %mul3A_1 : i32
    %mul3A_3 = arith.constant 1 : i32
    %mul3A_4 = arith.muli %arg0, %mul3A_3 : i32
    %add3A = arith.constant 0 : i32
    %add3A_5 = arith.addi %mul3A_4, %add3A : i32
    %mul3A_6 = arith.constant 10000 : i32
    %mul3A_7 = arith.muli %add3A_5, %mul3A_6 : i32
    %mul3A_8 = arith.constant 1280 : i32
    %mul3A_9 = arith.muli %add3A_5, %mul3A_8 : i32
    %add3A_10 = arith.addi %mul3A_9, %mul3A_0 : i32
    %mul3A_11 = arith.constant 128 : i32
    %mul3A_12 = arith.muli %add3A_10, %mul3A_11 : i32
    %mul3A_13 = arith.constant 624 : i32
    %mul3A_14 = arith.muli %arg1, %mul3A_13 : i32
    %add3A_15 = arith.addi %mul3A_7, %mul3A_14 : i32
    %mul3A_16 = arith.constant 624 : i32
    %mul3A_17 = arith.muli %arg1, %mul3A_16 : i32
    "tpu.region"() ({
      %run_scoped3A = tpu.sem_alloc : memref<!tpu.dma_semaphore, #tpu.memory_space<semaphore_mem>>
      %dma_start3A_142 = arith.constant 0 : i32
      %dma_start3A_143 = tpu.memref_slice %arg15[%mul3A_17, %dma_start3A_142] : memref<10016x128xf32, #tpu.memory_space<vmem_shared>> -> memref<624x128xf32, #tpu.memory_space<vmem_shared>>
      %dma_start3A_144 = arith.constant 0 : i32
      %dma_start3A_145 = tpu.memref_slice %arg2[%add3A_15, %dma_start3A_144] : memref<20000x128xf32, #tpu.memory_space<hbm>> -> memref<624x128xf32, #tpu.memory_space<hbm>>
      tpu.enqueue_dma source(%dma_start3A_145 : memref<624x128xf32, #tpu.memory_space<hbm>>) target(%dma_start3A_143 : memref<624x128xf32, #tpu.memory_space<vmem_shared>>) target_semaphore(%run_scoped3A : memref<!tpu.dma_semaphore, #tpu.memory_space<semaphore_mem>>)
      %dma_wait3A_146 = arith.constant 0 : i32
      %dma_wait3A_147 = tpu.memref_slice %arg15[%mul3A_17, %dma_wait3A_146] : memref<10016x128xf32, #tpu.memory_space<vmem_shared>> -> memref<624x128xf32, #tpu.memory_space<vmem_shared>>
      %dma_wait3A_148 = arith.constant 0 : i32
      %dma_wait3A_149 = tpu.memref_slice %arg2[%add3A_15, %dma_wait3A_148] : memref<20000x128xf32, #tpu.memory_space<hbm>> -> memref<624x128xf32, #tpu.memory_space<hbm>>
      tpu.wait_dma2 semaphore(%run_scoped3A : memref<!tpu.dma_semaphore, #tpu.memory_space<semaphore_mem>>) src(%dma_wait3A_149 : memref<624x128xf32, #tpu.memory_space<hbm>>) dst(%dma_wait3A_147 : memref<624x128xf32, #tpu.memory_space<vmem_shared>>)
      tpu.yield
    }) : () -> ()
    %eq3A = arith.constant 15 : i32
    %eq3A_18 = arith.cmpi eq, %arg1, %eq3A : i32
    %convert_element_type3A = arith.extui %eq3A_18 : i1 to i32
    %cond3A = arith.constant 0 : i32
    %cond3A_19 = arith.cmpi ne, %convert_element_type3A, %cond3A : i32
    scf.if %cond3A_19 {
      %add3A_142 = arith.constant 9984 : i32
      %add3A_143 = arith.addi %mul3A_7, %add3A_142 : i32
      "tpu.region"() ({
        %run_scoped3A = tpu.sem_alloc : memref<!tpu.dma_semaphore, #tpu.memory_space<semaphore_mem>>
        %dma_start3A_144 = arith.constant 9984 : i32
        %dma_start3A_145 = arith.constant 0 : i32
        %dma_start3A_146 = tpu.memref_slice %arg15[%dma_start3A_144, %dma_start3A_145] : memref<10016x128xf32, #tpu.memory_space<vmem_shared>> -> memref<16x128xf32, #tpu.memory_space<vmem_shared>>
        %dma_start3A_147 = arith.constant 0 : i32
        %dma_start3A_148 = tpu.memref_slice %arg2[%add3A_143, %dma_start3A_147] : memref<20000x128xf32, #tpu.memory_space<hbm>> -> memref<16x128xf32, #tpu.memory_space<hbm>>
        tpu.enqueue_dma source(%dma_start3A_148 : memref<16x128xf32, #tpu.memory_space<hbm>>) target(%dma_start3A_146 : memref<16x128xf32, #tpu.memory_space<vmem_shared>>) target_semaphore(%run_scoped3A : memref<!tpu.dma_semaphore, #tpu.memory_space<semaphore_mem>>)
        %dma_wait3A_149 = arith.constant 9984 : i32
        %dma_wait3A_150 = arith.constant 0 : i32
        %dma_wait3A_151 = tpu.memref_slice %arg15[%dma_wait3A_149, %dma_wait3A_150] : memref<10016x128xf32, #tpu.memory_space<vmem_shared>> -> memref<16x128xf32, #tpu.memory_space<vmem_shared>>
        %dma_wait3A_152 = arith.constant 0 : i32
        %dma_wait3A_153 = tpu.memref_slice %arg2[%add3A_143, %dma_wait3A_152] : memref<20000x128xf32, #tpu.memory_space<hbm>> -> memref<16x128xf32, #tpu.memory_space<hbm>>
        tpu.wait_dma2 semaphore(%run_scoped3A : memref<!tpu.dma_semaphore, #tpu.memory_space<semaphore_mem>>) src(%dma_wait3A_153 : memref<16x128xf32, #tpu.memory_space<hbm>>) dst(%dma_wait3A_151 : memref<16x128xf32, #tpu.memory_space<vmem_shared>>)
        tpu.yield
      }) : () -> ()
    } else {
    }
    %add3A_20 = arith.constant 0 : i32
    %add3A_21 = arith.addi %mul3A_12, %add3A_20 : i32
    %dma_start3A = tpu.memref_slice %arg3[%add3A_21] : memref<328704xi32, #tpu.memory_space<hbm>> -> memref<128xi32, #tpu.memory_space<hbm>>
    %dma_start3A_22 = tpu.memref_slice %arg3[%add3A_21] : memref<328704xi32, #tpu.memory_space<hbm>> -> memref<128xi32, #tpu.memory_space<hbm>>
    tpu.enqueue_dma source(%dma_start3A_22 : memref<128xi32, #tpu.memory_space<hbm>>) target(%arg6 : memref<128xi32, #tpu.memory_space<vmem>>) target_semaphore(%arg22 : memref<!tpu.dma_semaphore, #tpu.memory_space<semaphore_mem>>)
    %add3A_23 = arith.constant 0 : i32
    %add3A_24 = arith.addi %mul3A_2, %add3A_23 : i32
    %dma_start3A_25 = tpu.memref_slice %arg4[%add3A_24] : memref<164864xi32, #tpu.memory_space<hbm>> -> memref<128xi32, #tpu.memory_space<hbm>>
    %dma_start3A_26 = tpu.memref_slice %arg4[%add3A_24] : memref<164864xi32, #tpu.memory_space<hbm>> -> memref<128xi32, #tpu.memory_space<hbm>>
    tpu.enqueue_dma source(%dma_start3A_26 : memref<128xi32, #tpu.memory_space<hbm>>) target(%arg9 : memref<128xi32, #tpu.memory_space<vmem>>) target_semaphore(%arg25 : memref<!tpu.dma_semaphore, #tpu.memory_space<semaphore_mem>>)
    %add3A_27 = arith.constant 128 : i32
    %add3A_28 = arith.addi %mul3A_12, %add3A_27 : i32
    %dma_start3A_29 = tpu.memref_slice %arg3[%add3A_28] : memref<328704xi32, #tpu.memory_space<hbm>> -> memref<128xi32, #tpu.memory_space<hbm>>
    %dma_start3A_30 = tpu.memref_slice %arg3[%add3A_28] : memref<328704xi32, #tpu.memory_space<hbm>> -> memref<128xi32, #tpu.memory_space<hbm>>
    tpu.enqueue_dma source(%dma_start3A_30 : memref<128xi32, #tpu.memory_space<hbm>>) target(%arg7 : memref<128xi32, #tpu.memory_space<vmem>>) target_semaphore(%arg23 : memref<!tpu.dma_semaphore, #tpu.memory_space<semaphore_mem>>)
    %add3A_31 = arith.constant 128 : i32
    %add3A_32 = arith.addi %mul3A_2, %add3A_31 : i32
    %dma_start3A_33 = tpu.memref_slice %arg4[%add3A_32] : memref<164864xi32, #tpu.memory_space<hbm>> -> memref<128xi32, #tpu.memory_space<hbm>>
    %dma_start3A_34 = tpu.memref_slice %arg4[%add3A_32] : memref<164864xi32, #tpu.memory_space<hbm>> -> memref<128xi32, #tpu.memory_space<hbm>>
    tpu.enqueue_dma source(%dma_start3A_34 : memref<128xi32, #tpu.memory_space<hbm>>) target(%arg10 : memref<128xi32, #tpu.memory_space<vmem>>) target_semaphore(%arg26 : memref<!tpu.dma_semaphore, #tpu.memory_space<semaphore_mem>>)
    %add3A_35 = arith.constant 256 : i32
    %add3A_36 = arith.addi %mul3A_12, %add3A_35 : i32
    %dma_start3A_37 = tpu.memref_slice %arg3[%add3A_36] : memref<328704xi32, #tpu.memory_space<hbm>> -> memref<128xi32, #tpu.memory_space<hbm>>
    %dma_start3A_38 = tpu.memref_slice %arg3[%add3A_36] : memref<328704xi32, #tpu.memory_space<hbm>> -> memref<128xi32, #tpu.memory_space<hbm>>
    tpu.enqueue_dma source(%dma_start3A_38 : memref<128xi32, #tpu.memory_space<hbm>>) target(%arg8 : memref<128xi32, #tpu.memory_space<vmem>>) target_semaphore(%arg24 : memref<!tpu.dma_semaphore, #tpu.memory_space<semaphore_mem>>)
    %dma_wait3A = arith.constant 0 : i32
    %dma_wait3A_39 = tpu.memref_slice %arg3[%dma_wait3A] : memref<328704xi32, #tpu.memory_space<hbm>> -> memref<128xi32, #tpu.memory_space<hbm>>
    %dma_wait3A_40 = arith.constant 0 : i32
    %dma_wait3A_41 = tpu.memref_slice %arg3[%dma_wait3A_40] : memref<328704xi32, #tpu.memory_space<hbm>> -> memref<128xi32, #tpu.memory_space<hbm>>
    tpu.wait_dma2 semaphore(%arg22 : memref<!tpu.dma_semaphore, #tpu.memory_space<semaphore_mem>>) src(%dma_wait3A_41 : memref<128xi32, #tpu.memory_space<hbm>>) dst(%arg6 : memref<128xi32, #tpu.memory_space<vmem>>)
    %dma_start3A_42 = arith.constant 0 : i32
    %dma_start3A_43 = arith.constant 0 : i32
    %dma_start3A_44 = tpu.memref_slice %arg2[%dma_start3A_42, %dma_start3A_43] : memref<20000x128xf32, #tpu.memory_space<hbm>> -> memref<20000x128xf32, #tpu.memory_space<hbm>>
    tpu.enqueue_indirect_dma source(%dma_start3A_44 : memref<20000x128xf32, #tpu.memory_space<hbm>>) target(%arg12 : memref<128x128xf32, #tpu.memory_space<vmem>>) offsets(%arg6 : memref<128xi32, #tpu.memory_space<vmem>>) semaphore(%arg16 : memref<!tpu.dma_semaphore, #tpu.memory_space<semaphore_mem>>)
    %dma_wait3A_45 = arith.constant 0 : i32
    %dma_wait3A_46 = tpu.memref_slice %arg3[%dma_wait3A_45] : memref<328704xi32, #tpu.memory_space<hbm>> -> memref<128xi32, #tpu.memory_space<hbm>>
    %dma_wait3A_47 = arith.constant 0 : i32
    %dma_wait3A_48 = tpu.memref_slice %arg3[%dma_wait3A_47] : memref<328704xi32, #tpu.memory_space<hbm>> -> memref<128xi32, #tpu.memory_space<hbm>>
    tpu.wait_dma2 semaphore(%arg23 : memref<!tpu.dma_semaphore, #tpu.memory_space<semaphore_mem>>) src(%dma_wait3A_48 : memref<128xi32, #tpu.memory_space<hbm>>) dst(%arg7 : memref<128xi32, #tpu.memory_space<vmem>>)
    %dma_start3A_49 = arith.constant 0 : i32
    %dma_start3A_50 = arith.constant 0 : i32
    %dma_start3A_51 = tpu.memref_slice %arg2[%dma_start3A_49, %dma_start3A_50] : memref<20000x128xf32, #tpu.memory_space<hbm>> -> memref<20000x128xf32, #tpu.memory_space<hbm>>
    tpu.enqueue_indirect_dma source(%dma_start3A_51 : memref<20000x128xf32, #tpu.memory_space<hbm>>) target(%arg13 : memref<128x128xf32, #tpu.memory_space<vmem>>) offsets(%arg7 : memref<128xi32, #tpu.memory_space<vmem>>) semaphore(%arg17 : memref<!tpu.dma_semaphore, #tpu.memory_space<semaphore_mem>>)
    %barrier3A = arith.constant 0 : index
    tpu.barrier barrier_id(%barrier3A)
    %dma_wait3A_52 = arith.constant 0 : i32
    %dma_wait3A_53 = arith.constant 0 : i32
    %dma_wait3A_54 = tpu.memref_slice %arg2[%dma_wait3A_52, %dma_wait3A_53] : memref<20000x128xf32, #tpu.memory_space<hbm>> -> memref<20000x128xf32, #tpu.memory_space<hbm>>
    tpu.wait_indirect_dma semaphore(%arg16 : memref<!tpu.dma_semaphore, #tpu.memory_space<semaphore_mem>>) src(%dma_wait3A_54 : memref<20000x128xf32, #tpu.memory_space<hbm>>) dst(%arg12 : memref<128x128xf32, #tpu.memory_space<vmem>>)
    %add3A_55 = arith.constant 384 : i32
    %add3A_56 = arith.addi %mul3A_12, %add3A_55 : i32
    %dma_start3A_57 = tpu.memref_slice %arg3[%add3A_56] : memref<328704xi32, #tpu.memory_space<hbm>> -> memref<128xi32, #tpu.memory_space<hbm>>
    %dma_start3A_58 = tpu.memref_slice %arg3[%add3A_56] : memref<328704xi32, #tpu.memory_space<hbm>> -> memref<128xi32, #tpu.memory_space<hbm>>
    tpu.enqueue_dma source(%dma_start3A_58 : memref<128xi32, #tpu.memory_space<hbm>>) target(%arg6 : memref<128xi32, #tpu.memory_space<vmem>>) target_semaphore(%arg22 : memref<!tpu.dma_semaphore, #tpu.memory_space<semaphore_mem>>)
    %dma_wait3A_59 = arith.constant 0 : i32
    %dma_wait3A_60 = tpu.memref_slice %arg4[%dma_wait3A_59] : memref<164864xi32, #tpu.memory_space<hbm>> -> memref<128xi32, #tpu.memory_space<hbm>>
    %dma_wait3A_61 = arith.constant 0 : i32
    %dma_wait3A_62 = tpu.memref_slice %arg4[%dma_wait3A_61] : memref<164864xi32, #tpu.memory_space<hbm>> -> memref<128xi32, #tpu.memory_space<hbm>>
    tpu.wait_dma2 semaphore(%arg25 : memref<!tpu.dma_semaphore, #tpu.memory_space<semaphore_mem>>) src(%dma_wait3A_62 : memref<128xi32, #tpu.memory_space<hbm>>) dst(%arg9 : memref<128xi32, #tpu.memory_space<vmem>>)
    %dma_start3A_63 = arith.constant 0 : i32
    %dma_start3A_64 = arith.constant 0 : i32
    %dma_start3A_65 = tpu.memref_slice %arg15[%dma_start3A_63, %dma_start3A_64] : memref<10016x128xf32, #tpu.memory_space<vmem_shared>> -> memref<10016x128xf32, #tpu.memory_space<vmem_shared>>
    tpu.enqueue_indirect_dma source(%arg12 : memref<128x128xf32, #tpu.memory_space<vmem>>) target(%dma_start3A_65 : memref<10016x128xf32, #tpu.memory_space<vmem_shared>>) offsets(%arg9 : memref<128xi32, #tpu.memory_space<vmem>>) semaphore(%arg19 : memref<!tpu.dma_semaphore, #tpu.memory_space<semaphore_mem>>) {add = true}
    %add3A_66 = arith.constant 256 : i32
    %add3A_67 = arith.addi %mul3A_2, %add3A_66 : i32
    %dma_start3A_68 = tpu.memref_slice %arg4[%add3A_67] : memref<164864xi32, #tpu.memory_space<hbm>> -> memref<128xi32, #tpu.memory_space<hbm>>
    %dma_start3A_69 = tpu.memref_slice %arg4[%add3A_67] : memref<164864xi32, #tpu.memory_space<hbm>> -> memref<128xi32, #tpu.memory_space<hbm>>
    tpu.enqueue_dma source(%dma_start3A_69 : memref<128xi32, #tpu.memory_space<hbm>>) target(%arg11 : memref<128xi32, #tpu.memory_space<vmem>>) target_semaphore(%arg27 : memref<!tpu.dma_semaphore, #tpu.memory_space<semaphore_mem>>)
    %dma_wait3A_70 = arith.constant 0 : i32
    %dma_wait3A_71 = tpu.memref_slice %arg3[%dma_wait3A_70] : memref<328704xi32, #tpu.memory_space<hbm>> -> memref<128xi32, #tpu.memory_space<hbm>>
    %dma_wait3A_72 = arith.constant 0 : i32
    %dma_wait3A_73 = tpu.memref_slice %arg3[%dma_wait3A_72] : memref<328704xi32, #tpu.memory_space<hbm>> -> memref<128xi32, #tpu.memory_space<hbm>>
    tpu.wait_dma2 semaphore(%arg24 : memref<!tpu.dma_semaphore, #tpu.memory_space<semaphore_mem>>) src(%dma_wait3A_73 : memref<128xi32, #tpu.memory_space<hbm>>) dst(%arg8 : memref<128xi32, #tpu.memory_space<vmem>>)
    %dma_start3A_74 = arith.constant 0 : i32
    %dma_start3A_75 = arith.constant 0 : i32
    %dma_start3A_76 = tpu.memref_slice %arg2[%dma_start3A_74, %dma_start3A_75] : memref<20000x128xf32, #tpu.memory_space<hbm>> -> memref<20000x128xf32, #tpu.memory_space<hbm>>
    tpu.enqueue_indirect_dma source(%dma_start3A_76 : memref<20000x128xf32, #tpu.memory_space<hbm>>) target(%arg14 : memref<128x128xf32, #tpu.memory_space<vmem>>) offsets(%arg8 : memref<128xi32, #tpu.memory_space<vmem>>) semaphore(%arg18 : memref<!tpu.dma_semaphore, #tpu.memory_space<semaphore_mem>>)
    %scan3A = arith.constant 0 : i32
    %scan3A_77 = arith.constant 0 : i32
    %scan3A_78 = arith.constant 26 : i32
    %scan3A_79 = arith.addi %scan3A_77, %scan3A_78 : i32
    %scan3A_80 = arith.constant 1 : i32
    scf.for %scan3A_142 = %scan3A_77 to %scan3A_79 step %scan3A_80  : i32 {
      %mul3A_143 = arith.constant 3 : i32
      %mul3A_144 = arith.muli %mul3A_143, %scan3A_142 : i32
      %add3A_145 = arith.constant 1 : i32
      %add3A_146 = arith.addi %add3A_145, %mul3A_144 : i32
      %add3A_147 = arith.constant 0 : i32
      %add3A_148 = arith.addi %add3A_146, %add3A_147 : i32
      %dma_wait3A_149 = arith.constant 0 : i32
      %dma_wait3A_150 = arith.constant 0 : i32
      %dma_wait3A_151 = tpu.memref_slice %arg2[%dma_wait3A_149, %dma_wait3A_150] : memref<20000x128xf32, #tpu.memory_space<hbm>> -> memref<20000x128xf32, #tpu.memory_space<hbm>>
      tpu.wait_indirect_dma semaphore(%arg17 : memref<!tpu.dma_semaphore, #tpu.memory_space<semaphore_mem>>) src(%dma_wait3A_151 : memref<20000x128xf32, #tpu.memory_space<hbm>>) dst(%arg13 : memref<128x128xf32, #tpu.memory_space<vmem>>)
      %add3A_152 = arith.constant 3 : i32
      %add3A_153 = arith.addi %add3A_148, %add3A_152 : i32
      %mul3A_154 = arith.constant 128 : i32
      %mul3A_155 = arith.muli %add3A_153, %mul3A_154 : i32
      %add3A_156 = arith.addi %mul3A_12, %mul3A_155 : i32
      %dma_start3A_157 = tpu.memref_slice %arg3[%add3A_156] : memref<328704xi32, #tpu.memory_space<hbm>> -> memref<128xi32, #tpu.memory_space<hbm>>
      %dma_start3A_158 = tpu.memref_slice %arg3[%add3A_156] : memref<328704xi32, #tpu.memory_space<hbm>> -> memref<128xi32, #tpu.memory_space<hbm>>
      tpu.enqueue_dma source(%dma_start3A_158 : memref<128xi32, #tpu.memory_space<hbm>>) target(%arg7 : memref<128xi32, #tpu.memory_space<vmem>>) target_semaphore(%arg23 : memref<!tpu.dma_semaphore, #tpu.memory_space<semaphore_mem>>)
      %dma_wait3A_159 = arith.constant 0 : i32
      %dma_wait3A_160 = tpu.memref_slice %arg4[%dma_wait3A_159] : memref<164864xi32, #tpu.memory_space<hbm>> -> memref<128xi32, #tpu.memory_space<hbm>>
      %dma_wait3A_161 = arith.constant 0 : i32
      %dma_wait3A_162 = tpu.memref_slice %arg4[%dma_wait3A_161] : memref<164864xi32, #tpu.memory_space<hbm>> -> memref<128xi32, #tpu.memory_space<hbm>>
      tpu.wait_dma2 semaphore(%arg26 : memref<!tpu.dma_semaphore, #tpu.memory_space<semaphore_mem>>) src(%dma_wait3A_162 : memref<128xi32, #tpu.memory_space<hbm>>) dst(%arg10 : memref<128xi32, #tpu.memory_space<vmem>>)
      %dma_start3A_163 = arith.constant 0 : i32
      %dma_start3A_164 = arith.constant 0 : i32
      %dma_start3A_165 = tpu.memref_slice %arg15[%dma_start3A_163, %dma_start3A_164] : memref<10016x128xf32, #tpu.memory_space<vmem_shared>> -> memref<10016x128xf32, #tpu.memory_space<vmem_shared>>
      tpu.enqueue_indirect_dma source(%arg13 : memref<128x128xf32, #tpu.memory_space<vmem>>) target(%dma_start3A_165 : memref<10016x128xf32, #tpu.memory_space<vmem_shared>>) offsets(%arg10 : memref<128xi32, #tpu.memory_space<vmem>>) semaphore(%arg20 : memref<!tpu.dma_semaphore, #tpu.memory_space<semaphore_mem>>) {add = true}
      %dma_wait3A_166 = arith.constant 0 : i32
      %dma_wait3A_167 = arith.constant 0 : i32
      %dma_wait3A_168 = tpu.memref_slice %arg15[%dma_wait3A_166, %dma_wait3A_167] : memref<10016x128xf32, #tpu.memory_space<vmem_shared>> -> memref<10016x128xf32, #tpu.memory_space<vmem_shared>>
      tpu.wait_indirect_dma semaphore(%arg19 : memref<!tpu.dma_semaphore, #tpu.memory_space<semaphore_mem>>) src(%arg12 : memref<128x128xf32, #tpu.memory_space<vmem>>) dst(%dma_wait3A_168 : memref<10016x128xf32, #tpu.memory_space<vmem_shared>>)
      %add3A_169 = arith.constant 2 : i32
      %add3A_170 = arith.addi %add3A_148, %add3A_169 : i32
      %mul3A_171 = arith.constant 128 : i32
      %mul3A_172 = arith.muli %add3A_170, %mul3A_171 : i32
      %add3A_173 = arith.addi %mul3A_2, %mul3A_172 : i32
      %dma_start3A_174 = tpu.memref_slice %arg4[%add3A_173] : memref<164864xi32, #tpu.memory_space<hbm>> -> memref<128xi32, #tpu.memory_space<hbm>>
      %dma_start3A_175 = tpu.memref_slice %arg4[%add3A_173] : memref<164864xi32, #tpu.memory_space<hbm>> -> memref<128xi32, #tpu.memory_space<hbm>>
      tpu.enqueue_dma source(%dma_start3A_175 : memref<128xi32, #tpu.memory_space<hbm>>) target(%arg9 : memref<128xi32, #tpu.memory_space<vmem>>) target_semaphore(%arg25 : memref<!tpu.dma_semaphore, #tpu.memory_space<semaphore_mem>>)
      %dma_wait3A_176 = arith.constant 0 : i32
      %dma_wait3A_177 = tpu.memref_slice %arg3[%dma_wait3A_176] : memref<328704xi32, #tpu.memory_space<hbm>> -> memref<128xi32, #tpu.memory_space<hbm>>
      %dma_wait3A_178 = arith.constant 0 : i32
      %dma_wait3A_179 = tpu.memref_slice %arg3[%dma_wait3A_178] : memref<328704xi32, #tpu.memory_space<hbm>> -> memref<128xi32, #tpu.memory_space<hbm>>
      tpu.wait_dma2 semaphore(%arg22 : memref<!tpu.dma_semaphore, #tpu.memory_space<semaphore_mem>>) src(%dma_wait3A_179 : memref<128xi32, #tpu.memory_space<hbm>>) dst(%arg6 : memref<128xi32, #tpu.memory_space<vmem>>)
      %dma_start3A_180 = arith.constant 0 : i32
      %dma_start3A_181 = arith.constant 0 : i32
      %dma_start3A_182 = tpu.memref_slice %arg2[%dma_start3A_180, %dma_start3A_181] : memref<20000x128xf32, #tpu.memory_space<hbm>> -> memref<20000x128xf32, #tpu.memory_space<hbm>>
      tpu.enqueue_indirect_dma source(%dma_start3A_182 : memref<20000x128xf32, #tpu.memory_space<hbm>>) target(%arg12 : memref<128x128xf32, #tpu.memory_space<vmem>>) offsets(%arg6 : memref<128xi32, #tpu.memory_space<vmem>>) semaphore(%arg16 : memref<!tpu.dma_semaphore, #tpu.memory_space<semaphore_mem>>)
      %mul3A_183 = arith.constant 3 : i32
      %mul3A_184 = arith.muli %mul3A_183, %scan3A_142 : i32
      %add3A_185 = arith.constant 1 : i32
      %add3A_186 = arith.addi %add3A_185, %mul3A_184 : i32
      %add3A_187 = arith.constant 1 : i32
      %add3A_188 = arith.addi %add3A_186, %add3A_187 : i32
      %dma_wait3A_189 = arith.constant 0 : i32
      %dma_wait3A_190 = arith.constant 0 : i32
      %dma_wait3A_191 = tpu.memref_slice %arg2[%dma_wait3A_189, %dma_wait3A_190] : memref<20000x128xf32, #tpu.memory_space<hbm>> -> memref<20000x128xf32, #tpu.memory_space<hbm>>
      tpu.wait_indirect_dma semaphore(%arg18 : memref<!tpu.dma_semaphore, #tpu.memory_space<semaphore_mem>>) src(%dma_wait3A_191 : memref<20000x128xf32, #tpu.memory_space<hbm>>) dst(%arg14 : memref<128x128xf32, #tpu.memory_space<vmem>>)
      %add3A_192 = arith.constant 3 : i32
      %add3A_193 = arith.addi %add3A_188, %add3A_192 : i32
      %mul3A_194 = arith.constant 128 : i32
      %mul3A_195 = arith.muli %add3A_193, %mul3A_194 : i32
      %add3A_196 = arith.addi %mul3A_12, %mul3A_195 : i32
      %dma_start3A_197 = tpu.memref_slice %arg3[%add3A_196] : memref<328704xi32, #tpu.memory_space<hbm>> -> memref<128xi32, #tpu.memory_space<hbm>>
      %dma_start3A_198 = tpu.memref_slice %arg3[%add3A_196] : memref<328704xi32, #tpu.memory_space<hbm>> -> memref<128xi32, #tpu.memory_space<hbm>>
      tpu.enqueue_dma source(%dma_start3A_198 : memref<128xi32, #tpu.memory_space<hbm>>) target(%arg8 : memref<128xi32, #tpu.memory_space<vmem>>) target_semaphore(%arg24 : memref<!tpu.dma_semaphore, #tpu.memory_space<semaphore_mem>>)
      %dma_wait3A_199 = arith.constant 0 : i32
      %dma_wait3A_200 = tpu.memref_slice %arg4[%dma_wait3A_199] : memref<164864xi32, #tpu.memory_space<hbm>> -> memref<128xi32, #tpu.memory_space<hbm>>
      %dma_wait3A_201 = arith.constant 0 : i32
      %dma_wait3A_202 = tpu.memref_slice %arg4[%dma_wait3A_201] : memref<164864xi32, #tpu.memory_space<hbm>> -> memref<128xi32, #tpu.memory_space<hbm>>
      tpu.wait_dma2 semaphore(%arg27 : memref<!tpu.dma_semaphore, #tpu.memory_space<semaphore_mem>>) src(%dma_wait3A_202 : memref<128xi32, #tpu.memory_space<hbm>>) dst(%arg11 : memref<128xi32, #tpu.memory_space<vmem>>)
      %dma_start3A_203 = arith.constant 0 : i32
      %dma_start3A_204 = arith.constant 0 : i32
      %dma_start3A_205 = tpu.memref_slice %arg15[%dma_start3A_203, %dma_start3A_204] : memref<10016x128xf32, #tpu.memory_space<vmem_shared>> -> memref<10016x128xf32, #tpu.memory_space<vmem_shared>>
      tpu.enqueue_indirect_dma source(%arg14 : memref<128x128xf32, #tpu.memory_space<vmem>>) target(%dma_start3A_205 : memref<10016x128xf32, #tpu.memory_space<vmem_shared>>) offsets(%arg11 : memref<128xi32, #tpu.memory_space<vmem>>) semaphore(%arg21 : memref<!tpu.dma_semaphore, #tpu.memory_space<semaphore_mem>>) {add = true}
      %dma_wait3A_206 = arith.constant 0 : i32
      %dma_wait3A_207 = arith.constant 0 : i32
      %dma_wait3A_208 = tpu.memref_slice %arg15[%dma_wait3A_206, %dma_wait3A_207] : memref<10016x128xf32, #tpu.memory_space<vmem_shared>> -> memref<10016x128xf32, #tpu.memory_space<vmem_shared>>
      tpu.wait_indirect_dma semaphore(%arg20 : memref<!tpu.dma_semaphore, #tpu.memory_space<semaphore_mem>>) src(%arg13 : memref<128x128xf32, #tpu.memory_space<vmem>>) dst(%dma_wait3A_208 : memref<10016x128xf32, #tpu.memory_space<vmem_shared>>)
      %add3A_209 = arith.constant 2 : i32
      %add3A_210 = arith.addi %add3A_188, %add3A_209 : i32
      %mul3A_211 = arith.constant 128 : i32
      %mul3A_212 = arith.muli %add3A_210, %mul3A_211 : i32
      %add3A_213 = arith.addi %mul3A_2, %mul3A_212 : i32
      %dma_start3A_214 = tpu.memref_slice %arg4[%add3A_213] : memref<164864xi32, #tpu.memory_space<hbm>> -> memref<128xi32, #tpu.memory_space<hbm>>
      %dma_start3A_215 = tpu.memref_slice %arg4[%add3A_213] : memref<164864xi32, #tpu.memory_space<hbm>> -> memref<128xi32, #tpu.memory_space<hbm>>
      tpu.enqueue_dma source(%dma_start3A_215 : memref<128xi32, #tpu.memory_space<hbm>>) target(%arg10 : memref<128xi32, #tpu.memory_space<vmem>>) target_semaphore(%arg26 : memref<!tpu.dma_semaphore, #tpu.memory_space<semaphore_mem>>)
      %dma_wait3A_216 = arith.constant 0 : i32
      %dma_wait3A_217 = tpu.memref_slice %arg3[%dma_wait3A_216] : memref<328704xi32, #tpu.memory_space<hbm>> -> memref<128xi32, #tpu.memory_space<hbm>>
      %dma_wait3A_218 = arith.constant 0 : i32
      %dma_wait3A_219 = tpu.memref_slice %arg3[%dma_wait3A_218] : memref<328704xi32, #tpu.memory_space<hbm>> -> memref<128xi32, #tpu.memory_space<hbm>>
      tpu.wait_dma2 semaphore(%arg23 : memref<!tpu.dma_semaphore, #tpu.memory_space<semaphore_mem>>) src(%dma_wait3A_219 : memref<128xi32, #tpu.memory_space<hbm>>) dst(%arg7 : memref<128xi32, #tpu.memory_space<vmem>>)
      %dma_start3A_220 = arith.constant 0 : i32
      %dma_start3A_221 = arith.constant 0 : i32
      %dma_start3A_222 = tpu.memref_slice %arg2[%dma_start3A_220, %dma_start3A_221] : memref<20000x128xf32, #tpu.memory_space<hbm>> -> memref<20000x128xf32, #tpu.memory_space<hbm>>
      tpu.enqueue_indirect_dma source(%dma_start3A_222 : memref<20000x128xf32, #tpu.memory_space<hbm>>) target(%arg13 : memref<128x128xf32, #tpu.memory_space<vmem>>) offsets(%arg7 : memref<128xi32, #tpu.memory_space<vmem>>) semaphore(%arg17 : memref<!tpu.dma_semaphore, #tpu.memory_space<semaphore_mem>>)
      %mul3A_223 = arith.constant 3 : i32
      %mul3A_224 = arith.muli %mul3A_223, %scan3A_142 : i32
      %add3A_225 = arith.constant 1 : i32
      %add3A_226 = arith.addi %add3A_225, %mul3A_224 : i32
      %add3A_227 = arith.constant 2 : i32
      %add3A_228 = arith.addi %add3A_226, %add3A_227 : i32
      %dma_wait3A_229 = arith.constant 0 : i32
      %dma_wait3A_230 = arith.constant 0 : i32
      %dma_wait3A_231 = tpu.memref_slice %arg2[%dma_wait3A_229, %dma_wait3A_230] : memref<20000x128xf32, #tpu.memory_space<hbm>> -> memref<20000x128xf32, #tpu.memory_space<hbm>>
      tpu.wait_indirect_dma semaphore(%arg16 : memref<!tpu.dma_semaphore, #tpu.memory_space<semaphore_mem>>) src(%dma_wait3A_231 : memref<20000x128xf32, #tpu.memory_space<hbm>>) dst(%arg12 : memref<128x128xf32, #tpu.memory_space<vmem>>)
      %add3A_232 = arith.constant 3 : i32
      %add3A_233 = arith.addi %add3A_228, %add3A_232 : i32
      %mul3A_234 = arith.constant 128 : i32
      %mul3A_235 = arith.muli %add3A_233, %mul3A_234 : i32
      %add3A_236 = arith.addi %mul3A_12, %mul3A_235 : i32
      %dma_start3A_237 = tpu.memref_slice %arg3[%add3A_236] : memref<328704xi32, #tpu.memory_space<hbm>> -> memref<128xi32, #tpu.memory_space<hbm>>
      %dma_start3A_238 = tpu.memref_slice %arg3[%add3A_236] : memref<328704xi32, #tpu.memory_space<hbm>> -> memref<128xi32, #tpu.memory_space<hbm>>
      tpu.enqueue_dma source(%dma_start3A_238 : memref<128xi32, #tpu.memory_space<hbm>>) target(%arg6 : memref<128xi32, #tpu.memory_space<vmem>>) target_semaphore(%arg22 : memref<!tpu.dma_semaphore, #tpu.memory_space<semaphore_mem>>)
      %dma_wait3A_239 = arith.constant 0 : i32
      %dma_wait3A_240 = tpu.memref_slice %arg4[%dma_wait3A_239] : memref<164864xi32, #tpu.memory_space<hbm>> -> memref<128xi32, #tpu.memory_space<hbm>>
      %dma_wait3A_241 = arith.constant 0 : i32
      %dma_wait3A_242 = tpu.memref_slice %arg4[%dma_wait3A_241] : memref<164864xi32, #tpu.memory_space<hbm>> -> memref<128xi32, #tpu.memory_space<hbm>>
      tpu.wait_dma2 semaphore(%arg25 : memref<!tpu.dma_semaphore, #tpu.memory_space<semaphore_mem>>) src(%dma_wait3A_242 : memref<128xi32, #tpu.memory_space<hbm>>) dst(%arg9 : memref<128xi32, #tpu.memory_space<vmem>>)
      %dma_start3A_243 = arith.constant 0 : i32
      %dma_start3A_244 = arith.constant 0 : i32
      %dma_start3A_245 = tpu.memref_slice %arg15[%dma_start3A_243, %dma_start3A_244] : memref<10016x128xf32, #tpu.memory_space<vmem_shared>> -> memref<10016x128xf32, #tpu.memory_space<vmem_shared>>
      tpu.enqueue_indirect_dma source(%arg12 : memref<128x128xf32, #tpu.memory_space<vmem>>) target(%dma_start3A_245 : memref<10016x128xf32, #tpu.memory_space<vmem_shared>>) offsets(%arg9 : memref<128xi32, #tpu.memory_space<vmem>>) semaphore(%arg19 : memref<!tpu.dma_semaphore, #tpu.memory_space<semaphore_mem>>) {add = true}
      %dma_wait3A_246 = arith.constant 0 : i32
      %dma_wait3A_247 = arith.constant 0 : i32
      %dma_wait3A_248 = tpu.memref_slice %arg15[%dma_wait3A_246, %dma_wait3A_247] : memref<10016x128xf32, #tpu.memory_space<vmem_shared>> -> memref<10016x128xf32, #tpu.memory_space<vmem_shared>>
      tpu.wait_indirect_dma semaphore(%arg21 : memref<!tpu.dma_semaphore, #tpu.memory_space<semaphore_mem>>) src(%arg14 : memref<128x128xf32, #tpu.memory_space<vmem>>) dst(%dma_wait3A_248 : memref<10016x128xf32, #tpu.memory_space<vmem_shared>>)
      %add3A_249 = arith.constant 2 : i32
      %add3A_250 = arith.addi %add3A_228, %add3A_249 : i32
      %mul3A_251 = arith.constant 128 : i32
      %mul3A_252 = arith.muli %add3A_250, %mul3A_251 : i32
      %add3A_253 = arith.addi %mul3A_2, %mul3A_252 : i32
      %dma_start3A_254 = tpu.memref_slice %arg4[%add3A_253] : memref<164864xi32, #tpu.memory_space<hbm>> -> memref<128xi32, #tpu.memory_space<hbm>>
      %dma_start3A_255 = tpu.memref_slice %arg4[%add3A_253] : memref<164864xi32, #tpu.memory_space<hbm>> -> memref<128xi32, #tpu.memory_space<hbm>>
      tpu.enqueue_dma source(%dma_start3A_255 : memref<128xi32, #tpu.memory_space<hbm>>) target(%arg11 : memref<128xi32, #tpu.memory_space<vmem>>) target_semaphore(%arg27 : memref<!tpu.dma_semaphore, #tpu.memory_space<semaphore_mem>>)
      %dma_wait3A_256 = arith.constant 0 : i32
      %dma_wait3A_257 = tpu.memref_slice %arg3[%dma_wait3A_256] : memref<328704xi32, #tpu.memory_space<hbm>> -> memref<128xi32, #tpu.memory_space<hbm>>
      %dma_wait3A_258 = arith.constant 0 : i32
      %dma_wait3A_259 = tpu.memref_slice %arg3[%dma_wait3A_258] : memref<328704xi32, #tpu.memory_space<hbm>> -> memref<128xi32, #tpu.memory_space<hbm>>
      tpu.wait_dma2 semaphore(%arg24 : memref<!tpu.dma_semaphore, #tpu.memory_space<semaphore_mem>>) src(%dma_wait3A_259 : memref<128xi32, #tpu.memory_space<hbm>>) dst(%arg8 : memref<128xi32, #tpu.memory_space<vmem>>)
      %dma_start3A_260 = arith.constant 0 : i32
      %dma_start3A_261 = arith.constant 0 : i32
      %dma_start3A_262 = tpu.memref_slice %arg2[%dma_start3A_260, %dma_start3A_261] : memref<20000x128xf32, #tpu.memory_space<hbm>> -> memref<20000x128xf32, #tpu.memory_space<hbm>>
      tpu.enqueue_indirect_dma source(%dma_start3A_262 : memref<20000x128xf32, #tpu.memory_space<hbm>>) target(%arg14 : memref<128x128xf32, #tpu.memory_space<vmem>>) offsets(%arg8 : memref<128xi32, #tpu.memory_space<vmem>>) semaphore(%arg18 : memref<!tpu.dma_semaphore, #tpu.memory_space<semaphore_mem>>)
    }
    %scan3A_81 = arith.constant 26 : i32
    %dma_wait3A_82 = arith.constant 0 : i32
    %dma_wait3A_83 = arith.constant 0 : i32
    %dma_wait3A_84 = tpu.memref_slice %arg2[%dma_wait3A_82, %dma_wait3A_83] : memref<20000x128xf32, #tpu.memory_space<hbm>> -> memref<20000x128xf32, #tpu.memory_space<hbm>>
    tpu.wait_indirect_dma semaphore(%arg17 : memref<!tpu.dma_semaphore, #tpu.memory_space<semaphore_mem>>) src(%dma_wait3A_84 : memref<20000x128xf32, #tpu.memory_space<hbm>>) dst(%arg13 : memref<128x128xf32, #tpu.memory_space<vmem>>)
    %add3A_85 = arith.constant 10496 : i32
    %add3A_86 = arith.addi %mul3A_12, %add3A_85 : i32
    %dma_start3A_87 = tpu.memref_slice %arg3[%add3A_86] : memref<328704xi32, #tpu.memory_space<hbm>> -> memref<128xi32, #tpu.memory_space<hbm>>
    %dma_start3A_88 = tpu.memref_slice %arg3[%add3A_86] : memref<328704xi32, #tpu.memory_space<hbm>> -> memref<128xi32, #tpu.memory_space<hbm>>
    tpu.enqueue_dma source(%dma_start3A_88 : memref<128xi32, #tpu.memory_space<hbm>>) target(%arg7 : memref<128xi32, #tpu.memory_space<vmem>>) target_semaphore(%arg23 : memref<!tpu.dma_semaphore, #tpu.memory_space<semaphore_mem>>)
    %dma_wait3A_89 = arith.constant 0 : i32
    %dma_wait3A_90 = tpu.memref_slice %arg4[%dma_wait3A_89] : memref<164864xi32, #tpu.memory_space<hbm>> -> memref<128xi32, #tpu.memory_space<hbm>>
    %dma_wait3A_91 = arith.constant 0 : i32
    %dma_wait3A_92 = tpu.memref_slice %arg4[%dma_wait3A_91] : memref<164864xi32, #tpu.memory_space<hbm>> -> memref<128xi32, #tpu.memory_space<hbm>>
    tpu.wait_dma2 semaphore(%arg26 : memref<!tpu.dma_semaphore, #tpu.memory_space<semaphore_mem>>) src(%dma_wait3A_92 : memref<128xi32, #tpu.memory_space<hbm>>) dst(%arg10 : memref<128xi32, #tpu.memory_space<vmem>>)
    %dma_start3A_93 = arith.constant 0 : i32
    %dma_start3A_94 = arith.constant 0 : i32
    %dma_start3A_95 = tpu.memref_slice %arg15[%dma_start3A_93, %dma_start3A_94] : memref<10016x128xf32, #tpu.memory_space<vmem_shared>> -> memref<10016x128xf32, #tpu.memory_space<vmem_shared>>
    tpu.enqueue_indirect_dma source(%arg13 : memref<128x128xf32, #tpu.memory_space<vmem>>) target(%dma_start3A_95 : memref<10016x128xf32, #tpu.memory_space<vmem_shared>>) offsets(%arg10 : memref<128xi32, #tpu.memory_space<vmem>>) semaphore(%arg20 : memref<!tpu.dma_semaphore, #tpu.memory_space<semaphore_mem>>) {add = true}
    %dma_wait3A_96 = arith.constant 0 : i32
    %dma_wait3A_97 = arith.constant 0 : i32
    %dma_wait3A_98 = tpu.memref_slice %arg15[%dma_wait3A_96, %dma_wait3A_97] : memref<10016x128xf32, #tpu.memory_space<vmem_shared>> -> memref<10016x128xf32, #tpu.memory_space<vmem_shared>>
    tpu.wait_indirect_dma semaphore(%arg19 : memref<!tpu.dma_semaphore, #tpu.memory_space<semaphore_mem>>) src(%arg12 : memref<128x128xf32, #tpu.memory_space<vmem>>) dst(%dma_wait3A_98 : memref<10016x128xf32, #tpu.memory_space<vmem_shared>>)
    %add3A_99 = arith.constant 10368 : i32
    %add3A_100 = arith.addi %mul3A_2, %add3A_99 : i32
    %dma_start3A_101 = tpu.memref_slice %arg4[%add3A_100] : memref<164864xi32, #tpu.memory_space<hbm>> -> memref<128xi32, #tpu.memory_space<hbm>>
    %dma_start3A_102 = tpu.memref_slice %arg4[%add3A_100] : memref<164864xi32, #tpu.memory_space<hbm>> -> memref<128xi32, #tpu.memory_space<hbm>>
    tpu.enqueue_dma source(%dma_start3A_102 : memref<128xi32, #tpu.memory_space<hbm>>) target(%arg9 : memref<128xi32, #tpu.memory_space<vmem>>) target_semaphore(%arg25 : memref<!tpu.dma_semaphore, #tpu.memory_space<semaphore_mem>>)
    %dma_wait3A_103 = arith.constant 0 : i32
    %dma_wait3A_104 = tpu.memref_slice %arg3[%dma_wait3A_103] : memref<328704xi32, #tpu.memory_space<hbm>> -> memref<128xi32, #tpu.memory_space<hbm>>
    %dma_wait3A_105 = arith.constant 0 : i32
    %dma_wait3A_106 = tpu.memref_slice %arg3[%dma_wait3A_105] : memref<328704xi32, #tpu.memory_space<hbm>> -> memref<128xi32, #tpu.memory_space<hbm>>
    tpu.wait_dma2 semaphore(%arg22 : memref<!tpu.dma_semaphore, #tpu.memory_space<semaphore_mem>>) src(%dma_wait3A_106 : memref<128xi32, #tpu.memory_space<hbm>>) dst(%arg6 : memref<128xi32, #tpu.memory_space<vmem>>)
    %dma_start3A_107 = arith.constant 0 : i32
    %dma_start3A_108 = arith.constant 0 : i32
    %dma_start3A_109 = tpu.memref_slice %arg2[%dma_start3A_107, %dma_start3A_108] : memref<20000x128xf32, #tpu.memory_space<hbm>> -> memref<20000x128xf32, #tpu.memory_space<hbm>>
    tpu.enqueue_indirect_dma source(%dma_start3A_109 : memref<20000x128xf32, #tpu.memory_space<hbm>>) target(%arg12 : memref<128x128xf32, #tpu.memory_space<vmem>>) offsets(%arg6 : memref<128xi32, #tpu.memory_space<vmem>>) semaphore(%arg16 : memref<!tpu.dma_semaphore, #tpu.memory_space<semaphore_mem>>)
    %dma_wait3A_110 = arith.constant 0 : i32
    %dma_wait3A_111 = arith.constant 0 : i32
    %dma_wait3A_112 = tpu.memref_slice %arg2[%dma_wait3A_110, %dma_wait3A_111] : memref<20000x128xf32, #tpu.memory_space<hbm>> -> memref<20000x128xf32, #tpu.memory_space<hbm>>
    tpu.wait_indirect_dma semaphore(%arg18 : memref<!tpu.dma_semaphore, #tpu.memory_space<semaphore_mem>>) src(%dma_wait3A_112 : memref<20000x128xf32, #tpu.memory_space<hbm>>) dst(%arg14 : memref<128x128xf32, #tpu.memory_space<vmem>>)
    %dma_wait3A_113 = arith.constant 0 : i32
    %dma_wait3A_114 = arith.constant 0 : i32
    %dma_wait3A_115 = tpu.memref_slice %arg2[%dma_wait3A_113, %dma_wait3A_114] : memref<20000x128xf32, #tpu.memory_space<hbm>> -> memref<20000x128xf32, #tpu.memory_space<hbm>>
    tpu.wait_indirect_dma semaphore(%arg16 : memref<!tpu.dma_semaphore, #tpu.memory_space<semaphore_mem>>) src(%dma_wait3A_115 : memref<20000x128xf32, #tpu.memory_space<hbm>>) dst(%arg12 : memref<128x128xf32, #tpu.memory_space<vmem>>)
    %dma_wait3A_116 = arith.constant 0 : i32
    %dma_wait3A_117 = arith.constant 0 : i32
    %dma_wait3A_118 = tpu.memref_slice %arg15[%dma_wait3A_116, %dma_wait3A_117] : memref<10016x128xf32, #tpu.memory_space<vmem_shared>> -> memref<10016x128xf32, #tpu.memory_space<vmem_shared>>
    tpu.wait_indirect_dma semaphore(%arg20 : memref<!tpu.dma_semaphore, #tpu.memory_space<semaphore_mem>>) src(%arg13 : memref<128x128xf32, #tpu.memory_space<vmem>>) dst(%dma_wait3A_118 : memref<10016x128xf32, #tpu.memory_space<vmem_shared>>)
    %dma_wait3A_119 = arith.constant 0 : i32
    %dma_wait3A_120 = tpu.memref_slice %arg3[%dma_wait3A_119] : memref<328704xi32, #tpu.memory_space<hbm>> -> memref<128xi32, #tpu.memory_space<hbm>>
    %dma_wait3A_121 = arith.constant 0 : i32
    %dma_wait3A_122 = tpu.memref_slice %arg3[%dma_wait3A_121] : memref<328704xi32, #tpu.memory_space<hbm>> -> memref<128xi32, #tpu.memory_space<hbm>>
    tpu.wait_dma2 semaphore(%arg23 : memref<!tpu.dma_semaphore, #tpu.memory_space<semaphore_mem>>) src(%dma_wait3A_122 : memref<128xi32, #tpu.memory_space<hbm>>) dst(%arg7 : memref<128xi32, #tpu.memory_space<vmem>>)
    %dma_wait3A_123 = arith.constant 0 : i32
    %dma_wait3A_124 = tpu.memref_slice %arg4[%dma_wait3A_123] : memref<164864xi32, #tpu.memory_space<hbm>> -> memref<128xi32, #tpu.memory_space<hbm>>
    %dma_wait3A_125 = arith.constant 0 : i32
    %dma_wait3A_126 = tpu.memref_slice %arg4[%dma_wait3A_125] : memref<164864xi32, #tpu.memory_space<hbm>> -> memref<128xi32, #tpu.memory_space<hbm>>
    tpu.wait_dma2 semaphore(%arg27 : memref<!tpu.dma_semaphore, #tpu.memory_space<semaphore_mem>>) src(%dma_wait3A_126 : memref<128xi32, #tpu.memory_space<hbm>>) dst(%arg11 : memref<128xi32, #tpu.memory_space<vmem>>)
    %dma_wait3A_127 = arith.constant 0 : i32
    %dma_wait3A_128 = tpu.memref_slice %arg4[%dma_wait3A_127] : memref<164864xi32, #tpu.memory_space<hbm>> -> memref<128xi32, #tpu.memory_space<hbm>>
    %dma_wait3A_129 = arith.constant 0 : i32
    %dma_wait3A_130 = tpu.memref_slice %arg4[%dma_wait3A_129] : memref<164864xi32, #tpu.memory_space<hbm>> -> memref<128xi32, #tpu.memory_space<hbm>>
    tpu.wait_dma2 semaphore(%arg25 : memref<!tpu.dma_semaphore, #tpu.memory_space<semaphore_mem>>) src(%dma_wait3A_130 : memref<128xi32, #tpu.memory_space<hbm>>) dst(%arg9 : memref<128xi32, #tpu.memory_space<vmem>>)
    %barrier3A_131 = arith.constant 0 : index
    tpu.barrier barrier_id(%barrier3A_131)
    %mul3A_132 = arith.constant 624 : i32
    %mul3A_133 = arith.muli %arg1, %mul3A_132 : i32
    %mul3A_134 = arith.constant 624 : i32
    %mul3A_135 = arith.muli %arg1, %mul3A_134 : i32
    %add3A_136 = arith.addi %mul3A_7, %mul3A_135 : i32
    "tpu.region"() ({
      %run_scoped3A = tpu.sem_alloc : memref<!tpu.dma_semaphore, #tpu.memory_space<semaphore_mem>>
      %dma_start3A_142 = arith.constant 0 : i32
      %dma_start3A_143 = tpu.memref_slice %arg5[%add3A_136, %dma_start3A_142] : memref<20000x128xf32, #tpu.memory_space<hbm>> -> memref<624x128xf32, #tpu.memory_space<hbm>>
      %dma_start3A_144 = arith.constant 0 : i32
      %dma_start3A_145 = tpu.memref_slice %arg15[%mul3A_133, %dma_start3A_144] : memref<10016x128xf32, #tpu.memory_space<vmem_shared>> -> memref<624x128xf32, #tpu.memory_space<vmem_shared>>
      tpu.enqueue_dma source(%dma_start3A_145 : memref<624x128xf32, #tpu.memory_space<vmem_shared>>) target(%dma_start3A_143 : memref<624x128xf32, #tpu.memory_space<hbm>>) target_semaphore(%run_scoped3A : memref<!tpu.dma_semaphore, #tpu.memory_space<semaphore_mem>>)
      %dma_wait3A_146 = arith.constant 0 : i32
      %dma_wait3A_147 = tpu.memref_slice %arg5[%add3A_136, %dma_wait3A_146] : memref<20000x128xf32, #tpu.memory_space<hbm>> -> memref<624x128xf32, #tpu.memory_space<hbm>>
      %dma_wait3A_148 = arith.constant 0 : i32
      %dma_wait3A_149 = tpu.memref_slice %arg15[%mul3A_133, %dma_wait3A_148] : memref<10016x128xf32, #tpu.memory_space<vmem_shared>> -> memref<624x128xf32, #tpu.memory_space<vmem_shared>>
      tpu.wait_dma2 semaphore(%run_scoped3A : memref<!tpu.dma_semaphore, #tpu.memory_space<semaphore_mem>>) src(%dma_wait3A_149 : memref<624x128xf32, #tpu.memory_space<vmem_shared>>) dst(%dma_wait3A_147 : memref<624x128xf32, #tpu.memory_space<hbm>>)
      tpu.yield
    }) : () -> ()
    %eq3A_137 = arith.constant 15 : i32
    %eq3A_138 = arith.cmpi eq, %arg1, %eq3A_137 : i32
    %convert_element_type3A_139 = arith.extui %eq3A_138 : i1 to i32
    %cond3A_140 = arith.constant 0 : i32
    %cond3A_141 = arith.cmpi ne, %convert_element_type3A_139, %cond3A_140 : i32
    scf.if %cond3A_141 {
      %add3A_142 = arith.constant 9984 : i32
      %add3A_143 = arith.addi %mul3A_7, %add3A_142 : i32
      "tpu.region"() ({
        %run_scoped3A = tpu.sem_alloc : memref<!tpu.dma_semaphore, #tpu.memory_space<semaphore_mem>>
        %dma_start3A_144 = arith.constant 0 : i32
        %dma_start3A_145 = tpu.memref_slice %arg5[%add3A_143, %dma_start3A_144] : memref<20000x128xf32, #tpu.memory_space<hbm>> -> memref<16x128xf32, #tpu.memory_space<hbm>>
        %dma_start3A_146 = arith.constant 9984 : i32
        %dma_start3A_147 = arith.constant 0 : i32
        %dma_start3A_148 = tpu.memref_slice %arg15[%dma_start3A_146, %dma_start3A_147] : memref<10016x128xf32, #tpu.memory_space<vmem_shared>> -> memref<16x128xf32, #tpu.memory_space<vmem_shared>>
        tpu.enqueue_dma source(%dma_start3A_148 : memref<16x128xf32, #tpu.memory_space<vmem_shared>>) target(%dma_start3A_145 : memref<16x128xf32, #tpu.memory_space<hbm>>) target_semaphore(%run_scoped3A : memref<!tpu.dma_semaphore, #tpu.memory_space<semaphore_mem>>)
        %dma_wait3A_149 = arith.constant 0 : i32
        %dma_wait3A_150 = tpu.memref_slice %arg5[%add3A_143, %dma_wait3A_149] : memref<20000x128xf32, #tpu.memory_space<hbm>> -> memref<16x128xf32, #tpu.memory_space<hbm>>
        %dma_wait3A_151 = arith.constant 9984 : i32
        %dma_wait3A_152 = arith.constant 0 : i32
        %dma_wait3A_153 = tpu.memref_slice %arg15[%dma_wait3A_151, %dma_wait3A_152] : memref<10016x128xf32, #tpu.memory_space<vmem_shared>> -> memref<16x128xf32, #tpu.memory_space<vmem_shared>>
        tpu.wait_dma2 semaphore(%run_scoped3A : memref<!tpu.dma_semaphore, #tpu.memory_space<semaphore_mem>>) src(%dma_wait3A_153 : memref<16x128xf32, #tpu.memory_space<vmem_shared>>) dst(%dma_wait3A_150 : memref<16x128xf32, #tpu.memory_space<hbm>>)
        tpu.yield
      }) : () -> ()
    } else {
    }
    return
  }
}

module attributes {stable_mosaic.version = 14 : i64} {
  func.func @_dis_body(%arg0: memref<160x128xf32, #tpu.memory_space<vmem>>, %arg1: memref<80x128xf32, #tpu.memory_space<vmem>>) attributes {dimension_semantics = [], scalar_prefetch = 0 : i64, scratch_operands = 0 : i64, tpu.core_type = #tpu.core_type<tc>} {
    %get3A = arith.constant 0 : index
    %get3A_0 = arith.constant 0 : index
    %get3A_1 = vector.load %arg0[%get3A, %get3A_0] : memref<160x128xf32, #tpu.memory_space<vmem>>, vector<80x128xf32>
    %add3A = arith.constant 1.000000e+00 : f32
    %add3A_2 = vector.broadcast %add3A : f32 to vector<80x128xf32>
    %add3A_3 = arith.addf %add3A_2, %get3A_1 : vector<80x128xf32>
    %get3A_4 = arith.constant 80 : index
    %get3A_5 = arith.constant 0 : index
    %get3A_6 = vector.load %arg0[%get3A_4, %get3A_5] : memref<160x128xf32, #tpu.memory_space<vmem>>, vector<80x128xf32>
    %add3A_7 = arith.addf %add3A_3, %get3A_6 : vector<80x128xf32>
    %rsqrt3A = math.rsqrt %add3A_7 : vector<80x128xf32>
    %swap3A = arith.constant 0 : index
    %swap3A_8 = arith.constant 0 : index
    %swap3A_9 = vector.load %arg1[%swap3A, %swap3A_8] : memref<80x128xf32, #tpu.memory_space<vmem>>, vector<80x128xf32>
    tpu.vector_store %arg1[%swap3A, %swap3A_8], %rsqrt3A {strides = array<i32>} : memref<80x128xf32, #tpu.memory_space<vmem>>, vector<80x128xf32>,
    return
  }
}

module attributes {stable_mosaic.version = 14 : i64} {
  func.func @_mm_scale_body(%arg0: i32, %arg1: i32, %arg2: memref<2000x256xf32, #tpu.memory_space<vmem>>, %arg3: memref<256x128xf32, #tpu.memory_space<vmem>>, %arg4: memref<2000x1xf32, #tpu.memory_space<vmem>>, %arg5: memref<2000x128xf32, #tpu.memory_space<vmem>>) attributes {dimension_semantics = [#tpu.dimension_semantics<arbitrary>, #tpu.dimension_semantics<arbitrary>], iteration_bounds = array<i64: 5, 4>, scalar_prefetch = 0 : i64, scratch_operands = 0 : i64, tpu.core_type = #tpu.core_type<tc>, window_params = [{transform_indices = @transform_0, window_bounds = array<i64: 2000, 256>}, {transform_indices = @transform_1, window_bounds = array<i64: 256, 128>}, {transform_indices = @transform_2, window_bounds = array<i64: 2000, 1>}, {transform_indices = @transform_3, window_bounds = array<i64: 2000, 128>}]} {
    %get3A = arith.constant 0 : index
    %get3A_0 = arith.constant 0 : index
    %get3A_1 = vector.load %arg2[%get3A, %get3A_0] : memref<2000x256xf32, #tpu.memory_space<vmem>>, vector<2000x256xf32>
    %get3A_2 = arith.constant 0 : index
    %get3A_3 = arith.constant 0 : index
    %get3A_4 = vector.load %arg3[%get3A_2, %get3A_3] : memref<256x128xf32, #tpu.memory_space<vmem>>, vector<256x128xf32>
    %dot_general3A = arith.constant dense<0.000000e+00> : vector<2000x128xf32>
    %dot_general3A_5 = tpu.matmul %get3A_1, %get3A_4, %dot_general3A {dimension_numbers = #tpu.dot_dimension_numbers<[1], [0], [0], [1], [0, 0, 1, 1], [], []>, transpose_lhs_hint = false} : vector<2000x256xf32>, vector<256x128xf32>, vector<2000x128xf32> -> vector<2000x128xf32>
    %get3A_6 = arith.constant 0 : index
    %get3A_7 = arith.constant 0 : index
    %get3A_8 = vector.load %arg4[%get3A_6, %get3A_7] : memref<2000x1xf32, #tpu.memory_space<vmem>>, vector<2000x1xf32>
    %mul3A = vector.broadcast %get3A_8 : vector<2000x1xf32> to vector<2000x128xf32>
    %mul3A_9 = arith.mulf %dot_general3A_5, %mul3A : vector<2000x128xf32>
    %swap3A = arith.constant 0 : index
    %swap3A_10 = arith.constant 0 : index
    %swap3A_11 = vector.load %arg5[%swap3A, %swap3A_10] : memref<2000x128xf32, #tpu.memory_space<vmem>>, vector<2000x128xf32>
    tpu.vector_store %arg5[%swap3A, %swap3A_10], %mul3A_9 {strides = array<i32>} : memref<2000x128xf32, #tpu.memory_space<vmem>>, vector<2000x128xf32>,
    return
  }
  func.func @transform_0(%arg0: i32, %arg1: i32) -> (i32, i32) {
    %c0_i32 = arith.constant 0 : i32
    %c0_i32_0 = arith.constant 0 : i32
    return %arg0, %c0_i32 : i32, i32
  }
  func.func @transform_1(%arg0: i32, %arg1: i32) -> (i32, i32) {
    %c0_i32 = arith.constant 0 : i32
    %c0_i32_0 = arith.constant 0 : i32
    return %c0_i32, %arg1 : i32, i32
  }
  func.func @transform_2(%arg0: i32, %arg1: i32) -> (i32, i32) {
    %c0_i32 = arith.constant 0 : i32
    %c0_i32_0 = arith.constant 0 : i32
    return %arg0, %c0_i32 : i32, i32
  }
  func.func @transform_3(%arg0: i32, %arg1: i32) -> (i32, i32) {
    %mul3A = arith.constant 5 : i32
    %mul3A_0 = arith.muli %arg1, %mul3A : i32
    %add3A = arith.addi %mul3A_0, %arg0 : i32
    %c0_i32 = arith.constant 0 : i32
    %c0_i32_1 = arith.constant 0 : i32
    return %add3A, %c0_i32 : i32, i32
  }
}

module attributes {stable_mosaic.version = 14 : i64} {
  func.func @_mid_body(%arg0: i32, %arg1: i32, %arg2: i32, %arg3: memref<2000x128xf32, #tpu.memory_space<vmem>>, %arg4: memref<1x1x128xf32, #tpu.memory_space<vmem>>, %arg5: memref<128x128xf32, #tpu.memory_space<vmem>>, %arg6: memref<2000x1xf32, #tpu.memory_space<vmem>>, %arg7: memref<2000x128xf32, #tpu.memory_space<vmem>>) attributes {dimension_semantics = [#tpu.dimension_semantics<arbitrary>, #tpu.dimension_semantics<arbitrary>, #tpu.dimension_semantics<arbitrary>], iteration_bounds = array<i64: 5, 2, 4>, scalar_prefetch = 0 : i64, scratch_operands = 0 : i64, tpu.core_type = #tpu.core_type<tc>, window_params = [{transform_indices = @transform_0, window_bounds = array<i64: 2000, 128>}, {transform_indices = @transform_1, window_bounds = array<i64: 1, 1, 128>}, {transform_indices = @transform_2, window_bounds = array<i64: 128, 128>}, {transform_indices = @transform_3, window_bounds = array<i64: 2000, 1>}, {transform_indices = @transform_4, window_bounds = array<i64: 2000, 128>}]} {
    %eq3A = arith.constant 0 : i32
    %eq3A_0 = arith.cmpi eq, %arg2, %eq3A : i32
    %convert_element_type3A = arith.extui %eq3A_0 : i1 to i32
    %cond3A = arith.constant 0 : i32
    %cond3A_1 = arith.cmpi ne, %convert_element_type3A, %cond3A : i32
    scf.if %cond3A_1 {
      %broadcast_in_dim3A = arith.constant 0.000000e+00 : f32
      %broadcast_in_dim3A_31 = vector.broadcast %broadcast_in_dim3A : f32 to vector<2000x128xf32>
      %swap3A_32 = arith.constant 0 : index
      %swap3A_33 = arith.constant 0 : index
      %swap3A_34 = vector.load %arg7[%swap3A_32, %swap3A_33] : memref<2000x128xf32, #tpu.memory_space<vmem>>, vector<2000x128xf32>
      tpu.vector_store %arg7[%swap3A_32, %swap3A_33], %broadcast_in_dim3A_31 {strides = array<i32>} : memref<2000x128xf32, #tpu.memory_space<vmem>>, vector<2000x128xf32>,
    } else {
    }
    %get3A = arith.constant 0 : index
    %get3A_2 = arith.constant 0 : index
    %get3A_3 = vector.load %arg3[%get3A, %get3A_2] : memref<2000x128xf32, #tpu.memory_space<vmem>>, vector<2000x128xf32>
    %get3A_4 = arith.constant 0 : index
    %get3A_5 = arith.constant 0 : index
    %get3A_6 = vector.load %arg6[%get3A_4, %get3A_5] : memref<2000x1xf32, #tpu.memory_space<vmem>>, vector<2000x1xf32>
    %mul3A = vector.broadcast %get3A_6 : vector<2000x1xf32> to vector<2000x128xf32>
    %mul3A_7 = arith.mulf %get3A_3, %mul3A : vector<2000x128xf32>
    %get3A_8 = arith.constant 0 : index
    %get3A_9 = arith.constant 0 : index
    %get3A_10 = arith.constant 0 : index
    %get3A_11 = vector.load %arg4[%get3A_8, %get3A_9, %get3A_10] : memref<1x1x128xf32, #tpu.memory_space<vmem>>, vector<1x1x128xf32>
    %get3A_12 = vector.shape_cast %get3A_11 : vector<1x1x128xf32> to vector<1x128xf32>
    %add3A = vector.broadcast %get3A_12 : vector<1x128xf32> to vector<2000x128xf32>
    %add3A_13 = arith.addf %mul3A_7, %add3A : vector<2000x128xf32>
    %max3A = arith.constant 0.000000e+00 : f32
    %max3A_14 = vector.broadcast %max3A : f32 to vector<2000x128xf32>
    %max3A_15 = arith.maximumf %add3A_13, %max3A_14 : vector<2000x128xf32>
    %get3A_16 = arith.constant 0 : index
    %get3A_17 = arith.constant 0 : index
    %get3A_18 = vector.load %arg7[%get3A_16, %get3A_17] : memref<2000x128xf32, #tpu.memory_space<vmem>>, vector<2000x128xf32>
    %get3A_19 = arith.constant 0 : index
    %get3A_20 = arith.constant 0 : index
    %get3A_21 = vector.load %arg5[%get3A_19, %get3A_20] : memref<128x128xf32, #tpu.memory_space<vmem>>, vector<128x128xf32>
    %dot_general3A = arith.constant dense<0.000000e+00> : vector<2000x128xf32>
    %dot_general3A_22 = tpu.matmul %max3A_15, %get3A_21, %dot_general3A {dimension_numbers = #tpu.dot_dimension_numbers<[1], [0], [0], [1], [0, 0, 1, 1], [], []>, transpose_lhs_hint = false} : vector<2000x128xf32>, vector<128x128xf32>, vector<2000x128xf32> -> vector<2000x128xf32>
    %add3A_23 = arith.addf %get3A_18, %dot_general3A_22 : vector<2000x128xf32>
    %swap3A = arith.constant 0 : index
    %swap3A_24 = arith.constant 0 : index
    %swap3A_25 = vector.load %arg7[%swap3A, %swap3A_24] : memref<2000x128xf32, #tpu.memory_space<vmem>>, vector<2000x128xf32>
    tpu.vector_store %arg7[%swap3A, %swap3A_24], %add3A_23 {strides = array<i32>} : memref<2000x128xf32, #tpu.memory_space<vmem>>, vector<2000x128xf32>,
    %eq3A_26 = arith.constant 3 : i32
    %eq3A_27 = arith.cmpi eq, %arg2, %eq3A_26 : i32
    %convert_element_type3A_28 = arith.extui %eq3A_27 : i1 to i32
    %cond3A_29 = arith.constant 0 : i32
    %cond3A_30 = arith.cmpi ne, %convert_element_type3A_28, %cond3A_29 : i32
    scf.if %cond3A_30 {
      %get3A_31 = arith.constant 0 : index
      %get3A_32 = arith.constant 0 : index
      %get3A_33 = vector.load %arg7[%get3A_31, %get3A_32] : memref<2000x128xf32, #tpu.memory_space<vmem>>, vector<2000x128xf32>
      %get3A_34 = arith.constant 0 : index
      %get3A_35 = arith.constant 0 : index
      %get3A_36 = vector.load %arg6[%get3A_34, %get3A_35] : memref<2000x1xf32, #tpu.memory_space<vmem>>, vector<2000x1xf32>
      %mul3A_37 = vector.broadcast %get3A_36 : vector<2000x1xf32> to vector<2000x128xf32>
      %mul3A_38 = arith.mulf %get3A_33, %mul3A_37 : vector<2000x128xf32>
      %swap3A_39 = arith.constant 0 : index
      %swap3A_40 = arith.constant 0 : index
      %swap3A_41 = vector.load %arg7[%swap3A_39, %swap3A_40] : memref<2000x128xf32, #tpu.memory_space<vmem>>, vector<2000x128xf32>
      tpu.vector_store %arg7[%swap3A_39, %swap3A_40], %mul3A_38 {strides = array<i32>} : memref<2000x128xf32, #tpu.memory_space<vmem>>, vector<2000x128xf32>,
    } else {
    }
    return
  }
  func.func @transform_0(%arg0: i32, %arg1: i32, %arg2: i32) -> (i32, i32) {
    %mul3A = arith.constant 5 : i32
    %mul3A_0 = arith.muli %arg2, %mul3A : i32
    %add3A = arith.addi %mul3A_0, %arg0 : i32
    %c0_i32 = arith.constant 0 : i32
    %c0_i32_1 = arith.constant 0 : i32
    return %add3A, %c0_i32 : i32, i32
  }
  func.func @transform_1(%arg0: i32, %arg1: i32, %arg2: i32) -> (i32, i32, i32) {
    %c0_i32 = arith.constant 0 : i32
    %c0_i32_0 = arith.constant 0 : i32
    %c0_i32_1 = arith.constant 0 : i32
    return %arg2, %c0_i32, %c0_i32_0 : i32, i32, i32
  }
  func.func @transform_2(%arg0: i32, %arg1: i32, %arg2: i32) -> (i32, i32) {
    %c0_i32 = arith.constant 0 : i32
    return %arg2, %arg1 : i32, i32
  }
  func.func @transform_3(%arg0: i32, %arg1: i32, %arg2: i32) -> (i32, i32) {
    %c0_i32 = arith.constant 0 : i32
    %c0_i32_0 = arith.constant 0 : i32
    return %arg0, %c0_i32 : i32, i32
  }
  func.func @transform_4(%arg0: i32, %arg1: i32, %arg2: i32) -> (i32, i32) {
    %mul3A = arith.constant 5 : i32
    %mul3A_0 = arith.muli %arg1, %mul3A : i32
    %add3A = arith.addi %mul3A_0, %arg0 : i32
    %c0_i32 = arith.constant 0 : i32
    %c0_i32_1 = arith.constant 0 : i32
    return %add3A, %c0_i32 : i32, i32
  }
}

module attributes {stable_mosaic.version = 14 : i64} {
  func.func @_final_body(%arg0: i32, %arg1: i32, %arg2: memref<2000x128xf32, #tpu.memory_space<vmem>>, %arg3: memref<1x1x128xf32, #tpu.memory_space<vmem>>, %arg4: memref<2000x1xf32, #tpu.memory_space<vmem>>, %arg5: memref<2000x128xf32, #tpu.memory_space<vmem>>) attributes {dimension_semantics = [#tpu.dimension_semantics<arbitrary>, #tpu.dimension_semantics<arbitrary>], iteration_bounds = array<i64: 5, 2>, scalar_prefetch = 0 : i64, scratch_operands = 0 : i64, tpu.core_type = #tpu.core_type<tc>, window_params = [{transform_indices = @transform_0, window_bounds = array<i64: 2000, 128>}, {transform_indices = @transform_1, window_bounds = array<i64: 1, 1, 128>}, {transform_indices = @transform_2, window_bounds = array<i64: 2000, 1>}, {transform_indices = @transform_3, window_bounds = array<i64: 2000, 128>}]} {
    %get3A = arith.constant 0 : index
    %get3A_0 = arith.constant 0 : index
    %get3A_1 = vector.load %arg2[%get3A, %get3A_0] : memref<2000x128xf32, #tpu.memory_space<vmem>>, vector<2000x128xf32>
    %get3A_2 = arith.constant 0 : index
    %get3A_3 = arith.constant 0 : index
    %get3A_4 = vector.load %arg4[%get3A_2, %get3A_3] : memref<2000x1xf32, #tpu.memory_space<vmem>>, vector<2000x1xf32>
    %mul3A = vector.broadcast %get3A_4 : vector<2000x1xf32> to vector<2000x128xf32>
    %mul3A_5 = arith.mulf %get3A_1, %mul3A : vector<2000x128xf32>
    %get3A_6 = arith.constant 0 : index
    %get3A_7 = arith.constant 0 : index
    %get3A_8 = arith.constant 0 : index
    %get3A_9 = vector.load %arg3[%get3A_6, %get3A_7, %get3A_8] : memref<1x1x128xf32, #tpu.memory_space<vmem>>, vector<1x1x128xf32>
    %get3A_10 = vector.shape_cast %get3A_9 : vector<1x1x128xf32> to vector<1x128xf32>
    %add3A = vector.broadcast %get3A_10 : vector<1x128xf32> to vector<2000x128xf32>
    %add3A_11 = arith.addf %mul3A_5, %add3A : vector<2000x128xf32>
    %swap3A = arith.constant 0 : index
    %swap3A_12 = arith.constant 0 : index
    %swap3A_13 = vector.load %arg5[%swap3A, %swap3A_12] : memref<2000x128xf32, #tpu.memory_space<vmem>>, vector<2000x128xf32>
    tpu.vector_store %arg5[%swap3A, %swap3A_12], %add3A_11 {strides = array<i32>} : memref<2000x128xf32, #tpu.memory_space<vmem>>, vector<2000x128xf32>,
    return
  }
  func.func @transform_0(%arg0: i32, %arg1: i32) -> (i32, i32) {
    %mul3A = arith.constant 5 : i32
    %mul3A_0 = arith.muli %arg1, %mul3A : i32
    %add3A = arith.addi %mul3A_0, %arg0 : i32
    %c0_i32 = arith.constant 0 : i32
    %c0_i32_1 = arith.constant 0 : i32
    return %add3A, %c0_i32 : i32, i32
  }
  func.func @transform_1(%arg0: i32, %arg1: i32) -> (i32, i32, i32) {
    %c0_i32 = arith.constant 0 : i32
    %c0_i32_0 = arith.constant 0 : i32
    %c0_i32_1 = arith.constant 0 : i32
    return %arg1, %c0_i32, %c0_i32_0 : i32, i32, i32
  }
  func.func @transform_2(%arg0: i32, %arg1: i32) -> (i32, i32) {
    %c0_i32 = arith.constant 0 : i32
    %c0_i32_0 = arith.constant 0 : i32
    return %arg0, %c0_i32 : i32, i32
  }
  func.func @transform_3(%arg0: i32, %arg1: i32) -> (i32, i32) {
    %c0_i32 = arith.constant 0 : i32
    return %arg0, %arg1 : i32, i32
  }
}

</mosaic_0001>

<sc_bundles>
// kernel: kernel.12.cloned.1.call-start
scs
__scs_entry_jumppad:
0x0: {  	(pc) =	sbr.rel $0x88, $3  }
0x1: {  	(tag) =	ssettag $0x0;
	lr =	simm.s32 $0x1  }
0x2: {  	[smem:$0x3F9B] =	sst lr;
	_ =	strace $0xD0000000  }
0x3: {  	_ = 	snop  }
0x4: {  	_ = 	snop  }
0x5: {  	_ = 	snop  }
0x6: {  	_ = 	snop  }
0x7: {  	_ = 	snop  }
__scs_overlays_trampoline_lowered:
0x8: {  	[smem:$0x3FAA] =	sst s0  }
0x9: {  	[smem:$0x3FAB] =	sst s1  }
0xa: {  	[smem:$0x3FAC] =	sst s2  }
0xb: {  	[smem:$0x3FAD] =	sst s3  }
0xc: {  	[smem:$0x3FAE] =	sst s4  }
0xd: {  	[smem:$0x3FAF] =	sst s5  }
0xe: {  	[smem:$0x3FB0] =	sst s6  }
0xf: {  	[smem:$0x3FB1] =	sst s7  }
0x10: {  	[smem:$0x3FB2] =	sst s8  }
0x11: {  	[smem:$0x3FB3] =	sst s9;
	s0 =	simm.s32 @!p0 $0x0  }
0x12: {  	s1 =	sld [smem:$0x3F99];
	s0 =	simm.s32 @p0 $0x1  }
0x13: {  	[smem:$0x3FB4] =	sst s0;
	s0 =	simm.s32 @!p1 $0x0  }
0x14: {  	s2 =	sld [smem:$0x3F98];
	s0 =	simm.s32 @p1 $0x1  }
0x15: {  	[smem:$0x3FB5] =	sst s0;
	s0 =	simm.s32 @!p2 $0x0  }
0x16: {  	s3 =	sld [smem:$0x3FDB];
	s0 =	simm.s32 @p2 $0x1  }
0x17: {  	s4 =	simm.s32 $0x1BF5;
	[smem:$0x3FB7] =	sst s0  }
0x18: {  	s0 =	sld [smem:$0x3F9A];
	_ =	swait.ge [sflag:s4], $0x0  }
0x19: {  	s7 =	sld [smem:$0x3F9B]  }
0x1a: {  	s8 =	sadd.s32 $0xFFFFE003, lr  }
0x1b: {  	s9 =	sadd.s32 $0xFFFFFEF7, lr;
	s5 =	simm.s32 $0xFFFFFFFF;
	p2 =	slt.u32 s8, $0xFFFFF086  }
0x1c: {  	p1 =	slt.u32 s9, $0xF7A;
	s5 =	simm.s32 @!p2 $0x0  }
0x1d: {  	s5 =	simm.s32 @p1 $0x1;
	p0 =	seq.s32 s7, s2  }
0x1e: {  	s7 =	smul.u32 @!p0 $0xF7A, s2;
	p2 =	seq.s32 @!p0 s5, $0x0  }
0x1f: {  	s9 =	smul.u32 $0xF7A, s1;
	s8 =	simm.s32 @!p0 $0x1BF5;
	p2 =	por !p2, p0  }
0x20: {  	[sflag:s8] =	ssyncset.s32 @!p0 $0xFFFFF086;
	s6 =	sadd.s32 @!p0 s3, s7;
	s7 =	simm.s32 @!p0 $0x108  }
0x21: {  	s3 =	sadd.s32 s3, s9;
	s6 =	sadd.s32 @!p0 $0x88, s6;
	s7 =	simm.s32 @p2 $0x1082  }
0x22: {  	[simem:s7], [sflag:s8] =	dma.local @!p0 [hbm:s6], $0xF7A  }
0x23: {  	s9 =	sor.u32 $0xD0000000, s2;
	s6 =	simm.s32 $0x108;
	_ =	swait.ge @!p0 [sflag:s8], $0x0  }
0x24: {  	s3 =	sadd.s32 $0x88, s3;
	s6 =	simm.s32 @!p1 $0x1082;
	[sflag:s4] =	ssyncset.s32 $0xFFFFF086  }
0x25: {  	[simem:s6], [sflag:s4] =	dma.local [hbm:s3], $0xF7A  }
0x26: {  	[smem:$0x3F9B] =	sst s1;
	(tag) =	ssettag s2;
	_ =	strace s9  }
0x27: {  	s1 =	sld [smem:$0x3FAB]  }
0x28: {  	s2 =	sld [smem:$0x3FAC]  }
0x29: {  	s4 =	sld [smem:$0x3FAE]  }
0x2a: {  	p0 =	seq.s32 s5, $0x0;
	s5 =	sld [smem:$0x3FAF]  }
0x2b: {  	s6 =	sld [smem:$0x3FB0]  }
0x2c: {  	s7 =	sld [smem:$0x3FB1]  }
0x2d: {  	s3 =	simm.s32 $0x108;
	s8 =	sld [smem:$0x3FB2]  }
0x2e: {  	s3 =	simm.s32 @!p0 $0x1082;
	s9 =	sld [smem:$0x3FB3]  }
0x2f: {  	lr =	sadd.s32 s0, s3;
	s0 =	sld [smem:$0x3FAA]  }
0x30: {  	s3 =	sld [smem:$0x3FAD]  }
0x31: {  	[smem:$0x3FB6] =	sst s10  }
0x32: {  	s10 =	sld [smem:$0x3FB4];
	_ =	sdelay $0x3  }
0x33: {  	p0 =	seq.s32 s10, $0x1;
	s10 =	sld [smem:$0x3FB6];
	_ =	sdelay $0x3  }
0x34: {  	[smem:$0x3FB6] =	sst s10  }
0x35: {  	s10 =	sld [smem:$0x3FB5];
	_ =	sdelay $0x3  }
0x36: {  	p1 =	seq.s32 s10, $0x1;
	s10 =	sld [smem:$0x3FB6];
	_ =	sdelay $0x3  }
0x37: {  	[smem:$0x3FB6] =	sst s10  }
0x38: {  	s10 =	sld [smem:$0x3FB7]  }
0x39: {  	_ = 	snop;
	(pc) =	sbr.ind lr, $3  }
0x3a: {  	_ = 	snop  }
0x3b: {  	_ = 	snop  }
0x3c: {  	p2 =	seq.s32 s10, $0x1;
	s10 =	sld [smem:$0x3FB6]  }
0x3d: {  	_ =	shalt  }
0x3e: {  	_ =	shalt  }
0x3f: {  	_ =	shalt  }
0x40: {  	_ =	shalt  }
0x41: {  	_ =	shalt  }
0x42: {  	_ =	shalt  }
0x43: {  	_ =	shalt  }
0x44: {  	_ =	shalt  }
0x45: {  	_ =	shalt  }
0x46: {  	_ =	shalt  }
0x47: {  	_ =	shalt  }
0x48: {  	_ =	shalt  }
0x49: {  	_ =	shalt  }
0x4a: {  	_ =	shalt  }
0x4b: {  	_ =	shalt  }
0x4c: {  	_ =	shalt  }
0x4d: {  	_ =	shalt  }
0x4e: {  	_ =	shalt  }
0x4f: {  	_ =	shalt  }
0x50: {  	_ =	shalt  }
0x51: {  	_ =	shalt  }
0x52: {  	_ =	shalt  }
0x53: {  	_ =	shalt  }
0x54: {  	_ =	shalt  }
0x55: {  	_ =	shalt  }
0x56: {  	_ =	shalt  }
0x57: {  	_ =	shalt  }
0x58: {  	_ =	shalt  }
0x59: {  	_ =	shalt  }
0x5a: {  	_ =	shalt  }
0x5b: {  	_ =	shalt  }
0x5c: {  	_ =	shalt  }
0x5d: {  	_ =	shalt  }
0x5e: {  	_ =	shalt  }
0x5f: {  	_ =	shalt  }
0x60: {  	_ =	shalt  }
0x61: {  	_ =	shalt  }
0x62: {  	_ =	shalt  }
0x63: {  	_ =	shalt  }
0x64: {  	_ =	shalt  }
0x65: {  	_ =	shalt  }
0x66: {  	_ =	shalt  }
0x67: {  	_ =	shalt  }
0x68: {  	_ =	shalt  }
0x69: {  	_ =	shalt  }
0x6a: {  	_ =	shalt  }
0x6b: {  	_ =	shalt  }
0x6c: {  	_ =	shalt  }
0x6d: {  	_ =	shalt  }
0x6e: {  	_ =	shalt  }
0x6f: {  	_ =	shalt  }
0x70: {  	_ =	shalt  }
0x71: {  	_ =	shalt  }
0x72: {  	_ =	shalt  }
0x73: {  	_ =	shalt  }
0x74: {  	_ =	shalt  }
0x75: {  	_ =	shalt  }
0x76: {  	_ =	shalt  }
0x77: {  	_ =	shalt  }
0x78: {  	_ =	shalt  }
0x79: {  	_ =	shalt  }
0x7a: {  	_ =	shalt  }
0x7b: {  	_ =	shalt  }
0x7c: {  	_ =	shalt  }
0x7d: {  	_ =	shalt  }
0x7e: {  	_ =	shalt  }
0x7f: {  	_ =	shalt  }
0x80: {  	_ =	shalt  }
0x81: {  	_ =	shalt  }
0x82: {  	_ =	shalt  }
0x83: {  	_ =	shalt  }
0x84: {  	_ =	shalt  }
0x85: {  	_ =	shalt  }
0x86: {  	_ =	shalt  }
0x87: {  	_ =	shalt  }
.Lfunc_end0:
.L_simem_size_0:
called_computation.1_lowered:
.L_overlay_start_0:
0x88: {  	s2 =	sld [smem:$0x3FD9]  }
0x89: {  	s3 =	sld [smem:$0x3FFE];
	_ =	sdelay $0x1  }
0x8a: {  	s1 =	srdreg.scid  }
0x8b: {  	s0 =	sand.u32 $0x1, s1  }
0x8c: {  	s17 =	sshll.u32 s0, $0xA;
	s2 =	sadd.s32 s3, s2  }
0x8d: {  	s2 =	sadd.s32 s2, s17  }
0x8e: {  	[smem:$0x3FC2] =	sst s2  }
0x8f: {  	_ = 	snop  }
0x90: {  	s2 =	sld [smem:$0x3FD0];
	(tm) =	ssettm $0x1  }
0x91: {  	s18 =	sld [smem:$0x3FFB];
	_ =	sdelay $0x3  }
0x92: {  	_ =	strace s18  }
0x93: {  	s3 =	sld [smem:$0x3FFC];
	_ =	sdelay $0x3  }
0x94: {  	_ =	strace s3  }
0x95: {  	s3 =	sld [smem:$0x3FFD];
	_ =	sdelay $0x3  }
0x96: {  	_ =	strace s3  }
0x97: {  	_ =	strace $0x8FFFFFFF  }
0x98: {  	s19 =	sld [smem:$0x3FDB];
	_ =	sdelay $0x1  }
0x99: {  	s4 =	simm.s32 $_scs_section_size  }
0x9a: {  	s5 =	simm.s32 $_size__tile_overlayer_lowered;
	s6 =	simm.s32 $_tile_overlayer_lowered  }
0x9b: {  	s22 =	simm.s32 $0x1BFF;
	s21 =	sshll.u32 s6, $0x1;
	s3 =	sadd.s32 s4, s19  }
0x9c: {  	s7 =	simm.s32 $0x0;
	s20 =	sshll.u32 s5, $0x1;
	s5 =	sadd.s32 s21, s3  }
0x9d: {  	[timem:s7], [sflag:s22] =	dma.local [hbm:s5], s20  }
0x9e: {  	_ =	swait.ge [sflag:s22], s20  }
0x9f: {  	s4 =	ssub.s32 $0x0, s20;
	[sflag:s22] =	ssyncset.done $0x0  }
0xa0: {  	[sflag:s22] =	ssyncadd.s32 s4;
	_ =	sdelay $0x1  }
0xa1: {  	s23 =	simm.s32 $0x1B8B  }
0xa2: {  	_ =	swait.ge [sflag:s23], $0x1  }
0xa3: {  	[sflag:s23] =	ssyncset.done $0x0  }
0xa4: {  	s25 =	simm.s32 $0x1B8E;
	s24 =	sld [smem:$0x3FFE];
	[sflag:s23] =	ssyncadd.s32 $0xFFFFFFFF  }
0xa5: {  	s26 =	simm.s32 $execute0_lowered;
	[smem:$0x3FD2] =	sst s25  }
0xa6: {  	s5 =	sshll.u32 s26, $0x1;
	_ =	strace $0x80000049;
	[dreg:$0x1] =	wrdreg $0xFFFFFFFF  }
0xa7: {  	s28 =	simm.s32 $_size_execute0_lowered;
	s3 =	sadd.s32 s3, s5;
	[dreg:$0x0] =	wrdreg $0x0  }
0xa8: {  	s5 =	sshll.u32 s28, $0x1;
	[dreg:$0x2] =	wrdreg s3  }
0xa9: {  	[dreg:$0x3] =	wrdreg s5  }
0xaa: {  	[dreg:$0x4] =	wrdreg $0xC0  }
0xab: {  	_ =	task [dreg:s7], $0x5FFFF  }
0xac: {  	[dreg:$0x1] =	wrdreg $0xFFFFFFFF  }
0xad: {  	[dreg:$0x0] =	wrdreg $0x60  }
0xae: {  	[dreg:$0x2] =	wrdreg s24  }
0xaf: {  	[dreg:$0x3] =	wrdreg s2  }
0xb0: {  	[dreg:$0x4] =	wrdreg $0xC3000  }
0xb1: {  	[dreg:$0x5] =	wrdreg $0x9  }
0xb2: {  	_ =	task.clear_ibuf [dreg:s7], $0x6FFFF;
	_ =	strace $0x90000049  }
0xb3: {  	s29 =	simm.s32 $0x9;
	_ =	strace $0x8000004B  }
0xb4: {  	_ =	swait.ge [sflag:s29], $0x1  }
0xb5: {  	[sflag:s29] =	ssyncadd.s32 $0xFFFFFFFF  }
0xb6: {  	_ =	strace $0x9000004B  }
0xb7: {  	_ =	sfence  }
0xb8: {  	s30 =	sld [smem:$0x0];
	_ =	sdelay $0x2  }
0xb9: {  	s31 =	sshll.u32 s1, $0xD;
	s1 =	sshrl.u32 s1, $0x2  }
0xba: {  	s3 =	sand.u32 $0x4000, s31;
	s1 =	sadd.s32 s1, s30  }
0xbb: {  	s0 =	sor.u32 s3, s0;
	s1 =	sshll.u32 s1, $0x11  }
0xbc: {  	s0 =	sor.u32 s1, s0  }
0xbd: {  	s0 =	sadd.s32 $0x8F2B, s0  }
0xbe: {  	[sflag:s0] =	ssyncadd.remote.s32 $0x1  }
0xbf: {  	_ =	sfence.sel $0xFFFF  }
0xc0: {  	[dreg:$0x0] =	wrdreg $0xFFFFFFFF;
	(pc) =	sbr.abs _section_cstart, $3  }
0xc1: {  	[dreg:$0x1] =	wrdreg $0xFFFFFFFF  }
0xc2: {  	_ =	task.clear_ibuf [dreg:s7], $0x2FFFF;
	_ =	strace $0x9FFFFFFF  }
0xc3: {  	(tm) =	ssettm $0x7FFFFFFF  }
tec
execute0_lowered:
.L_overlay_start_1:
0x0: {  	(tag) =	ssettag $0x1  }
0x1: {  	s1 =	rddreg [dreg:$0x0]  }
0x2: {  	s0 =	rddreg [dreg:$0x1]  }
0x3: {  	s2 =	rddreg [dreg:$0x2]  }
0x4: {  	s4 =	srdreg.scid;
	s19 =	stileid.u32  }
0x5: {  	s3 =	simm.s32 $0x0;
	s28 =	simm.s32 $0xD;
	s8 =	smul.u32 $0x50, s19  }
0x6: {  	s30 =	simm.s32 $0xC;
	s6 =	sand.u32 $0x1, s4;
	s9 =	smul.u32 $0x270, s19  }
0x7: {  	[smem:$0x7FF] =	sst s3;
	s4 =	sadd.s32 $0xCE00, s1;
	s11 =	smul.u32 $0x4E000, s19  }
0x8: {  	s10 =	sadd.s32 $0x7C00, s1;
	s1 =	sadd.s32 $0xA9200, s1;
	s31 =	smul.u32 $0x2800, s19  }
0x9: {  	s23 =	sshll.u32 s19, $0x6;
	p0 =	sne.s32 s19, $0xF;
	s7 =	smul.u32 $0xA00, s6  }
0xa: {  	_ =	strace $0x8000004A;
	s5 =	ssub.s32 $0x2, s6;
	s13 =	smul.u32 $0x4E20, s6  }
0xb: {  	s22 =	smul.u32 $0x271000, s6;
	s12 =	sshrl.u32 s5, $0x1;
	s20 =	sshrl.u32 s11, $0x2  }
0xc: {  	s17 =	sshrl.u32 s31, $0x3;
	s5 =	ssub.s32 s5, s12;
	s14 =	sadd.s32 s8, s7  }
0xd: {  	s21 =	sadd.s32 s9, s13;
	s7 =	sadd.s32 s20, s2;
	s24 =	sshrl.u32 s22, $0x3  }
0xe: {  	s12 =	sadd.s32 $0x10, s0;
	[dreg:$0xa] =	wrdreg s7;
	s15 =	sshll.u32 s21, $0x4  }
0xf: {  	s7 =	sor.u32 $0x1C0D, s23;
	s13 =	sshll.u32 s14, $0x4;
	s14 =	sshllo.u32 s6, $0x1  }
0x10: {  	s6 =	smul.u32 $0x50000, s6;
	s16 =	sadd.s32 $0x27000, s24;
	s21 =	sadd.s32 s10, s17  }
0x11: {  	s11 =	sadd.s32 s4, s15;
	s20 =	sadd.s32 s0, s13;
	[dreg:$0xd] =	wrdreg s21  }
0x12: {  	s25 =	smul.u32 $0x500, s14;
	s22 =	sadd.s32 s13, s12;
	[dreg:$0xb] =	wrdreg s11  }
0x13: {  	s18 =	smul.u32 $0x2710, s14;
	s6 =	sadd.s32 s31, s6;
	[dreg:$0xe] =	wrdreg s22  }
0x14: {  	s31 =	smul.u32 $0x500, s19;
	s22 =	sadd.s32 $0x20, s0;
	[dreg:$0xc] =	wrdreg s20  }
0x15: {  	s19 =	simm.s32 $0xA;
	s26 =	sor.u32 $0x300, s6;
	s8 =	sadd.s32 s8, s25  }
0x16: {  	s9 =	sadd.s32 s9, s18;
	s23 =	sor.u32 $0x280, s6;
	s25 =	sor.u32 $0x200, s6  }
0x17: {  	s29 =	sshrl.u32 s26, $0x3;
	s18 =	sshrl.u32 s23, $0x3;
	s26 =	sshrl.u32 s25, $0x3  }
0x18: {  	s25 =	sadd.s32 $0x30, s0;
	s8 =	sshll.u32 s8, $0x4;
	s11 =	sadd.s32 s29, s0  }
0x19: {  	s24 =	sadd.s32 s18, s0;
	s29 =	sadd.s32 $0x28300, s6;
	[dreg:$0x4] =	wrdreg s11  }
0x1a: {  	s12 =	sadd.s32 s8, s12;
	s11 =	sadd.s32 s31, s10;
	[dreg:$0x5] =	wrdreg s24  }
0x1b: {  	s10 =	sadd.s32 s26, s0;
	s17 =	sshrl.u32 s29, $0x3;
	[dreg:$0x11] =	wrdreg s12  }
0x1c: {  	s31 =	sadd.s32 $0x28280, s6;
	s24 =	sadd.s32 s13, s22;
	[dreg:$0x6] =	wrdreg s10  }
0x1d: {  	s13 =	sadd.s32 s13, s25;
	s26 =	smul.u32 $0x138800, s14;
	[dreg:$0xf] =	wrdreg s24  }
0x1e: {  	s29 =	sadd.s32 s8, s22;
	s6 =	sadd.s32 $0x28200, s6;
	[dreg:$0x10] =	wrdreg s13  }
0x1f: {  	s12 =	sadd.s32 s1, s15;
	s14 =	sadd.s32 s1, s16;
	[dreg:$0x12] =	wrdreg s29  }
0x20: {  	s15 =	sshll.u32 s9, $0x4;
	s22 =	smax.u32 s5, $0x1;
	[dreg:$0x16] =	wrdreg s12  }
0x21: {  	s9 =	simm.s32 $0x6;
	s17 =	sadd.s32 s17, s0;
	[dreg:$0x17] =	wrdreg s14  }
0x22: {  	s18 =	sshrl.u32 s31, $0x3;
	s10 =	sadd.s32 s8, s25;
	[dreg:$0x1c] =	wrdreg s22  }
0x23: {  	s31 =	sadd.s32 s0, s8;
	s6 =	sshrl.u32 s6, $0x3;
	[dreg:$0x7] =	wrdreg s17  }
0x24: {  	s8 =	sadd.s32 s4, s16;
	s24 =	sadd.s32 $0x10, s21;
	[dreg:$0x13] =	wrdreg s10  }
0x25: {  	s25 =	sadd.s32 $0x20, s21;
	s29 =	sadd.s32 $0x510, s21;
	[dreg:$0x15] =	wrdreg s8  }
0x26: {  	s12 =	simm.s32 $0x100;
	s13 =	simm.s32 $0x7;
	[dreg:$0x1e] =	wrdreg s24  }
0x27: {  	s14 =	simm.s32 $0x300;
	s22 =	simm.s32 $0x9;
	[dreg:$0x1f] =	wrdreg s25  }
0x28: {  	s21 =	simm.s32 $0x0;
	s23 =	sadd.s32 s18, s0;
	[smem:$0x7FC] =	sst s29  }
0x29: {  	s0 =	sadd.s32 s6, s0;
	s16 =	sshrl.u32 s26, $0x3;
	[dreg:$0x14] =	wrdreg s31  }
0x2a: {  	s17 =	sadd.s32 s4, s15;
	s6 =	sadd.s32 s1, s15;
	[dreg:$0x8] =	wrdreg s23  }
0x2b: {  	s26 =	sadd.s32 $0x520, s20;
	s31 =	sadd.s32 $0x520, s31;
	[dreg:$0x9] =	wrdreg s0  }
0x2c: {  	s10 =	simm.s32 $0x80;
	s8 =	simm.s32 $0x200;
	[dreg:$0x18] =	wrdreg s17  }
0x2d: {  	s15 =	simm.s32 $0x8;
	s20 =	simm.s32 $0x280;
	[dreg:$0x19] =	wrdreg s6  }
0x2e: {  	s24 =	simm.s32 $0x2;
	s25 =	simm.s32 $0xB;
	[smem:$0x7FB] =	sst s26  }
0x2f: {  	s18 =	sadd.s32 $0x27000, s16;
	s23 =	sadd.s32 $0x138000, s2;
	[smem:$0x7FD] =	sst s31  }
0x30: {  	s6 =	simm.s32 $0x180;
	s16 =	simm.s32 $0x4300;
	s26 =	simm.s32 $0x4  }
0x31: {  	s17 =	simm.s32 $0x3;
	s1 =	sadd.s32 s1, s18;
	[dreg:$0x1d] =	wrdreg s23  }
0x32: {  	s0 =	sadd.s32 s4, s18;
	s18 =	simm.s32 $0x1;
	[dreg:$0x1a] =	wrdreg s1  }
0x33: {  	s23 =	simm.s32 $0x8300;
	[dreg:$0x1b] =	wrdreg s0;
	s0 =	simm.s32 $0x5  }
.LBB2_1:
0x34: {  	s1 =	rddreg [dreg:$0xa]  }
0x35: {  	s5 =	sshrl.u32 s1, $0x3;
	s1 =	rddreg [dreg:$0xb]  }
0x36: {  	[smem:$0x7FA] =	sst s5  }
0x37: {  	[spmem:s5], [sflag:s7] =	dma.local [hbm:s1], $0x2700  }
0x38: {  	_ =	swait.ge [sflag:s28], $0x2700  }
0x39: {  	s5 =	simm.s32 @!p0 $0xD;
	[sflag:s28] =	ssyncset.done $0x0;
	s1 =	rddreg [dreg:$0x1d]  }
0x3a: {  	[sflag:s28] =	ssyncadd.s32 $0xFFFFD900;
	s29 =	sshrl.u32 @!p0 s1, $0x3;
	s1 =	rddreg [dreg:$0x15]  }
0x3b: {  	[spmem:s29], [sflag:s7] =	dma.local @!p0 [hbm:s1], $0x100  }
0x3c: {  	_ =	swait.ge @!p0 [sflag:s5], $0x100  }
0x3d: {  	[sflag:s5] =	ssyncset.done @!p0 $0x0  }
0x3e: {  	[sflag:s5] =	ssyncadd.s32 @!p0 $0xFFFFFF00;
	s5 =	rddreg [dreg:$0xc]  }
0x3f: {  	[tilespmem:s3], [sflag:$0x7] =	stream.linear.gather [hbm4b:s5+s3], $0x80, $0x38;
	[tilespmem:$0x1FC00] =	vst v63  }
0x40: {  	s28 =	rddreg [dreg:$0xd]  }
0x41: {  	[tilespmem:s6], [sflag:$0xA] =	stream.linear.gather [hbm4b:s28+s3], $0x80, $0x38;
	[tilespmem:$0x1FC00] =	vst v63  }
0x42: {  	s5 =	rddreg [dreg:$0xe]  }
0x43: {  	[tilespmem:s10], [sflag:$0x8] =	stream.linear.gather [hbm4b:s5+s3], $0x80, $0x38;
	[tilespmem:$0x1FC00] =	vst v63  }
0x44: {  	s28 =	rddreg [dreg:$0x1e]  }
0x45: {  	[tilespmem:s8], [sflag:$0xB] =	stream.linear.gather [hbm4b:s28+s3], $0x80, $0x38;
	[tilespmem:$0x1FC00] =	vst v63  }
0x46: {  	s5 =	rddreg [dreg:$0xf]  }
0x47: {  	[tilespmem:s12], [sflag:$0x9] =	stream.linear.gather [hbm4b:s5+s3], $0x80, $0x38;
	[tilespmem:$0x1FC00] =	vst v63  }
0x48: {  	_ =	swait.ge [sflag:s13], $0x80  }
0x49: {  	[sflag:s13] =	ssyncset.done $0x0  }
0x4a: {  	[sflag:s13] =	ssyncadd.s32 $0xFFFFFF80  }
0x4b: {  	[tilespmem:s14], [sflag:$0x1] =	stream.indirect.gather [hbm4b:s4+s10], $0x80, s3, s10, $0xb8;
	[tilespmem:$0x1FC00] =	vst v63  }
0x4c: {  	_ =	swait.ge [sflag:s15], $0x80  }
0x4d: {  	[sflag:s15] =	ssyncset.done $0x0  }
0x4e: {  	[sflag:s15] =	ssyncadd.s32 $0xFFFFFF80  }
0x4f: {  	[tilespmem:s16], [sflag:$0x2] =	stream.indirect.gather [hbm4b:s4+s10], $0x80, s10, s10, $0xb8;
	[tilespmem:$0x1FC00] =	vst v63  }
0x50: {  	[bflag:$0x0] =	sbarrier.arrive $0xFFFF  }
0x51: {  	_ =	swait.ge [sflag:s18], $0x4000  }
0x52: {  	[sflag:s18] =	ssyncset.done $0x0  }
0x53: {  	s28 =	rddreg [dreg:$0x10];
	[sflag:s18] =	ssyncadd.s32 $0xFFFFC000  }
0x54: {  	[tilespmem:s3], [sflag:$0x7] =	stream.linear.gather [hbm4b:s28+s3], $0x80, $0x38;
	[tilespmem:$0x1FC00] =	vst v63  }
0x55: {  	_ =	swait.ge [sflag:s19], $0x80  }
0x56: {  	[sflag:s19] =	ssyncset.done $0x0  }
0x57: {  	[sflag:s19] =	ssyncadd.s32 $0xFFFFFF80  }
0x58: {  	[spmem:s2] =	stream.indirect.scatter.add.f32 [tilespmem:s14], [sflag:$0x4], $0x80, s6, s10, $0xb8;
	[tilespmem:$0x1FC00] =	vst v63  }
0x59: {  	s5 =	rddreg [dreg:$0x1f]  }
0x5a: {  	[tilespmem:s20], [sflag:$0xC] =	stream.linear.gather [hbm4b:s5+s3], $0x80, $0x38;
	[tilespmem:$0x1FC00] =	vst v63  }
0x5b: {  	_ =	swait.ge [sflag:s22], $0x80  }
0x5c: {  	[sflag:s22] =	ssyncset.done $0x0  }
0x5d: {  	[sflag:s22] =	ssyncadd.s32 $0xFFFFFF80  }
0x5e: {  	[tilespmem:s23], [sflag:$0x3] =	stream.indirect.gather [hbm4b:s4+s10], $0x80, s12, s10, $0xb8;
	[tilespmem:$0x1FC00] =	vst v63  }
0x5f: {  	_ =	swait.ge [sflag:s24], $0x4000  }
0x60: {  	s28 =	rddreg [dreg:$0x6];
	[sflag:s24] =	ssyncset.done $0x0  }
0x61: {  	[sflag:s24] =	ssyncadd.s32 $0xFFFFC000;
	s5 =	sadd.s32 $0x0, s28  }
0x62: {  	[tilespmem:s10], [sflag:$0x8] =	stream.linear.gather [hbm4b:s5+s3], $0x80, $0x38;
	[tilespmem:$0x1FC00] =	vst v63  }
0x63: {  	_ =	swait.ge [sflag:s25], $0x80  }
0x64: {  	[sflag:s25] =	ssyncset.done $0x0  }
0x65: {  	[sflag:s25] =	ssyncadd.s32 $0xFFFFFF80  }
0x66: {  	[spmem:s2] =	stream.indirect.scatter.add.f32 [tilespmem:s16], [sflag:$0x5], $0x80, s8, s10, $0xb8;
	[tilespmem:$0x1FC00] =	vst v63  }
0x67: {  	_ =	swait.ge [sflag:s26], $0x4000  }
0x68: {  	s5 =	sadd.s32 $0x0, s11;
	[sflag:s26] =	ssyncset.done $0x0  }
0x69: {  	s1 =	sadd.s32 $0x30, s5;
	[sflag:s26] =	ssyncadd.s32 $0xFFFFC000  }
0x6a: {  	[tilespmem:s6], [sflag:$0xA] =	stream.linear.gather [hbm4b:s1+s3], $0x80, $0x38;
	[tilespmem:$0x1FC00] =	vst v63  }
0x6b: {  	_ =	swait.ge [sflag:s13], $0x80  }
0x6c: {  	[sflag:s13] =	ssyncset.done $0x0  }
0x6d: {  	[sflag:s13] =	ssyncadd.s32 $0xFFFFFF80  }
0x6e: {  	[tilespmem:s14], [sflag:$0x1] =	stream.indirect.gather [hbm4b:s4+s10], $0x80, s3, s10, $0xb8;
	[tilespmem:$0x1FC00] =	vst v63  }
0x6f: {  	_ =	swait.ge [sflag:s17], $0x4000  }
0x70: {  	s1 =	rddreg [dreg:$0x5];
	[sflag:s17] =	ssyncset.done $0x0  }
0x71: {  	[sflag:s17] =	ssyncadd.s32 $0xFFFFC000;
	s28 =	sadd.s32 $0x0, s1  }
0x72: {  	[tilespmem:s12], [sflag:$0x9] =	stream.linear.gather [hbm4b:s28+s3], $0x80, $0x38;
	[tilespmem:$0x1FC00] =	vst v63  }
0x73: {  	_ =	swait.ge [sflag:s30], $0x80  }
0x74: {  	[sflag:s30] =	ssyncset.done $0x0  }
0x75: {  	[sflag:s30] =	ssyncadd.s32 $0xFFFFFF80  }
0x76: {  	[spmem:s2] =	stream.indirect.scatter.add.f32 [tilespmem:s23], [sflag:$0x6], $0x80, s20, s10, $0xb8;
	[tilespmem:$0x1FC00] =	vst v63  }
0x77: {  	_ =	swait.ge [sflag:s0], $0x4000  }
0x78: {  	[sflag:s0] =	ssyncset.done $0x0  }
0x79: {  	s1 =	sadd.s32 $0x40, s5;
	[sflag:s0] =	ssyncadd.s32 $0xFFFFC000  }
0x7a: {  	[tilespmem:s8], [sflag:$0xB] =	stream.linear.gather [hbm4b:s1+s3], $0x80, $0x38;
	[tilespmem:$0x1FC00] =	vst v63  }
0x7b: {  	_ =	swait.ge [sflag:s15], $0x80  }
0x7c: {  	[sflag:s15] =	ssyncset.done $0x0  }
0x7d: {  	[sflag:s15] =	ssyncadd.s32 $0xFFFFFF80  }
0x7e: {  	[tilespmem:s16], [sflag:$0x2] =	stream.indirect.gather [hbm4b:s4+s10], $0x80, s10, s10, $0xb8;
	[tilespmem:$0x1FC00] =	vst v63  }
0x7f: {  	_ =	swait.ge [sflag:s18], $0x4000  }
0x80: {  	s1 =	rddreg [dreg:$0x4];
	[sflag:s18] =	ssyncset.done $0x0  }
0x81: {  	[sflag:s18] =	ssyncadd.s32 $0xFFFFC000;
	s28 =	sadd.s32 $0x0, s1  }
0x82: {  	[tilespmem:s3], [sflag:$0x7] =	stream.linear.gather [hbm4b:s28+s3], $0x80, $0x38;
	[tilespmem:$0x1FC00] =	vst v63  }
0x83: {  	_ =	swait.ge [sflag:s19], $0x80  }
0x84: {  	[sflag:s19] =	ssyncset.done $0x0  }
0x85: {  	[sflag:s19] =	ssyncadd.s32 $0xFFFFFF80  }
0x86: {  	[spmem:s2] =	stream.indirect.scatter.add.f32 [tilespmem:s14], [sflag:$0x4], $0x80, s6, s10, $0xb8;
	[tilespmem:$0x1FC00] =	vst v63  }
0x87: {  	_ =	swait.ge [sflag:s9], $0x4000  }
0x88: {  	[sflag:s9] =	ssyncset.done $0x0  }
0x89: {  	s5 =	sadd.s32 $0x50, s5;
	[sflag:s9] =	ssyncadd.s32 $0xFFFFC000  }
0x8a: {  	[tilespmem:s20], [sflag:$0xC] =	stream.linear.gather [hbm4b:s5+s3], $0x80, $0x38;
	[tilespmem:$0x1FC00] =	vst v63  }
0x8b: {  	_ =	swait.ge [sflag:s22], $0x80  }
0x8c: {  	[sflag:s22] =	ssyncset.done $0x0  }
0x8d: {  	s31 =	simm.s32 $0x30;
	[sflag:s22] =	ssyncadd.s32 $0xFFFFFF80  }
.LBB2_2:
0x8e: {  	[tilespmem:s23], [sflag:$0x3] =	stream.indirect.gather [hbm4b:s4+s10], $0x80, s12, s10, $0xb8;
	[tilespmem:$0x1FC00] =	vst v63  }
0x8f: {  	_ =	swait.ge [sflag:s24], $0x4000  }
0x90: {  	s5 =	smov.u32 s31;
	s28 =	rddreg [dreg:$0x6];
	[sflag:s24] =	ssyncset.done $0x0  }
0x91: {  	[sflag:s24] =	ssyncadd.s32 $0xFFFFC000;
	s28 =	sadd.s32 s5, s28  }
0x92: {  	[tilespmem:s10], [sflag:$0x8] =	stream.linear.gather [hbm4b:s28+s3], $0x80, $0x38;
	[tilespmem:$0x1FC00] =	vst v63  }
0x93: {  	_ =	swait.ge [sflag:s25], $0x80  }
0x94: {  	[sflag:s25] =	ssyncset.done $0x0  }
0x95: {  	[sflag:s25] =	ssyncadd.s32 $0xFFFFFF80  }
0x96: {  	[spmem:s2] =	stream.indirect.scatter.add.f32 [tilespmem:s16], [sflag:$0x5], $0x80, s8, s10, $0xb8;
	[tilespmem:$0x1FC00] =	vst v63  }
0x97: {  	_ =	swait.ge [sflag:s26], $0x4000  }
0x98: {  	s28 =	sadd.s32 s5, s11;
	[sflag:s26] =	ssyncset.done $0x0  }
0x99: {  	s1 =	sadd.s32 $0x30, s28;
	[sflag:s26] =	ssyncadd.s32 $0xFFFFC000  }
0x9a: {  	[tilespmem:s6], [sflag:$0xA] =	stream.linear.gather [hbm4b:s1+s3], $0x80, $0x38;
	[tilespmem:$0x1FC00] =	vst v63  }
0x9b: {  	_ =	swait.ge [sflag:s13], $0x80  }
0x9c: {  	[sflag:s13] =	ssyncset.done $0x0  }
0x9d: {  	[sflag:s13] =	ssyncadd.s32 $0xFFFFFF80  }
0x9e: {  	[tilespmem:s14], [sflag:$0x1] =	stream.indirect.gather [hbm4b:s4+s10], $0x80, s3, s10, $0xb8;
	[tilespmem:$0x1FC00] =	vst v63  }
0x9f: {  	_ =	swait.ge [sflag:s17], $0x4000  }
0xa0: {  	s1 =	rddreg [dreg:$0x5];
	[sflag:s17] =	ssyncset.done $0x0  }
0xa1: {  	[sflag:s17] =	ssyncadd.s32 $0xFFFFC000;
	s1 =	sadd.s32 s5, s1  }
0xa2: {  	[tilespmem:s12], [sflag:$0x9] =	stream.linear.gather [hbm4b:s1+s3], $0x80, $0x38;
	[tilespmem:$0x1FC00] =	vst v63  }
0xa3: {  	_ =	swait.ge [sflag:s30], $0x80  }
0xa4: {  	[sflag:s30] =	ssyncset.done $0x0  }
0xa5: {  	[sflag:s30] =	ssyncadd.s32 $0xFFFFFF80  }
0xa6: {  	[spmem:s2] =	stream.indirect.scatter.add.f32 [tilespmem:s23], [sflag:$0x6], $0x80, s20, s10, $0xb8;
	[tilespmem:$0x1FC00] =	vst v63  }
0xa7: {  	_ =	swait.ge [sflag:s0], $0x4000  }
0xa8: {  	[sflag:s0] =	ssyncset.done $0x0  }
0xa9: {  	s1 =	sadd.s32 $0x40, s28;
	[sflag:s0] =	ssyncadd.s32 $0xFFFFC000  }
0xaa: {  	[tilespmem:s8], [sflag:$0xB] =	stream.linear.gather [hbm4b:s1+s3], $0x80, $0x38;
	[tilespmem:$0x1FC00] =	vst v63  }
0xab: {  	_ =	swait.ge [sflag:s15], $0x80  }
0xac: {  	[sflag:s15] =	ssyncset.done $0x0  }
0xad: {  	[sflag:s15] =	ssyncadd.s32 $0xFFFFFF80  }
0xae: {  	[tilespmem:s16], [sflag:$0x2] =	stream.indirect.gather [hbm4b:s4+s10], $0x80, s10, s10, $0xb8;
	[tilespmem:$0x1FC00] =	vst v63  }
0xaf: {  	_ =	swait.ge [sflag:s18], $0x4000  }
0xb0: {  	s1 =	rddreg [dreg:$0x4];
	[sflag:s18] =	ssyncset.done $0x0  }
0xb1: {  	[sflag:s18] =	ssyncadd.s32 $0xFFFFC000;
	s1 =	sadd.s32 s5, s1  }
0xb2: {  	[tilespmem:s3], [sflag:$0x7] =	stream.linear.gather [hbm4b:s1+s3], $0x80, $0x38;
	[tilespmem:$0x1FC00] =	vst v63  }
0xb3: {  	_ =	swait.ge [sflag:s19], $0x80  }
0xb4: {  	[sflag:s19] =	ssyncset.done $0x0  }
0xb5: {  	[sflag:s19] =	ssyncadd.s32 $0xFFFFFF80  }
0xb6: {  	[spmem:s2] =	stream.indirect.scatter.add.f32 [tilespmem:s14], [sflag:$0x4], $0x80, s6, s10, $0xb8;
	[tilespmem:$0x1FC00] =	vst v63  }
0xb7: {  	_ =	swait.ge [sflag:s9], $0x4000  }
0xb8: {  	p1 =	sne.s32 s31, $0x4B0;
	[sflag:s9] =	ssyncset.done $0x0  }
.Ltmp0:
0xb9: {  	s28 =	sadd.s32 $0x50, s28;
	[sflag:s9] =	ssyncadd.s32 $0xFFFFC000;
	(pc) =	sbr.rel @p1 .LBB2_2-.Ltmp0, $4  }
0xba: {  	[tilespmem:s20], [sflag:$0xC] =	stream.linear.gather [hbm4b:s28+s3], $0x80, $0x38;
	[tilespmem:$0x1FC00] =	vst v63  }
0xbb: {  	_ =	swait.ge [sflag:s22], $0x80  }
0xbc: {  	[sflag:s22] =	ssyncset.done $0x0  }
0xbd: {  	s31 =	sadd.s32 $0x30, s31;
	[sflag:s22] =	ssyncadd.s32 $0xFFFFFF80  }
0xbe: {  	[tilespmem:s23], [sflag:$0x3] =	stream.indirect.gather [hbm4b:s4+s10], $0x80, s12, s10, $0xb8;
	[tilespmem:$0x1FC00] =	vst v63  }
0xbf: {  	_ =	swait.ge [sflag:s24], $0x4000  }
0xc0: {  	s1 =	sld [smem:$0x7FB]  }
0xc1: {  	[sflag:s24] =	ssyncset.done $0x0  }
0xc2: {  	[sflag:s24] =	ssyncadd.s32 $0xFFFFC000  }
0xc3: {  	[tilespmem:s10], [sflag:$0x8] =	stream.linear.gather [hbm4b:s1+s3], $0x80, $0x38;
	[tilespmem:$0x1FC00] =	vst v63  }
0xc4: {  	_ =	swait.ge [sflag:s25], $0x80  }
0xc5: {  	[sflag:s25] =	ssyncset.done $0x0  }
0xc6: {  	[sflag:s25] =	ssyncadd.s32 $0xFFFFFF80  }
0xc7: {  	[spmem:s2] =	stream.indirect.scatter.add.f32 [tilespmem:s16], [sflag:$0x5], $0x80, s8, s10, $0xb8;
	[tilespmem:$0x1FC00] =	vst v63  }
0xc8: {  	_ =	swait.ge [sflag:s26], $0x4000  }
0xc9: {  	s5 =	sld [smem:$0x7FC]  }
0xca: {  	[sflag:s26] =	ssyncset.done $0x0  }
0xcb: {  	[sflag:s26] =	ssyncadd.s32 $0xFFFFC000  }
0xcc: {  	[tilespmem:s6], [sflag:$0xA] =	stream.linear.gather [hbm4b:s5+s3], $0x80, $0x38;
	[tilespmem:$0x1FC00] =	vst v63  }
0xcd: {  	_ =	swait.ge [sflag:s13], $0x80  }
0xce: {  	[sflag:s13] =	ssyncset.done $0x0  }
0xcf: {  	[sflag:s13] =	ssyncadd.s32 $0xFFFFFF80  }
0xd0: {  	[tilespmem:s14], [sflag:$0x1] =	stream.indirect.gather [hbm4b:s4+s10], $0x80, s3, s10, $0xb8;
	[tilespmem:$0x1FC00] =	vst v63  }
0xd1: {  	_ =	swait.ge [sflag:s17], $0x4000  }
0xd2: {  	[sflag:s17] =	ssyncset.done $0x0  }
0xd3: {  	[sflag:s17] =	ssyncadd.s32 $0xFFFFC000  }
0xd4: {  	_ =	swait.ge [sflag:s18], $0x4000  }
0xd5: {  	[sflag:s18] =	ssyncset.done $0x0  }
0xd6: {  	[sflag:s18] =	ssyncadd.s32 $0xFFFFC000  }
0xd7: {  	_ =	swait.ge [sflag:s0], $0x4000  }
0xd8: {  	[sflag:s0] =	ssyncset.done $0x0  }
0xd9: {  	[sflag:s0] =	ssyncadd.s32 $0xFFFFC000  }
0xda: {  	_ =	swait.ge [sflag:s15], $0x80  }
0xdb: {  	[sflag:s15] =	ssyncset.done $0x0  }
0xdc: {  	[sflag:s15] =	ssyncadd.s32 $0xFFFFFF80  }
0xdd: {  	_ =	swait.ge [sflag:s30], $0x80  }
0xde: {  	[sflag:s30] =	ssyncset.done $0x0  }
0xdf: {  	[sflag:s30] =	ssyncadd.s32 $0xFFFFFF80  }
0xe0: {  	_ =	swait.ge [sflag:s19], $0x80  }
0xe1: {  	[sflag:s19] =	ssyncset.done $0x0  }
0xe2: {  	[sflag:s19] =	ssyncadd.s32 $0xFFFFFF80  }
0xe3: {  	[bflag:$0x0] =	sbarrier.arrive $0xFFFF  }
0xe4: {  	s5 =	sld [smem:$0x7FA];
	_ =	sdelay $0x1  }
0xe5: {  	s28 =	rddreg [dreg:$0x16]  }
0xe6: {  	[hbm:s28], [sflag:s7] =	dma.local [spmem:s5], $0x2700  }
0xe7: {  	s5 =	simm.s32 $0xD  }
0xe8: {  	_ =	swait.ge [sflag:s5], $0x2700  }
0xe9: {  	[sflag:s5] =	ssyncset.done $0x0  }
0xea: {  	[sflag:s5] =	ssyncadd.s32 $0xFFFFD900  }
0xeb: {  	[bflag:$0x0] =	sbarrier.arrive @p0 $0xFFFF  }
0xec: {  	s5 =	rddreg [dreg:$0xa]  }
0xed: {  	s28 =	rddreg [dreg:$0x18];
	s1 =	sshrl.u32 @p0 s5, $0x3  }
0xee: {  	[spmem:s1], [sflag:s7] =	dma.local @p0 [hbm:s28], $0x2700  }
0xef: {  	s1 =	simm.s32 @p0 $0xD  }
0xf0: {  	_ =	swait.ge @p0 [sflag:s1], $0x2700  }
0xf1: {  	[sflag:s1] =	ssyncset.done @p0 $0x0  }
0xf2: {  	[sflag:s1] =	ssyncadd.s32 @p0 $0xFFFFD900;
	s1 =	rddreg [dreg:$0x17]  }
0xf3: {  	[hbm:s1], [sflag:s7] =	dma.local @!p0 [spmem:s29], $0x100  }
0xf4: {  	s1 =	simm.s32 @!p0 $0xD  }
0xf5: {  	_ =	swait.ge @!p0 [sflag:s1], $0x100  }
0xf6: {  	[sflag:s1] =	ssyncset.done @!p0 $0x0  }
0xf7: {  	[sflag:s1] =	ssyncadd.s32 @!p0 $0xFFFFFF00  }
0xf8: {  	s5 =	sshrl.u32 @!p0 s5, $0x3;
	[bflag:$0x0] =	sbarrier.arrive @!p0 $0xFFFF  }
0xf9: {  	[spmem:s5], [sflag:s7] =	dma.local @!p0 [hbm:s28], $0x2700  }
0xfa: {  	_ =	swait.ge @!p0 [sflag:s1], $0x2700  }
0xfb: {  	[sflag:s1] =	ssyncset.done @!p0 $0x0  }
0xfc: {  	s5 =	rddreg [dreg:$0x1b];
	[sflag:s1] =	ssyncadd.s32 @!p0 $0xFFFFD900  }
0xfd: {  	[spmem:s29], [sflag:s7] =	dma.local @!p0 [hbm:s5], $0x100  }
0xfe: {  	_ =	swait.ge @!p0 [sflag:s1], $0x100  }
0xff: {  	[sflag:s1] =	ssyncset.done @!p0 $0x0  }
0x100: {  	s28 =	rddreg [dreg:$0x14];
	[sflag:s1] =	ssyncadd.s32 @!p0 $0xFFFFFF00;
	s1 =	simm.s32 $0x0  }
0x101: {  	[tilespmem:s1], [sflag:$0x7] =	stream.linear.gather [hbm4b:s28+s1], $0x80, $0x38;
	[tilespmem:$0x1FC00] =	vst v63  }
0x102: {  	s28 =	rddreg [dreg:$0xd]  }
0x103: {  	[tilespmem:s6], [sflag:$0xA] =	stream.linear.gather [hbm4b:s28+s1], $0x80, $0x38;
	[tilespmem:$0x1FC00] =	vst v63  }
0x104: {  	s28 =	rddreg [dreg:$0x11]  }
0x105: {  	[tilespmem:s10], [sflag:$0x8] =	stream.linear.gather [hbm4b:s28+s1], $0x80, $0x38;
	[tilespmem:$0x1FC00] =	vst v63  }
0x106: {  	s28 =	rddreg [dreg:$0x1e]  }
0x107: {  	[tilespmem:s8], [sflag:$0xB] =	stream.linear.gather [hbm4b:s28+s1], $0x80, $0x38;
	[tilespmem:$0x1FC00] =	vst v63  }
0x108: {  	s28 =	rddreg [dreg:$0x12]  }
0x109: {  	[tilespmem:s12], [sflag:$0x9] =	stream.linear.gather [hbm4b:s28+s1], $0x80, $0x38;
	[tilespmem:$0x1FC00] =	vst v63  }
0x10a: {  	_ =	swait.ge [sflag:s13], $0x80  }
0x10b: {  	[sflag:s13] =	ssyncset.done $0x0  }
0x10c: {  	[sflag:s13] =	ssyncadd.s32 $0xFFFFFF80  }
0x10d: {  	[tilespmem:s14], [sflag:$0x1] =	stream.indirect.gather [hbm4b:s4+s10], $0x80, s1, s10, $0xb8;
	[tilespmem:$0x1FC00] =	vst v63  }
0x10e: {  	_ =	swait.ge [sflag:s15], $0x80  }
0x10f: {  	[sflag:s15] =	ssyncset.done $0x0  }
0x110: {  	[sflag:s15] =	ssyncadd.s32 $0xFFFFFF80  }
0x111: {  	[tilespmem:s16], [sflag:$0x2] =	stream.indirect.gather [hbm4b:s4+s10], $0x80, s10, s10, $0xb8;
	[tilespmem:$0x1FC00] =	vst v63  }
0x112: {  	[bflag:$0x0] =	sbarrier.arrive $0xFFFF  }
0x113: {  	_ =	swait.ge [sflag:s18], $0x4000  }
0x114: {  	[sflag:s18] =	ssyncset.done $0x0  }
0x115: {  	s28 =	rddreg [dreg:$0x13];
	[sflag:s18] =	ssyncadd.s32 $0xFFFFC000  }
0x116: {  	[tilespmem:s1], [sflag:$0x7] =	stream.linear.gather [hbm4b:s28+s1], $0x80, $0x38;
	[tilespmem:$0x1FC00] =	vst v63  }
0x117: {  	_ =	swait.ge [sflag:s19], $0x80  }
0x118: {  	[sflag:s19] =	ssyncset.done $0x0  }
0x119: {  	[sflag:s19] =	ssyncadd.s32 $0xFFFFFF80  }
0x11a: {  	[spmem:s2] =	stream.indirect.scatter.add.f32 [tilespmem:s14], [sflag:$0x4], $0x80, s6, s10, $0xb8;
	[tilespmem:$0x1FC00] =	vst v63  }
0x11b: {  	s28 =	rddreg [dreg:$0x1f]  }
0x11c: {  	[tilespmem:s20], [sflag:$0xC] =	stream.linear.gather [hbm4b:s28+s1], $0x80, $0x38;
	[tilespmem:$0x1FC00] =	vst v63  }
0x11d: {  	_ =	swait.ge [sflag:s22], $0x80  }
0x11e: {  	[sflag:s22] =	ssyncset.done $0x0  }
0x11f: {  	[sflag:s22] =	ssyncadd.s32 $0xFFFFFF80  }
0x120: {  	[tilespmem:s23], [sflag:$0x3] =	stream.indirect.gather [hbm4b:s4+s10], $0x80, s12, s10, $0xb8;
	[tilespmem:$0x1FC00] =	vst v63  }
0x121: {  	_ =	swait.ge [sflag:s24], $0x4000  }
0x122: {  	s5 =	rddreg [dreg:$0x9];
	[sflag:s24] =	ssyncset.done $0x0  }
0x123: {  	[sflag:s24] =	ssyncadd.s32 $0xFFFFC000;
	s1 =	sadd.s32 $0x0, s5  }
0x124: {  	[tilespmem:s10], [sflag:$0x8] =	stream.linear.gather [hbm4b:s1+s3], $0x80, $0x38;
	[tilespmem:$0x1FC00] =	vst v63  }
0x125: {  	_ =	swait.ge [sflag:s25], $0x80  }
0x126: {  	[sflag:s25] =	ssyncset.done $0x0  }
0x127: {  	[sflag:s25] =	ssyncadd.s32 $0xFFFFFF80  }
0x128: {  	[spmem:s2] =	stream.indirect.scatter.add.f32 [tilespmem:s16], [sflag:$0x5], $0x80, s8, s10, $0xb8;
	[tilespmem:$0x1FC00] =	vst v63  }
0x129: {  	_ =	swait.ge [sflag:s26], $0x4000  }
0x12a: {  	s1 =	sadd.s32 $0x0, s11;
	[sflag:s26] =	ssyncset.done $0x0  }
0x12b: {  	s28 =	sadd.s32 $0x30, s1;
	[sflag:s26] =	ssyncadd.s32 $0xFFFFC000  }
0x12c: {  	[tilespmem:s6], [sflag:$0xA] =	stream.linear.gather [hbm4b:s28+s3], $0x80, $0x38;
	[tilespmem:$0x1FC00] =	vst v63  }
0x12d: {  	_ =	swait.ge [sflag:s13], $0x80  }
0x12e: {  	[sflag:s13] =	ssyncset.done $0x0  }
0x12f: {  	[sflag:s13] =	ssyncadd.s32 $0xFFFFFF80  }
0x130: {  	[tilespmem:s14], [sflag:$0x1] =	stream.indirect.gather [hbm4b:s4+s10], $0x80, s3, s10, $0xb8;
	[tilespmem:$0x1FC00] =	vst v63  }
0x131: {  	_ =	swait.ge [sflag:s17], $0x4000  }
0x132: {  	s28 =	rddreg [dreg:$0x8];
	[sflag:s17] =	ssyncset.done $0x0  }
0x133: {  	[sflag:s17] =	ssyncadd.s32 $0xFFFFC000;
	s5 =	sadd.s32 $0x0, s28  }
0x134: {  	[tilespmem:s12], [sflag:$0x9] =	stream.linear.gather [hbm4b:s5+s3], $0x80, $0x38;
	[tilespmem:$0x1FC00] =	vst v63  }
0x135: {  	_ =	swait.ge [sflag:s30], $0x80  }
0x136: {  	[sflag:s30] =	ssyncset.done $0x0  }
0x137: {  	[sflag:s30] =	ssyncadd.s32 $0xFFFFFF80  }
0x138: {  	[spmem:s2] =	stream.indirect.scatter.add.f32 [tilespmem:s23], [sflag:$0x6], $0x80, s20, s10, $0xb8;
	[tilespmem:$0x1FC00] =	vst v63  }
0x139: {  	_ =	swait.ge [sflag:s0], $0x4000  }
0x13a: {  	[sflag:s0] =	ssyncset.done $0x0  }
0x13b: {  	s28 =	sadd.s32 $0x40, s1;
	[sflag:s0] =	ssyncadd.s32 $0xFFFFC000  }
0x13c: {  	[tilespmem:s8], [sflag:$0xB] =	stream.linear.gather [hbm4b:s28+s3], $0x80, $0x38;
	[tilespmem:$0x1FC00] =	vst v63  }
0x13d: {  	_ =	swait.ge [sflag:s15], $0x80  }
0x13e: {  	[sflag:s15] =	ssyncset.done $0x0  }
0x13f: {  	[sflag:s15] =	ssyncadd.s32 $0xFFFFFF80  }
0x140: {  	[tilespmem:s16], [sflag:$0x2] =	stream.indirect.gather [hbm4b:s4+s10], $0x80, s10, s10, $0xb8;
	[tilespmem:$0x1FC00] =	vst v63  }
0x141: {  	_ =	swait.ge [sflag:s18], $0x4000  }
0x142: {  	s28 =	rddreg [dreg:$0x7];
	[sflag:s18] =	ssyncset.done $0x0  }
0x143: {  	[sflag:s18] =	ssyncadd.s32 $0xFFFFC000;
	s5 =	sadd.s32 $0x0, s28  }
0x144: {  	[tilespmem:s3], [sflag:$0x7] =	stream.linear.gather [hbm4b:s5+s3], $0x80, $0x38;
	[tilespmem:$0x1FC00] =	vst v63  }
0x145: {  	_ =	swait.ge [sflag:s19], $0x80  }
0x146: {  	[sflag:s19] =	ssyncset.done $0x0  }
0x147: {  	[sflag:s19] =	ssyncadd.s32 $0xFFFFFF80  }
0x148: {  	[spmem:s2] =	stream.indirect.scatter.add.f32 [tilespmem:s14], [sflag:$0x4], $0x80, s6, s10, $0xb8;
	[tilespmem:$0x1FC00] =	vst v63  }
0x149: {  	_ =	swait.ge [sflag:s9], $0x4000  }
0x14a: {  	[sflag:s9] =	ssyncset.done $0x0  }
0x14b: {  	s1 =	sadd.s32 $0x50, s1;
	[sflag:s9] =	ssyncadd.s32 $0xFFFFC000  }
0x14c: {  	[tilespmem:s20], [sflag:$0xC] =	stream.linear.gather [hbm4b:s1+s3], $0x80, $0x38;
	[tilespmem:$0x1FC00] =	vst v63  }
0x14d: {  	_ =	swait.ge [sflag:s22], $0x80  }
0x14e: {  	[sflag:s22] =	ssyncset.done $0x0  }
0x14f: {  	s31 =	simm.s32 $0x30;
	[sflag:s22] =	ssyncadd.s32 $0xFFFFFF80  }
.LBB2_4:
0x150: {  	[tilespmem:s23], [sflag:$0x3] =	stream.indirect.gather [hbm4b:s4+s10], $0x80, s12, s10, $0xb8;
	[tilespmem:$0x1FC00] =	vst v63  }
0x151: {  	_ =	swait.ge [sflag:s24], $0x4000  }
0x152: {  	s5 =	smov.u32 s31;
	s1 =	rddreg [dreg:$0x9];
	[sflag:s24] =	ssyncset.done $0x0  }
0x153: {  	[sflag:s24] =	ssyncadd.s32 $0xFFFFC000;
	s1 =	sadd.s32 s5, s1  }
0x154: {  	[tilespmem:s10], [sflag:$0x8] =	stream.linear.gather [hbm4b:s1+s3], $0x80, $0x38;
	[tilespmem:$0x1FC00] =	vst v63  }
0x155: {  	_ =	swait.ge [sflag:s25], $0x80  }
0x156: {  	[sflag:s25] =	ssyncset.done $0x0  }
0x157: {  	[sflag:s25] =	ssyncadd.s32 $0xFFFFFF80  }
0x158: {  	[spmem:s2] =	stream.indirect.scatter.add.f32 [tilespmem:s16], [sflag:$0x5], $0x80, s8, s10, $0xb8;
	[tilespmem:$0x1FC00] =	vst v63  }
0x159: {  	_ =	swait.ge [sflag:s26], $0x4000  }
0x15a: {  	s28 =	sadd.s32 s5, s11;
	[sflag:s26] =	ssyncset.done $0x0  }
0x15b: {  	s1 =	sadd.s32 $0x30, s28;
	[sflag:s26] =	ssyncadd.s32 $0xFFFFC000  }
0x15c: {  	[tilespmem:s6], [sflag:$0xA] =	stream.linear.gather [hbm4b:s1+s3], $0x80, $0x38;
	[tilespmem:$0x1FC00] =	vst v63  }
0x15d: {  	_ =	swait.ge [sflag:s13], $0x80  }
0x15e: {  	[sflag:s13] =	ssyncset.done $0x0  }
0x15f: {  	[sflag:s13] =	ssyncadd.s32 $0xFFFFFF80  }
0x160: {  	[tilespmem:s14], [sflag:$0x1] =	stream.indirect.gather [hbm4b:s4+s10], $0x80, s3, s10, $0xb8;
	[tilespmem:$0x1FC00] =	vst v63  }
0x161: {  	_ =	swait.ge [sflag:s17], $0x4000  }
0x162: {  	s1 =	rddreg [dreg:$0x8];
	[sflag:s17] =	ssyncset.done $0x0  }
0x163: {  	[sflag:s17] =	ssyncadd.s32 $0xFFFFC000;
	s1 =	sadd.s32 s5, s1  }
0x164: {  	[tilespmem:s12], [sflag:$0x9] =	stream.linear.gather [hbm4b:s1+s3], $0x80, $0x38;
	[tilespmem:$0x1FC00] =	vst v63  }
0x165: {  	_ =	swait.ge [sflag:s30], $0x80  }
0x166: {  	[sflag:s30] =	ssyncset.done $0x0  }
0x167: {  	[sflag:s30] =	ssyncadd.s32 $0xFFFFFF80  }
0x168: {  	[spmem:s2] =	stream.indirect.scatter.add.f32 [tilespmem:s23], [sflag:$0x6], $0x80, s20, s10, $0xb8;
	[tilespmem:$0x1FC00] =	vst v63  }
0x169: {  	_ =	swait.ge [sflag:s0], $0x4000  }
0x16a: {  	[sflag:s0] =	ssyncset.done $0x0  }
0x16b: {  	s1 =	sadd.s32 $0x40, s28;
	[sflag:s0] =	ssyncadd.s32 $0xFFFFC000  }
0x16c: {  	[tilespmem:s8], [sflag:$0xB] =	stream.linear.gather [hbm4b:s1+s3], $0x80, $0x38;
	[tilespmem:$0x1FC00] =	vst v63  }
0x16d: {  	_ =	swait.ge [sflag:s15], $0x80  }
0x16e: {  	[sflag:s15] =	ssyncset.done $0x0  }
0x16f: {  	[sflag:s15] =	ssyncadd.s32 $0xFFFFFF80  }
0x170: {  	[tilespmem:s16], [sflag:$0x2] =	stream.indirect.gather [hbm4b:s4+s10], $0x80, s10, s10, $0xb8;
	[tilespmem:$0x1FC00] =	vst v63  }
0x171: {  	_ =	swait.ge [sflag:s18], $0x4000  }
0x172: {  	s1 =	rddreg [dreg:$0x7];
	[sflag:s18] =	ssyncset.done $0x0  }
0x173: {  	[sflag:s18] =	ssyncadd.s32 $0xFFFFC000;
	s1 =	sadd.s32 s5, s1  }
0x174: {  	[tilespmem:s3], [sflag:$0x7] =	stream.linear.gather [hbm4b:s1+s3], $0x80, $0x38;
	[tilespmem:$0x1FC00] =	vst v63  }
0x175: {  	_ =	swait.ge [sflag:s19], $0x80  }
0x176: {  	[sflag:s19] =	ssyncset.done $0x0  }
0x177: {  	[sflag:s19] =	ssyncadd.s32 $0xFFFFFF80  }
0x178: {  	[spmem:s2] =	stream.indirect.scatter.add.f32 [tilespmem:s14], [sflag:$0x4], $0x80, s6, s10, $0xb8;
	[tilespmem:$0x1FC00] =	vst v63  }
0x179: {  	_ =	swait.ge [sflag:s9], $0x4000  }
0x17a: {  	p1 =	sne.s32 s31, $0x4B0;
	[sflag:s9] =	ssyncset.done $0x0  }
.Ltmp1:
0x17b: {  	s28 =	sadd.s32 $0x50, s28;
	[sflag:s9] =	ssyncadd.s32 $0xFFFFC000;
	(pc) =	sbr.rel @p1 .LBB2_4-.Ltmp1, $4  }
0x17c: {  	[tilespmem:s20], [sflag:$0xC] =	stream.linear.gather [hbm4b:s28+s3], $0x80, $0x38;
	[tilespmem:$0x1FC00] =	vst v63  }
0x17d: {  	_ =	swait.ge [sflag:s22], $0x80  }
0x17e: {  	[sflag:s22] =	ssyncset.done $0x0  }
0x17f: {  	s31 =	sadd.s32 $0x30, s31;
	[sflag:s22] =	ssyncadd.s32 $0xFFFFFF80  }
0x180: {  	[tilespmem:s23], [sflag:$0x3] =	stream.indirect.gather [hbm4b:s4+s10], $0x80, s12, s10, $0xb8;
	[tilespmem:$0x1FC00] =	vst v63  }
0x181: {  	_ =	swait.ge [sflag:s24], $0x4000  }
0x182: {  	s1 =	sld [smem:$0x7FD]  }
0x183: {  	[sflag:s24] =	ssyncset.done $0x0  }
0x184: {  	[sflag:s24] =	ssyncadd.s32 $0xFFFFC000  }
0x185: {  	[tilespmem:s10], [sflag:$0x8] =	stream.linear.gather [hbm4b:s1+s3], $0x80, $0x38;
	[tilespmem:$0x1FC00] =	vst v63  }
0x186: {  	_ =	swait.ge [sflag:s25], $0x80  }
0x187: {  	[sflag:s25] =	ssyncset.done $0x0  }
0x188: {  	[sflag:s25] =	ssyncadd.s32 $0xFFFFFF80  }
0x189: {  	[spmem:s2] =	stream.indirect.scatter.add.f32 [tilespmem:s16], [sflag:$0x5], $0x80, s8, s10, $0xb8;
	[tilespmem:$0x1FC00] =	vst v63  }
0x18a: {  	_ =	swait.ge [sflag:s26], $0x4000  }
0x18b: {  	s5 =	sld [smem:$0x7FC]  }
0x18c: {  	[sflag:s26] =	ssyncset.done $0x0  }
0x18d: {  	[sflag:s26] =	ssyncadd.s32 $0xFFFFC000  }
0x18e: {  	[tilespmem:s6], [sflag:$0xA] =	stream.linear.gather [hbm4b:s5+s3], $0x80, $0x38;
	[tilespmem:$0x1FC00] =	vst v63  }
0x18f: {  	_ =	swait.ge [sflag:s13], $0x80  }
0x190: {  	[sflag:s13] =	ssyncset.done $0x0  }
0x191: {  	[sflag:s13] =	ssyncadd.s32 $0xFFFFFF80  }
0x192: {  	[tilespmem:s14], [sflag:$0x1] =	stream.indirect.gather [hbm4b:s4+s10], $0x80, s3, s10, $0xb8;
	[tilespmem:$0x1FC00] =	vst v63  }
0x193: {  	_ =	swait.ge [sflag:s17], $0x4000  }
0x194: {  	[sflag:s17] =	ssyncset.done $0x0  }
0x195: {  	[sflag:s17] =	ssyncadd.s32 $0xFFFFC000  }
0x196: {  	_ =	swait.ge [sflag:s18], $0x4000  }
0x197: {  	[sflag:s18] =	ssyncset.done $0x0  }
0x198: {  	[sflag:s18] =	ssyncadd.s32 $0xFFFFC000  }
0x199: {  	_ =	swait.ge [sflag:s0], $0x4000  }
0x19a: {  	[sflag:s0] =	ssyncset.done $0x0  }
0x19b: {  	[sflag:s0] =	ssyncadd.s32 $0xFFFFC000  }
0x19c: {  	_ =	swait.ge [sflag:s15], $0x80  }
0x19d: {  	[sflag:s15] =	ssyncset.done $0x0  }
0x19e: {  	[sflag:s15] =	ssyncadd.s32 $0xFFFFFF80  }
0x19f: {  	_ =	swait.ge [sflag:s30], $0x80  }
0x1a0: {  	[sflag:s30] =	ssyncset.done $0x0  }
0x1a1: {  	[sflag:s30] =	ssyncadd.s32 $0xFFFFFF80  }
0x1a2: {  	_ =	swait.ge [sflag:s19], $0x80  }
0x1a3: {  	[sflag:s19] =	ssyncset.done $0x0  }
0x1a4: {  	[sflag:s19] =	ssyncadd.s32 $0xFFFFFF80  }
0x1a5: {  	[bflag:$0x0] =	sbarrier.arrive $0xFFFF  }
0x1a6: {  	s5 =	sld [smem:$0x7FA];
	_ =	sdelay $0x1  }
0x1a7: {  	s28 =	simm.s32 $0xD;
	s31 =	rddreg [dreg:$0x19]  }
0x1a8: {  	[hbm:s31], [sflag:s7] =	dma.local [spmem:s5], $0x2700  }
0x1a9: {  	_ =	swait.ge [sflag:s28], $0x2700  }
0x1aa: {  	[sflag:s28] =	ssyncset.done $0x0  }
0x1ab: {  	s1 =	rddreg [dreg:$0x1a];
	[sflag:s28] =	ssyncadd.s32 $0xFFFFD900  }
0x1ac: {  	[hbm:s1], [sflag:s7] =	dma.local @!p0 [spmem:s29], $0x100  }
0x1ad: {  	s1 =	simm.s32 @!p0 $0xD  }
0x1ae: {  	_ =	swait.ge @!p0 [sflag:s1], $0x100  }
0x1af: {  	s21 =	sadd.s32 $0x1, s21;
	s31 =	rddreg [dreg:$0x1c]  }
0x1b0: {  	p1 =	sne.s32 s21, s31  }
.Ltmp2:
0x1b1: {  	_ = 	snop;
	(pc) =	sbr.rel @p1 .LBB2_1-.Ltmp2, $3  }
0x1b2: {  	_ =	sdelay $0x1  }
0x1b3: {  	[sflag:s1] =	ssyncset.done @!p0 $0x0  }
0x1b4: {  	[sflag:s1] =	ssyncadd.s32 @!p0 $0xFFFFFF00  }
0x1b5: {  	_ =	sfence.sel $0x180000  }
0x1b6: {  	[bflag:$0x0] =	sbarrier.arrive $0xFFFF  }
0x1b7: {  	_ =	strace $0x9000004A  }
0x1b8: {  	s0 =	stileid.u32;
	[bflag:$0x2] =	sbarrier.arrive $0xFFFF  }
0x1b9: {  	p0 =	sne.s32 s0, $0x0;
	s0 =	rddreg [dreg:$0x3]  }
0x1ba: {  	s0 =	sadd.s32 @!p0 $0x100000, s0  }
0x1bb: {  	[sflag:s0] =	ssyncadd.tile.s32 @!p0 $0x1;
	_ =	shalt  }
.Lfunc_end2:
_tile_overlayer_lowered:
.L_overlay_start_2:
0x1bc: {  	(tag) =	ssettag $0x2  }
0x1bd: {  	s0 =	rddreg [dreg:$0x0];
	s2 =	stileid.u32  }
0x1be: {  	s1 =	rddreg [dreg:$0x1];
	p0 =	sne.s32 s2, $0x0  }
0x1bf: {  	s3 =	rddreg [dreg:$0x2];
	[bflag:$0x3] =	sbarrier.arrive $0xFFFF;
	s2 =	simm.s32 @!p0 $0x1C0D  }
0x1c0: {  	[timem:s3], [sflag:s2] =	dma.local @!p0 [hbm:s0], s1  }
0x1c1: {  	s0 =	simm.s32 @!p0 $0xD  }
0x1c2: {  	_ =	swait.ge @!p0 [sflag:s0], s1  }
0x1c3: {  	s1 =	ssub.s32 @!p0 $0x0, s1;
	[sflag:s0] =	ssyncset.done @!p0 $0x0  }
0x1c4: {  	[sflag:s0] =	ssyncadd.s32 @!p0 s1  }
0x1c5: {  	[bflag:$0x3] =	sbarrier.arrive $0xFFFF  }
0x1c6: {  	_ =	shalt  }

// kernel: kernel.15.cloned.1.call-start
scs
__scs_entry_jumppad:
0x0: {  	(pc) =	sbr.rel $0x88, $3  }
0x1: {  	(tag) =	ssettag $0x0;
	lr =	simm.s32 $0x1  }
0x2: {  	[smem:$0x3F9B] =	sst lr;
	_ =	strace $0xD0000000  }
0x3: {  	_ = 	snop  }
0x4: {  	_ = 	snop  }
0x5: {  	_ = 	snop  }
0x6: {  	_ = 	snop  }
0x7: {  	_ = 	snop  }
__scs_overlays_trampoline_lowered:
0x8: {  	[smem:$0x3FAA] =	sst s0  }
0x9: {  	[smem:$0x3FAB] =	sst s1  }
0xa: {  	[smem:$0x3FAC] =	sst s2  }
0xb: {  	[smem:$0x3FAD] =	sst s3  }
0xc: {  	[smem:$0x3FAE] =	sst s4  }
0xd: {  	[smem:$0x3FAF] =	sst s5  }
0xe: {  	[smem:$0x3FB0] =	sst s6  }
0xf: {  	[smem:$0x3FB1] =	sst s7  }
0x10: {  	[smem:$0x3FB2] =	sst s8  }
0x11: {  	[smem:$0x3FB3] =	sst s9;
	s0 =	simm.s32 @!p0 $0x0  }
0x12: {  	s1 =	sld [smem:$0x3F99];
	s0 =	simm.s32 @p0 $0x1  }
0x13: {  	[smem:$0x3FB4] =	sst s0;
	s0 =	simm.s32 @!p1 $0x0  }
0x14: {  	s2 =	sld [smem:$0x3F98];
	s0 =	simm.s32 @p1 $0x1  }
0x15: {  	[smem:$0x3FB5] =	sst s0;
	s0 =	simm.s32 @!p2 $0x0  }
0x16: {  	s3 =	sld [smem:$0x3FDB];
	s0 =	simm.s32 @p2 $0x1  }
0x17: {  	s4 =	simm.s32 $0x1BF5;
	[smem:$0x3FB7] =	sst s0  }
0x18: {  	s0 =	sld [smem:$0x3F9A];
	_ =	swait.ge [sflag:s4], $0x0  }
0x19: {  	s7 =	sld [smem:$0x3F9B]  }
0x1a: {  	s8 =	sadd.s32 $0xFFFFE003, lr  }
0x1b: {  	s9 =	sadd.s32 $0xFFFFFEF7, lr;
	s5 =	simm.s32 $0xFFFFFFFF;
	p2 =	slt.u32 s8, $0xFFFFF086  }
0x1c: {  	p1 =	slt.u32 s9, $0xF7A;
	s5 =	simm.s32 @!p2 $0x0  }
0x1d: {  	s5 =	simm.s32 @p1 $0x1;
	p0 =	seq.s32 s7, s2  }
0x1e: {  	s7 =	smul.u32 @!p0 $0xF7A, s2;
	p2 =	seq.s32 @!p0 s5, $0x0  }
0x1f: {  	s9 =	smul.u32 $0xF7A, s1;
	s8 =	simm.s32 @!p0 $0x1BF5;
	p2 =	por !p2, p0  }
0x20: {  	[sflag:s8] =	ssyncset.s32 @!p0 $0xFFFFF086;
	s6 =	sadd.s32 @!p0 s3, s7;
	s7 =	simm.s32 @!p0 $0x108  }
0x21: {  	s3 =	sadd.s32 s3, s9;
	s6 =	sadd.s32 @!p0 $0x88, s6;
	s7 =	simm.s32 @p2 $0x1082  }
0x22: {  	[simem:s7], [sflag:s8] =	dma.local @!p0 [hbm:s6], $0xF7A  }
0x23: {  	s9 =	sor.u32 $0xD0000000, s2;
	s6 =	simm.s32 $0x108;
	_ =	swait.ge @!p0 [sflag:s8], $0x0  }
0x24: {  	s3 =	sadd.s32 $0x88, s3;
	s6 =	simm.s32 @!p1 $0x1082;
	[sflag:s4] =	ssyncset.s32 $0xFFFFF086  }
0x25: {  	[simem:s6], [sflag:s4] =	dma.local [hbm:s3], $0xF7A  }
0x26: {  	[smem:$0x3F9B] =	sst s1;
	(tag) =	ssettag s2;
	_ =	strace s9  }
0x27: {  	s1 =	sld [smem:$0x3FAB]  }
0x28: {  	s2 =	sld [smem:$0x3FAC]  }
0x29: {  	s4 =	sld [smem:$0x3FAE]  }
0x2a: {  	p0 =	seq.s32 s5, $0x0;
	s5 =	sld [smem:$0x3FAF]  }
0x2b: {  	s6 =	sld [smem:$0x3FB0]  }
0x2c: {  	s7 =	sld [smem:$0x3FB1]  }
0x2d: {  	s3 =	simm.s32 $0x108;
	s8 =	sld [smem:$0x3FB2]  }
0x2e: {  	s3 =	simm.s32 @!p0 $0x1082;
	s9 =	sld [smem:$0x3FB3]  }
0x2f: {  	lr =	sadd.s32 s0, s3;
	s0 =	sld [smem:$0x3FAA]  }
0x30: {  	s3 =	sld [smem:$0x3FAD]  }
0x31: {  	[smem:$0x3FB6] =	sst s10  }
0x32: {  	s10 =	sld [smem:$0x3FB4];
	_ =	sdelay $0x3  }
0x33: {  	p0 =	seq.s32 s10, $0x1;
	s10 =	sld [smem:$0x3FB6];
	_ =	sdelay $0x3  }
0x34: {  	[smem:$0x3FB6] =	sst s10  }
0x35: {  	s10 =	sld [smem:$0x3FB5];
	_ =	sdelay $0x3  }
0x36: {  	p1 =	seq.s32 s10, $0x1;
	s10 =	sld [smem:$0x3FB6];
	_ =	sdelay $0x3  }
0x37: {  	[smem:$0x3FB6] =	sst s10  }
0x38: {  	s10 =	sld [smem:$0x3FB7]  }
0x39: {  	_ = 	snop;
	(pc) =	sbr.ind lr, $3  }
0x3a: {  	_ = 	snop  }
0x3b: {  	_ = 	snop  }
0x3c: {  	p2 =	seq.s32 s10, $0x1;
	s10 =	sld [smem:$0x3FB6]  }
0x3d: {  	_ =	shalt  }
0x3e: {  	_ =	shalt  }
0x3f: {  	_ =	shalt  }
0x40: {  	_ =	shalt  }
0x41: {  	_ =	shalt  }
0x42: {  	_ =	shalt  }
0x43: {  	_ =	shalt  }
0x44: {  	_ =	shalt  }
0x45: {  	_ =	shalt  }
0x46: {  	_ =	shalt  }
0x47: {  	_ =	shalt  }
0x48: {  	_ =	shalt  }
0x49: {  	_ =	shalt  }
0x4a: {  	_ =	shalt  }
0x4b: {  	_ =	shalt  }
0x4c: {  	_ =	shalt  }
0x4d: {  	_ =	shalt  }
0x4e: {  	_ =	shalt  }
0x4f: {  	_ =	shalt  }
0x50: {  	_ =	shalt  }
0x51: {  	_ =	shalt  }
0x52: {  	_ =	shalt  }
0x53: {  	_ =	shalt  }
0x54: {  	_ =	shalt  }
0x55: {  	_ =	shalt  }
0x56: {  	_ =	shalt  }
0x57: {  	_ =	shalt  }
0x58: {  	_ =	shalt  }
0x59: {  	_ =	shalt  }
0x5a: {  	_ =	shalt  }
0x5b: {  	_ =	shalt  }
0x5c: {  	_ =	shalt  }
0x5d: {  	_ =	shalt  }
0x5e: {  	_ =	shalt  }
0x5f: {  	_ =	shalt  }
0x60: {  	_ =	shalt  }
0x61: {  	_ =	shalt  }
0x62: {  	_ =	shalt  }
0x63: {  	_ =	shalt  }
0x64: {  	_ =	shalt  }
0x65: {  	_ =	shalt  }
0x66: {  	_ =	shalt  }
0x67: {  	_ =	shalt  }
0x68: {  	_ =	shalt  }
0x69: {  	_ =	shalt  }
0x6a: {  	_ =	shalt  }
0x6b: {  	_ =	shalt  }
0x6c: {  	_ =	shalt  }
0x6d: {  	_ =	shalt  }
0x6e: {  	_ =	shalt  }
0x6f: {  	_ =	shalt  }
0x70: {  	_ =	shalt  }
0x71: {  	_ =	shalt  }
0x72: {  	_ =	shalt  }
0x73: {  	_ =	shalt  }
0x74: {  	_ =	shalt  }
0x75: {  	_ =	shalt  }
0x76: {  	_ =	shalt  }
0x77: {  	_ =	shalt  }
0x78: {  	_ =	shalt  }
0x79: {  	_ =	shalt  }
0x7a: {  	_ =	shalt  }
0x7b: {  	_ =	shalt  }
0x7c: {  	_ =	shalt  }
0x7d: {  	_ =	shalt  }
0x7e: {  	_ =	shalt  }
0x7f: {  	_ =	shalt  }
0x80: {  	_ =	shalt  }
0x81: {  	_ =	shalt  }
0x82: {  	_ =	shalt  }
0x83: {  	_ =	shalt  }
0x84: {  	_ =	shalt  }
0x85: {  	_ =	shalt  }
0x86: {  	_ =	shalt  }
0x87: {  	_ =	shalt  }
.Lfunc_end0:
.L_simem_size_0:
called_computation.2_lowered:
.L_overlay_start_0:
0x88: {  	s2 =	sld [smem:$0x3FD9]  }
0x89: {  	s3 =	sld [smem:$0x3FFE];
	_ =	sdelay $0x1  }
0x8a: {  	s1 =	srdreg.scid  }
0x8b: {  	s0 =	sand.u32 $0x1, s1  }
0x8c: {  	s17 =	sshll.u32 s0, $0xA;
	s2 =	sadd.s32 s3, s2  }
0x8d: {  	s2 =	sadd.s32 s2, s17  }
0x8e: {  	[smem:$0x3FC2] =	sst s2  }
0x8f: {  	_ = 	snop  }
0x90: {  	s2 =	sld [smem:$0x3FD0];
	(tm) =	ssettm $0x1  }
0x91: {  	s18 =	sld [smem:$0x3FFB];
	_ =	sdelay $0x3  }
0x92: {  	_ =	strace s18  }
0x93: {  	s3 =	sld [smem:$0x3FFC];
	_ =	sdelay $0x3  }
0x94: {  	_ =	strace s3  }
0x95: {  	s3 =	sld [smem:$0x3FFD];
	_ =	sdelay $0x3  }
0x96: {  	_ =	strace s3  }
0x97: {  	_ =	strace $0x8FFFFFFF  }
0x98: {  	s19 =	sld [smem:$0x3FDB];
	_ =	sdelay $0x1  }
0x99: {  	s4 =	simm.s32 $_scs_section_size  }
0x9a: {  	s5 =	simm.s32 $_size__tile_overlayer_lowered;
	s6 =	simm.s32 $_tile_overlayer_lowered  }
0x9b: {  	s22 =	simm.s32 $0x1BFF;
	s21 =	sshll.u32 s6, $0x1;
	s3 =	sadd.s32 s4, s19  }
0x9c: {  	s7 =	simm.s32 $0x0;
	s20 =	sshll.u32 s5, $0x1;
	s5 =	sadd.s32 s21, s3  }
0x9d: {  	[timem:s7], [sflag:s22] =	dma.local [hbm:s5], s20  }
0x9e: {  	_ =	swait.ge [sflag:s22], s20  }
0x9f: {  	s4 =	ssub.s32 $0x0, s20;
	[sflag:s22] =	ssyncset.done $0x0  }
0xa0: {  	[sflag:s22] =	ssyncadd.s32 s4;
	_ =	sdelay $0x1  }
0xa1: {  	s23 =	simm.s32 $0x1B8B  }
0xa2: {  	_ =	swait.ge [sflag:s23], $0x1  }
0xa3: {  	[sflag:s23] =	ssyncset.done $0x0  }
0xa4: {  	s25 =	simm.s32 $0x1B8E;
	s24 =	sld [smem:$0x3FFE];
	[sflag:s23] =	ssyncadd.s32 $0xFFFFFFFF  }
0xa5: {  	s26 =	simm.s32 $execute0_lowered;
	[smem:$0x3FD2] =	sst s25  }
0xa6: {  	s5 =	sshll.u32 s26, $0x1;
	_ =	strace $0x8000004C;
	[dreg:$0x1] =	wrdreg $0xFFFFFFFF  }
0xa7: {  	s28 =	simm.s32 $_size_execute0_lowered;
	s3 =	sadd.s32 s3, s5;
	[dreg:$0x0] =	wrdreg $0x0  }
0xa8: {  	s5 =	sshll.u32 s28, $0x1;
	[dreg:$0x2] =	wrdreg s3  }
0xa9: {  	[dreg:$0x3] =	wrdreg s5  }
0xaa: {  	[dreg:$0x4] =	wrdreg $0xC0  }
0xab: {  	_ =	task [dreg:s7], $0x5FFFF  }
0xac: {  	[dreg:$0x1] =	wrdreg $0xFFFFFFFF  }
0xad: {  	[dreg:$0x0] =	wrdreg $0x60  }
0xae: {  	[dreg:$0x2] =	wrdreg s2  }
0xaf: {  	[dreg:$0x3] =	wrdreg s24  }
0xb0: {  	[dreg:$0x4] =	wrdreg $0xC3000  }
0xb1: {  	[dreg:$0x5] =	wrdreg $0x9  }
0xb2: {  	_ =	task.clear_ibuf [dreg:s7], $0x6FFFF;
	_ =	strace $0x9000004C  }
0xb3: {  	s29 =	simm.s32 $0x9;
	_ =	strace $0x8000004E  }
0xb4: {  	_ =	swait.ge [sflag:s29], $0x1  }
0xb5: {  	[sflag:s29] =	ssyncadd.s32 $0xFFFFFFFF  }
0xb6: {  	_ =	strace $0x9000004E  }
0xb7: {  	_ =	sfence  }
0xb8: {  	s30 =	sld [smem:$0x0];
	_ =	sdelay $0x2  }
0xb9: {  	s31 =	sshll.u32 s1, $0xD;
	s1 =	sshrl.u32 s1, $0x2  }
0xba: {  	s3 =	sand.u32 $0x4000, s31;
	s1 =	sadd.s32 s1, s30  }
0xbb: {  	s0 =	sor.u32 s3, s0;
	s1 =	sshll.u32 s1, $0x11  }
0xbc: {  	s0 =	sor.u32 s1, s0  }
0xbd: {  	s0 =	sadd.s32 $0x8F2B, s0  }
0xbe: {  	[sflag:s0] =	ssyncadd.remote.s32 $0x1  }
0xbf: {  	_ =	sfence.sel $0xFFFF  }
0xc0: {  	[dreg:$0x0] =	wrdreg $0xFFFFFFFF;
	(pc) =	sbr.abs _section_cstart, $3  }
0xc1: {  	[dreg:$0x1] =	wrdreg $0xFFFFFFFF  }
0xc2: {  	_ =	task.clear_ibuf [dreg:s7], $0x2FFFF;
	_ =	strace $0x9FFFFFFF  }
0xc3: {  	(tm) =	ssettm $0x7FFFFFFF  }
tec
execute0_lowered:
.L_overlay_start_1:
0x0: {  	(tag) =	ssettag $0x1  }
0x1: {  	s1 =	rddreg [dreg:$0x0]  }
0x2: {  	s0 =	rddreg [dreg:$0x1]  }
0x3: {  	s3 =	rddreg [dreg:$0x2];
	s4 =	simm.s32 $0x0;
	s2 =	srdreg.scid  }
0x4: {  	s14 =	stileid.u32;
	s28 =	simm.s32 $0x7;
	s29 =	simm.s32 $0x300  }
0x5: {  	s30 =	simm.s32 $0x8;
	s31 =	simm.s32 $0x4300;
	s5 =	smul.u32 $0x50, s14  }
0x6: {  	[smem:$0x7FF] =	sst s4;
	s2 =	sand.u32 $0x1, s2;
	s7 =	smul.u32 $0x4E000, s14  }
0x7: {  	s8 =	sadd.s32 $0x145600, s0;
	s9 =	sadd.s32 $0x7C00, s0;
	s13 =	smul.u32 $0x270, s14  }
0x8: {  	s0 =	sadd.s32 $0xCE00, s0;
	s18 =	sshll.u32 s14, $0x6;
	s6 =	smul.u32 $0x500, s2  }
0x9: {  	s20 =	sadd.s32 $0x138000, s3;
	p0 =	sne.s32 s14, $0xF;
	s11 =	smul.u32 $0x2710, s2  }
0xa: {  	_ =	strace $0x8000004D;
	s10 =	ssub.s32 $0x2, s2;
	s17 =	smul.u32 $0x138800, s2  }
0xb: {  	[dreg:$0xa] =	wrdreg s20;
	s2 =	smul.u32 $0x28000, s2;
	s12 =	sshrl.u32 s10, $0x1  }
0xc: {  	s15 =	sshrl.u32 s7, $0x2;
	s7 =	sor.u32 $0x1C0D, s18;
	s18 =	smul.u32 $0x500, s14  }
0xd: {  	s10 =	ssub.s32 s10, s12;
	s12 =	smul.u32 $0x2800, s14;
	s5 =	sadd.s32 s5, s6  }
0xe: {  	s16 =	sadd.s32 s13, s11;
	s6 =	sadd.s32 s15, s3;
	s11 =	sshrl.u32 s17, $0x3  }
0xf: {  	s13 =	simm.s32 $0x4;
	s14 =	simm.s32 $0x3;
	[dreg:$0x8] =	wrdreg s6  }
0x10: {  	s6 =	sshll.u32 s16, $0x4;
	s11 =	sadd.s32 $0x27000, s11;
	s5 =	sshll.u32 s5, $0x4  }
0x11: {  	s19 =	sadd.s32 s1, s6;
	s21 =	sadd.s32 s8, s5;
	s22 =	sshrl.u32 s12, $0x3  }
0x12: {  	s15 =	sadd.s32 s1, s11;
	s2 =	sadd.s32 s12, s2;
	[dreg:$0x9] =	wrdreg s19  }
0x13: {  	s6 =	sadd.s32 s0, s6;
	s0 =	sadd.s32 s0, s11;
	[dreg:$0xc] =	wrdreg s15  }
0x14: {  	s23 =	sadd.s32 s9, s22;
	s24 =	sadd.s32 $0x10, s21;
	[dreg:$0x13] =	wrdreg s6  }
0x15: {  	s26 =	sadd.s32 $0x20, s21;
	s12 =	sadd.s32 $0x30, s21;
	[dreg:$0x14] =	wrdreg s0  }
0x16: {  	s17 =	sor.u32 $0x300, s2;
	[dreg:$0xb] =	wrdreg s21;
	s19 =	sadd.s32 $0x520, s21  }
0x17: {  	s21 =	sadd.s32 s18, s9;
	s22 =	sor.u32 $0x280, s2;
	[dreg:$0xe] =	wrdreg s24  }
0x18: {  	s2 =	sor.u32 $0x200, s2;
	s0 =	simm.s32 $0x1;
	[dreg:$0x10] =	wrdreg s26  }
0x19: {  	s6 =	simm.s32 $0x9;
	s15 =	simm.s32 $0xC;
	[dreg:$0x11] =	wrdreg s12  }
0x1a: {  	s18 =	simm.s32 $0x0;
	s25 =	sadd.s32 $0x10, s23;
	[dreg:$0x15] =	wrdreg s19  }
0x1b: {  	s16 =	sadd.s32 $0x20, s23;
	s5 =	sshrl.u32 s17, $0x3;
	[dreg:$0xd] =	wrdreg s23  }
0x1c: {  	s23 =	sadd.s32 $0x510, s23;
	[dreg:$0x5] =	wrdreg s21;
	s2 =	sshrl.u32 s2, $0x3  }
0x1d: {  	s21 =	simm.s32 $0xD;
	s12 =	simm.s32 $0xB;
	[dreg:$0xf] =	wrdreg s25  }
0x1e: {  	s17 =	simm.s32 $0x6;
	[dreg:$0x12] =	wrdreg s16;
	s20 =	sadd.s32 s5, s8  }
0x1f: {  	[dreg:$0x16] =	wrdreg s23;
	s5 =	sshrl.u32 s22, $0x3;
	s25 =	smax.u32 s10, $0x1  }
0x20: {  	s26 =	sadd.s32 s2, s8;
	s23 =	simm.s32 $0x180;
	[dreg:$0x4] =	wrdreg s20  }
0x21: {  	s2 =	simm.s32 $0xA;
	s10 =	simm.s32 $0x2;
	[dreg:$0x17] =	wrdreg s25  }
0x22: {  	s16 =	simm.s32 $0x5;
	s24 =	sadd.s32 s5, s8;
	[dreg:$0x7] =	wrdreg s26  }
0x23: {  	s25 =	simm.s32 $0x200;
	s26 =	simm.s32 $0x100;
	s5 =	simm.s32 $0x280  }
0x24: {  	s8 =	simm.s32 $0x8300;
	[dreg:$0x6] =	wrdreg s24;
	s24 =	simm.s32 $0x80  }
.LBB2_1:
0x25: {  	s9 =	rddreg [dreg:$0x8]  }
0x26: {  	s20 =	rddreg [dreg:$0x9];
	s19 =	sshrl.u32 s9, $0x3  }
0x27: {  	[spmem:s19], [sflag:s7] =	dma.local [hbm:s20], $0x2700  }
0x28: {  	_ =	swait.ge [sflag:s21], $0x2700  }
0x29: {  	[sflag:s21] =	ssyncset.done $0x0;
	s9 =	rddreg [dreg:$0xa]  }
0x2a: {  	[sflag:s21] =	ssyncadd.s32 $0xFFFFD900;
	s20 =	sshrl.u32 @!p0 s9, $0x3;
	s9 =	rddreg [dreg:$0xc]  }
0x2b: {  	[spmem:s20], [sflag:s7] =	dma.local @!p0 [hbm:s9], $0x100  }
0x2c: {  	s9 =	simm.s32 @!p0 $0xD  }
0x2d: {  	_ =	swait.ge @!p0 [sflag:s9], $0x100  }
0x2e: {  	[sflag:s9] =	ssyncset.done @!p0 $0x0  }
0x2f: {  	s22 =	rddreg [dreg:$0xb];
	[sflag:s9] =	ssyncadd.s32 @!p0 $0xFFFFFF00  }
0x30: {  	[tilespmem:s4], [sflag:$0x7] =	stream.linear.gather [hbm4b:s22+s4], $0x80, $0x38;
	[tilespmem:$0x1FC00] =	vst v63  }
0x31: {  	s11 =	rddreg [dreg:$0xd]  }
0x32: {  	[tilespmem:s23], [sflag:$0xA] =	stream.linear.gather [hbm4b:s11+s4], $0x80, $0x38;
	[tilespmem:$0x1FC00] =	vst v63  }
0x33: {  	s21 =	rddreg [dreg:$0xe]  }
0x34: {  	[tilespmem:s24], [sflag:$0x8] =	stream.linear.gather [hbm4b:s21+s4], $0x80, $0x38;
	[tilespmem:$0x1FC00] =	vst v63  }
0x35: {  	s22 =	rddreg [dreg:$0xf]  }
0x36: {  	[tilespmem:s25], [sflag:$0xB] =	stream.linear.gather [hbm4b:s22+s4], $0x80, $0x38;
	[tilespmem:$0x1FC00] =	vst v63  }
0x37: {  	s11 =	rddreg [dreg:$0x10]  }
0x38: {  	[tilespmem:s26], [sflag:$0x9] =	stream.linear.gather [hbm4b:s11+s4], $0x80, $0x38;
	[tilespmem:$0x1FC00] =	vst v63  }
0x39: {  	_ =	swait.ge [sflag:s28], $0x80  }
0x3a: {  	[sflag:s28] =	ssyncset.done $0x0  }
0x3b: {  	[sflag:s28] =	ssyncadd.s32 $0xFFFFFF80  }
0x3c: {  	[tilespmem:s29], [sflag:$0x1] =	stream.indirect.gather [hbm4b:s1+s24], $0x80, s4, s24, $0xb8;
	[tilespmem:$0x1FC00] =	vst v63  }
0x3d: {  	_ =	swait.ge [sflag:s30], $0x80  }
0x3e: {  	[sflag:s30] =	ssyncset.done $0x0  }
0x3f: {  	[sflag:s30] =	ssyncadd.s32 $0xFFFFFF80  }
0x40: {  	[tilespmem:s31], [sflag:$0x2] =	stream.indirect.gather [hbm4b:s1+s24], $0x80, s24, s24, $0xb8;
	[tilespmem:$0x1FC00] =	vst v63  }
0x41: {  	[bflag:$0x0] =	sbarrier.arrive $0xFFFF  }
0x42: {  	_ =	swait.ge [sflag:s0], $0x4000  }
0x43: {  	[sflag:s0] =	ssyncset.done $0x0  }
0x44: {  	s21 =	rddreg [dreg:$0x11];
	[sflag:s0] =	ssyncadd.s32 $0xFFFFC000  }
0x45: {  	[tilespmem:s4], [sflag:$0x7] =	stream.linear.gather [hbm4b:s21+s4], $0x80, $0x38;
	[tilespmem:$0x1FC00] =	vst v63  }
0x46: {  	_ =	swait.ge [sflag:s2], $0x80  }
0x47: {  	[sflag:s2] =	ssyncset.done $0x0  }
0x48: {  	[sflag:s2] =	ssyncadd.s32 $0xFFFFFF80  }
0x49: {  	[spmem:s3] =	stream.indirect.scatter.add.f32 [tilespmem:s29], [sflag:$0x4], $0x80, s23, s24, $0xb8;
	[tilespmem:$0x1FC00] =	vst v63  }
0x4a: {  	s22 =	rddreg [dreg:$0x12]  }
0x4b: {  	[tilespmem:s5], [sflag:$0xC] =	stream.linear.gather [hbm4b:s22+s4], $0x80, $0x38;
	[tilespmem:$0x1FC00] =	vst v63  }
0x4c: {  	_ =	swait.ge [sflag:s6], $0x80  }
0x4d: {  	[sflag:s6] =	ssyncset.done $0x0  }
0x4e: {  	[sflag:s6] =	ssyncadd.s32 $0xFFFFFF80  }
0x4f: {  	[tilespmem:s8], [sflag:$0x3] =	stream.indirect.gather [hbm4b:s1+s24], $0x80, s26, s24, $0xb8;
	[tilespmem:$0x1FC00] =	vst v63  }
0x50: {  	_ =	swait.ge [sflag:s10], $0x4000  }
0x51: {  	s11 =	rddreg [dreg:$0x7];
	[sflag:s10] =	ssyncset.done $0x0  }
0x52: {  	[sflag:s10] =	ssyncadd.s32 $0xFFFFC000;
	s9 =	sadd.s32 $0x0, s11  }
0x53: {  	[tilespmem:s24], [sflag:$0x8] =	stream.linear.gather [hbm4b:s9+s4], $0x80, $0x38;
	[tilespmem:$0x1FC00] =	vst v63  }
0x54: {  	_ =	swait.ge [sflag:s12], $0x80  }
0x55: {  	[sflag:s12] =	ssyncset.done $0x0  }
0x56: {  	[sflag:s12] =	ssyncadd.s32 $0xFFFFFF80  }
0x57: {  	[spmem:s3] =	stream.indirect.scatter.add.f32 [tilespmem:s31], [sflag:$0x5], $0x80, s25, s24, $0xb8;
	[tilespmem:$0x1FC00] =	vst v63  }
0x58: {  	_ =	swait.ge [sflag:s13], $0x4000  }
0x59: {  	s21 =	rddreg [dreg:$0x5]  }
0x5a: {  	[sflag:s13] =	ssyncset.done $0x0;
	s9 =	sadd.s32 $0x0, s21  }
0x5b: {  	[sflag:s13] =	ssyncadd.s32 $0xFFFFC000;
	s11 =	sadd.s32 $0x30, s9  }
0x5c: {  	[tilespmem:s23], [sflag:$0xA] =	stream.linear.gather [hbm4b:s11+s4], $0x80, $0x38;
	[tilespmem:$0x1FC00] =	vst v63  }
0x5d: {  	_ =	swait.ge [sflag:s28], $0x80  }
0x5e: {  	[sflag:s28] =	ssyncset.done $0x0  }
0x5f: {  	[sflag:s28] =	ssyncadd.s32 $0xFFFFFF80  }
0x60: {  	[tilespmem:s29], [sflag:$0x1] =	stream.indirect.gather [hbm4b:s1+s24], $0x80, s4, s24, $0xb8;
	[tilespmem:$0x1FC00] =	vst v63  }
0x61: {  	_ =	swait.ge [sflag:s14], $0x4000  }
0x62: {  	s22 =	rddreg [dreg:$0x6];
	[sflag:s14] =	ssyncset.done $0x0  }
0x63: {  	[sflag:s14] =	ssyncadd.s32 $0xFFFFC000;
	s11 =	sadd.s32 $0x0, s22  }
0x64: {  	[tilespmem:s26], [sflag:$0x9] =	stream.linear.gather [hbm4b:s11+s4], $0x80, $0x38;
	[tilespmem:$0x1FC00] =	vst v63  }
0x65: {  	_ =	swait.ge [sflag:s15], $0x80  }
0x66: {  	[sflag:s15] =	ssyncset.done $0x0  }
0x67: {  	[sflag:s15] =	ssyncadd.s32 $0xFFFFFF80  }
0x68: {  	[spmem:s3] =	stream.indirect.scatter.add.f32 [tilespmem:s8], [sflag:$0x6], $0x80, s5, s24, $0xb8;
	[tilespmem:$0x1FC00] =	vst v63  }
0x69: {  	_ =	swait.ge [sflag:s16], $0x4000  }
0x6a: {  	[sflag:s16] =	ssyncset.done $0x0  }
0x6b: {  	s21 =	sadd.s32 $0x40, s9;
	[sflag:s16] =	ssyncadd.s32 $0xFFFFC000  }
0x6c: {  	[tilespmem:s25], [sflag:$0xB] =	stream.linear.gather [hbm4b:s21+s4], $0x80, $0x38;
	[tilespmem:$0x1FC00] =	vst v63  }
0x6d: {  	_ =	swait.ge [sflag:s30], $0x80  }
0x6e: {  	[sflag:s30] =	ssyncset.done $0x0  }
0x6f: {  	[sflag:s30] =	ssyncadd.s32 $0xFFFFFF80  }
0x70: {  	[tilespmem:s31], [sflag:$0x2] =	stream.indirect.gather [hbm4b:s1+s24], $0x80, s24, s24, $0xb8;
	[tilespmem:$0x1FC00] =	vst v63  }
0x71: {  	_ =	swait.ge [sflag:s0], $0x4000  }
0x72: {  	s22 =	rddreg [dreg:$0x4];
	[sflag:s0] =	ssyncset.done $0x0  }
0x73: {  	[sflag:s0] =	ssyncadd.s32 $0xFFFFC000;
	s11 =	sadd.s32 $0x0, s22  }
0x74: {  	[tilespmem:s4], [sflag:$0x7] =	stream.linear.gather [hbm4b:s11+s4], $0x80, $0x38;
	[tilespmem:$0x1FC00] =	vst v63  }
0x75: {  	_ =	swait.ge [sflag:s2], $0x80  }
0x76: {  	[sflag:s2] =	ssyncset.done $0x0  }
0x77: {  	[sflag:s2] =	ssyncadd.s32 $0xFFFFFF80  }
0x78: {  	[spmem:s3] =	stream.indirect.scatter.add.f32 [tilespmem:s29], [sflag:$0x4], $0x80, s23, s24, $0xb8;
	[tilespmem:$0x1FC00] =	vst v63  }
0x79: {  	_ =	swait.ge [sflag:s17], $0x4000  }
0x7a: {  	[sflag:s17] =	ssyncset.done $0x0  }
0x7b: {  	s9 =	sadd.s32 $0x50, s9;
	[sflag:s17] =	ssyncadd.s32 $0xFFFFC000  }
0x7c: {  	[tilespmem:s5], [sflag:$0xC] =	stream.linear.gather [hbm4b:s9+s4], $0x80, $0x38;
	[tilespmem:$0x1FC00] =	vst v63  }
0x7d: {  	_ =	swait.ge [sflag:s6], $0x80  }
0x7e: {  	[sflag:s6] =	ssyncset.done $0x0  }
0x7f: {  	s21 =	simm.s32 $0x30;
	[sflag:s6] =	ssyncadd.s32 $0xFFFFFF80  }
.LBB2_2:
0x80: {  	[tilespmem:s8], [sflag:$0x3] =	stream.indirect.gather [hbm4b:s1+s24], $0x80, s26, s24, $0xb8;
	[tilespmem:$0x1FC00] =	vst v63  }
0x81: {  	_ =	swait.ge [sflag:s10], $0x4000  }
0x82: {  	s11 =	smov.u32 s21;
	s9 =	rddreg [dreg:$0x7];
	[sflag:s10] =	ssyncset.done $0x0  }
0x83: {  	[sflag:s10] =	ssyncadd.s32 $0xFFFFC000;
	s9 =	sadd.s32 s11, s9  }
0x84: {  	[tilespmem:s24], [sflag:$0x8] =	stream.linear.gather [hbm4b:s9+s4], $0x80, $0x38;
	[tilespmem:$0x1FC00] =	vst v63  }
0x85: {  	_ =	swait.ge [sflag:s12], $0x80  }
0x86: {  	[sflag:s12] =	ssyncset.done $0x0  }
0x87: {  	[sflag:s12] =	ssyncadd.s32 $0xFFFFFF80  }
0x88: {  	[spmem:s3] =	stream.indirect.scatter.add.f32 [tilespmem:s31], [sflag:$0x5], $0x80, s25, s24, $0xb8;
	[tilespmem:$0x1FC00] =	vst v63  }
0x89: {  	_ =	swait.ge [sflag:s13], $0x4000  }
0x8a: {  	s22 =	rddreg [dreg:$0x5]  }
0x8b: {  	[sflag:s13] =	ssyncset.done $0x0;
	s9 =	sadd.s32 s11, s22  }
0x8c: {  	[sflag:s13] =	ssyncadd.s32 $0xFFFFC000;
	s22 =	sadd.s32 $0x30, s9  }
0x8d: {  	[tilespmem:s23], [sflag:$0xA] =	stream.linear.gather [hbm4b:s22+s4], $0x80, $0x38;
	[tilespmem:$0x1FC00] =	vst v63  }
0x8e: {  	_ =	swait.ge [sflag:s28], $0x80  }
0x8f: {  	[sflag:s28] =	ssyncset.done $0x0  }
0x90: {  	[sflag:s28] =	ssyncadd.s32 $0xFFFFFF80  }
0x91: {  	[tilespmem:s29], [sflag:$0x1] =	stream.indirect.gather [hbm4b:s1+s24], $0x80, s4, s24, $0xb8;
	[tilespmem:$0x1FC00] =	vst v63  }
0x92: {  	_ =	swait.ge [sflag:s14], $0x4000  }
0x93: {  	s22 =	rddreg [dreg:$0x6];
	[sflag:s14] =	ssyncset.done $0x0  }
0x94: {  	[sflag:s14] =	ssyncadd.s32 $0xFFFFC000;
	s22 =	sadd.s32 s11, s22  }
0x95: {  	[tilespmem:s26], [sflag:$0x9] =	stream.linear.gather [hbm4b:s22+s4], $0x80, $0x38;
	[tilespmem:$0x1FC00] =	vst v63  }
0x96: {  	_ =	swait.ge [sflag:s15], $0x80  }
0x97: {  	[sflag:s15] =	ssyncset.done $0x0  }
0x98: {  	[sflag:s15] =	ssyncadd.s32 $0xFFFFFF80  }
0x99: {  	[spmem:s3] =	stream.indirect.scatter.add.f32 [tilespmem:s8], [sflag:$0x6], $0x80, s5, s24, $0xb8;
	[tilespmem:$0x1FC00] =	vst v63  }
0x9a: {  	_ =	swait.ge [sflag:s16], $0x4000  }
0x9b: {  	[sflag:s16] =	ssyncset.done $0x0  }
0x9c: {  	s22 =	sadd.s32 $0x40, s9;
	[sflag:s16] =	ssyncadd.s32 $0xFFFFC000  }
0x9d: {  	[tilespmem:s25], [sflag:$0xB] =	stream.linear.gather [hbm4b:s22+s4], $0x80, $0x38;
	[tilespmem:$0x1FC00] =	vst v63  }
0x9e: {  	_ =	swait.ge [sflag:s30], $0x80  }
0x9f: {  	[sflag:s30] =	ssyncset.done $0x0  }
0xa0: {  	[sflag:s30] =	ssyncadd.s32 $0xFFFFFF80  }
0xa1: {  	[tilespmem:s31], [sflag:$0x2] =	stream.indirect.gather [hbm4b:s1+s24], $0x80, s24, s24, $0xb8;
	[tilespmem:$0x1FC00] =	vst v63  }
0xa2: {  	_ =	swait.ge [sflag:s0], $0x4000  }
0xa3: {  	s22 =	rddreg [dreg:$0x4];
	[sflag:s0] =	ssyncset.done $0x0  }
0xa4: {  	[sflag:s0] =	ssyncadd.s32 $0xFFFFC000;
	s11 =	sadd.s32 s11, s22  }
0xa5: {  	[tilespmem:s4], [sflag:$0x7] =	stream.linear.gather [hbm4b:s11+s4], $0x80, $0x38;
	[tilespmem:$0x1FC00] =	vst v63  }
0xa6: {  	_ =	swait.ge [sflag:s2], $0x80  }
0xa7: {  	[sflag:s2] =	ssyncset.done $0x0  }
0xa8: {  	[sflag:s2] =	ssyncadd.s32 $0xFFFFFF80  }
0xa9: {  	[spmem:s3] =	stream.indirect.scatter.add.f32 [tilespmem:s29], [sflag:$0x4], $0x80, s23, s24, $0xb8;
	[tilespmem:$0x1FC00] =	vst v63  }
0xaa: {  	_ =	swait.ge [sflag:s17], $0x4000  }
0xab: {  	p1 =	sne.s32 s21, $0x4B0;
	[sflag:s17] =	ssyncset.done $0x0  }
.Ltmp0:
0xac: {  	s9 =	sadd.s32 $0x50, s9;
	[sflag:s17] =	ssyncadd.s32 $0xFFFFC000;
	(pc) =	sbr.rel @p1 .LBB2_2-.Ltmp0, $4  }
0xad: {  	[tilespmem:s5], [sflag:$0xC] =	stream.linear.gather [hbm4b:s9+s4], $0x80, $0x38;
	[tilespmem:$0x1FC00] =	vst v63  }
0xae: {  	_ =	swait.ge [sflag:s6], $0x80  }
0xaf: {  	[sflag:s6] =	ssyncset.done $0x0  }
0xb0: {  	s21 =	sadd.s32 $0x30, s21;
	[sflag:s6] =	ssyncadd.s32 $0xFFFFFF80  }
0xb1: {  	[tilespmem:s8], [sflag:$0x3] =	stream.indirect.gather [hbm4b:s1+s24], $0x80, s26, s24, $0xb8;
	[tilespmem:$0x1FC00] =	vst v63  }
0xb2: {  	_ =	swait.ge [sflag:s10], $0x4000  }
0xb3: {  	[sflag:s10] =	ssyncset.done $0x0  }
0xb4: {  	s9 =	rddreg [dreg:$0x15];
	[sflag:s10] =	ssyncadd.s32 $0xFFFFC000  }
0xb5: {  	[tilespmem:s24], [sflag:$0x8] =	stream.linear.gather [hbm4b:s9+s4], $0x80, $0x38;
	[tilespmem:$0x1FC00] =	vst v63  }
0xb6: {  	_ =	swait.ge [sflag:s12], $0x80  }
0xb7: {  	[sflag:s12] =	ssyncset.done $0x0  }
0xb8: {  	[sflag:s12] =	ssyncadd.s32 $0xFFFFFF80  }
0xb9: {  	[spmem:s3] =	stream.indirect.scatter.add.f32 [tilespmem:s31], [sflag:$0x5], $0x80, s25, s24, $0xb8;
	[tilespmem:$0x1FC00] =	vst v63  }
0xba: {  	_ =	swait.ge [sflag:s13], $0x4000  }
0xbb: {  	[sflag:s13] =	ssyncset.done $0x0  }
0xbc: {  	s21 =	rddreg [dreg:$0x16];
	[sflag:s13] =	ssyncadd.s32 $0xFFFFC000  }
0xbd: {  	[tilespmem:s23], [sflag:$0xA] =	stream.linear.gather [hbm4b:s21+s4], $0x80, $0x38;
	[tilespmem:$0x1FC00] =	vst v63  }
0xbe: {  	_ =	swait.ge [sflag:s28], $0x80  }
0xbf: {  	[sflag:s28] =	ssyncset.done $0x0  }
0xc0: {  	[sflag:s28] =	ssyncadd.s32 $0xFFFFFF80  }
0xc1: {  	[tilespmem:s29], [sflag:$0x1] =	stream.indirect.gather [hbm4b:s1+s24], $0x80, s4, s24, $0xb8;
	[tilespmem:$0x1FC00] =	vst v63  }
0xc2: {  	_ =	swait.ge [sflag:s14], $0x4000  }
0xc3: {  	[sflag:s14] =	ssyncset.done $0x0  }
0xc4: {  	[sflag:s14] =	ssyncadd.s32 $0xFFFFC000  }
0xc5: {  	_ =	swait.ge [sflag:s0], $0x4000  }
0xc6: {  	[sflag:s0] =	ssyncset.done $0x0  }
0xc7: {  	[sflag:s0] =	ssyncadd.s32 $0xFFFFC000  }
0xc8: {  	_ =	swait.ge [sflag:s16], $0x4000  }
0xc9: {  	[sflag:s16] =	ssyncset.done $0x0  }
0xca: {  	[sflag:s16] =	ssyncadd.s32 $0xFFFFC000  }
0xcb: {  	_ =	swait.ge [sflag:s30], $0x80  }
0xcc: {  	[sflag:s30] =	ssyncset.done $0x0  }
0xcd: {  	[sflag:s30] =	ssyncadd.s32 $0xFFFFFF80  }
0xce: {  	_ =	swait.ge [sflag:s15], $0x80  }
0xcf: {  	[sflag:s15] =	ssyncset.done $0x0  }
0xd0: {  	[sflag:s15] =	ssyncadd.s32 $0xFFFFFF80  }
0xd1: {  	_ =	swait.ge [sflag:s2], $0x80  }
0xd2: {  	[sflag:s2] =	ssyncset.done $0x0  }
0xd3: {  	[sflag:s2] =	ssyncadd.s32 $0xFFFFFF80  }
0xd4: {  	[bflag:$0x0] =	sbarrier.arrive $0xFFFF  }
0xd5: {  	s21 =	simm.s32 $0xD;
	s22 =	rddreg [dreg:$0x13]  }
0xd6: {  	[hbm:s22], [sflag:s7] =	dma.local [spmem:s19], $0x2700  }
0xd7: {  	_ =	swait.ge [sflag:s21], $0x2700  }
0xd8: {  	[sflag:s21] =	ssyncset.done $0x0  }
0xd9: {  	s9 =	rddreg [dreg:$0x14];
	[sflag:s21] =	ssyncadd.s32 $0xFFFFD900  }
0xda: {  	[hbm:s9], [sflag:s7] =	dma.local @!p0 [spmem:s20], $0x100  }
0xdb: {  	s9 =	simm.s32 @!p0 $0xD  }
0xdc: {  	_ =	swait.ge @!p0 [sflag:s9], $0x100  }
0xdd: {  	s18 =	sadd.s32 $0x1, s18;
	s11 =	rddreg [dreg:$0x17]  }
0xde: {  	p1 =	sne.s32 s18, s11  }
.Ltmp1:
0xdf: {  	_ = 	snop;
	(pc) =	sbr.rel @p1 .LBB2_1-.Ltmp1, $3  }
0xe0: {  	_ =	sdelay $0x1  }
0xe1: {  	[sflag:s9] =	ssyncset.done @!p0 $0x0  }
0xe2: {  	[sflag:s9] =	ssyncadd.s32 @!p0 $0xFFFFFF00  }
0xe3: {  	_ =	sfence.sel $0x180000  }
0xe4: {  	[bflag:$0x0] =	sbarrier.arrive $0xFFFF  }
0xe5: {  	_ =	strace $0x9000004D  }
0xe6: {  	s0 =	stileid.u32;
	[bflag:$0x2] =	sbarrier.arrive $0xFFFF  }
0xe7: {  	p0 =	sne.s32 s0, $0x0;
	s0 =	rddreg [dreg:$0x3]  }
0xe8: {  	s0 =	sadd.s32 @!p0 $0x100000, s0  }
0xe9: {  	[sflag:s0] =	ssyncadd.tile.s32 @!p0 $0x1;
	_ =	shalt  }
.Lfunc_end2:
_tile_overlayer_lowered:
.L_overlay_start_2:
0xea: {  	(tag) =	ssettag $0x2  }
0xeb: {  	s0 =	rddreg [dreg:$0x0];
	s2 =	stileid.u32  }
0xec: {  	s1 =	rddreg [dreg:$0x1];
	p0 =	sne.s32 s2, $0x0  }
0xed: {  	s3 =	rddreg [dreg:$0x2];
	[bflag:$0x3] =	sbarrier.arrive $0xFFFF;
	s2 =	simm.s32 @!p0 $0x1C0D  }
0xee: {  	[timem:s3], [sflag:s2] =	dma.local @!p0 [hbm:s0], s1  }
0xef: {  	s0 =	simm.s32 @!p0 $0xD  }
0xf0: {  	_ =	swait.ge @!p0 [sflag:s0], s1  }
0xf1: {  	s1 =	ssub.s32 @!p0 $0x0, s1;
	[sflag:s0] =	ssyncset.done @!p0 $0x0  }
0xf2: {  	[sflag:s0] =	ssyncadd.s32 @!p0 s1  }
0xf3: {  	[bflag:$0x3] =	sbarrier.arrive $0xFFFF  }
0xf4: {  	_ =	shalt  }

// kernel: kernel.9.cloned.1.call-start
scs
__scs_entry_jumppad:
0x0: {  	(pc) =	sbr.rel $0x88, $3  }
0x1: {  	(tag) =	ssettag $0x0;
	lr =	simm.s32 $0x1  }
0x2: {  	[smem:$0x3F9B] =	sst lr;
	_ =	strace $0xD0000000  }
0x3: {  	_ = 	snop  }
0x4: {  	_ = 	snop  }
0x5: {  	_ = 	snop  }
0x6: {  	_ = 	snop  }
0x7: {  	_ = 	snop  }
__scs_overlays_trampoline_lowered:
0x8: {  	[smem:$0x3FAA] =	sst s0  }
0x9: {  	[smem:$0x3FAB] =	sst s1  }
0xa: {  	[smem:$0x3FAC] =	sst s2  }
0xb: {  	[smem:$0x3FAD] =	sst s3  }
0xc: {  	[smem:$0x3FAE] =	sst s4  }
0xd: {  	[smem:$0x3FAF] =	sst s5  }
0xe: {  	[smem:$0x3FB0] =	sst s6  }
0xf: {  	[smem:$0x3FB1] =	sst s7  }
0x10: {  	[smem:$0x3FB2] =	sst s8  }
0x11: {  	[smem:$0x3FB3] =	sst s9;
	s0 =	simm.s32 @!p0 $0x0  }
0x12: {  	s1 =	sld [smem:$0x3F99];
	s0 =	simm.s32 @p0 $0x1  }
0x13: {  	[smem:$0x3FB4] =	sst s0;
	s0 =	simm.s32 @!p1 $0x0  }
0x14: {  	s2 =	sld [smem:$0x3F98];
	s0 =	simm.s32 @p1 $0x1  }
0x15: {  	[smem:$0x3FB5] =	sst s0;
	s0 =	simm.s32 @!p2 $0x0  }
0x16: {  	s3 =	sld [smem:$0x3FDB];
	s0 =	simm.s32 @p2 $0x1  }
0x17: {  	s4 =	simm.s32 $0x1BF5;
	[smem:$0x3FB7] =	sst s0  }
0x18: {  	s0 =	sld [smem:$0x3F9A];
	_ =	swait.ge [sflag:s4], $0x0  }
0x19: {  	s7 =	sld [smem:$0x3F9B]  }
0x1a: {  	s8 =	sadd.s32 $0xFFFFE003, lr  }
0x1b: {  	s9 =	sadd.s32 $0xFFFFFEF7, lr;
	s5 =	simm.s32 $0xFFFFFFFF;
	p2 =	slt.u32 s8, $0xFFFFF086  }
0x1c: {  	p1 =	slt.u32 s9, $0xF7A;
	s5 =	simm.s32 @!p2 $0x0  }
0x1d: {  	s5 =	simm.s32 @p1 $0x1;
	p0 =	seq.s32 s7, s2  }
0x1e: {  	s7 =	smul.u32 @!p0 $0xF7A, s2;
	p2 =	seq.s32 @!p0 s5, $0x0  }
0x1f: {  	s9 =	smul.u32 $0xF7A, s1;
	s8 =	simm.s32 @!p0 $0x1BF5;
	p2 =	por !p2, p0  }
0x20: {  	[sflag:s8] =	ssyncset.s32 @!p0 $0xFFFFF086;
	s6 =	sadd.s32 @!p0 s3, s7;
	s7 =	simm.s32 @!p0 $0x108  }
0x21: {  	s3 =	sadd.s32 s3, s9;
	s6 =	sadd.s32 @!p0 $0x88, s6;
	s7 =	simm.s32 @p2 $0x1082  }
0x22: {  	[simem:s7], [sflag:s8] =	dma.local @!p0 [hbm:s6], $0xF7A  }
0x23: {  	s9 =	sor.u32 $0xD0000000, s2;
	s6 =	simm.s32 $0x108;
	_ =	swait.ge @!p0 [sflag:s8], $0x0  }
0x24: {  	s3 =	sadd.s32 $0x88, s3;
	s6 =	simm.s32 @!p1 $0x1082;
	[sflag:s4] =	ssyncset.s32 $0xFFFFF086  }
0x25: {  	[simem:s6], [sflag:s4] =	dma.local [hbm:s3], $0xF7A  }
0x26: {  	[smem:$0x3F9B] =	sst s1;
	(tag) =	ssettag s2;
	_ =	strace s9  }
0x27: {  	s1 =	sld [smem:$0x3FAB]  }
0x28: {  	s2 =	sld [smem:$0x3FAC]  }
0x29: {  	s4 =	sld [smem:$0x3FAE]  }
0x2a: {  	p0 =	seq.s32 s5, $0x0;
	s5 =	sld [smem:$0x3FAF]  }
0x2b: {  	s6 =	sld [smem:$0x3FB0]  }
0x2c: {  	s7 =	sld [smem:$0x3FB1]  }
0x2d: {  	s3 =	simm.s32 $0x108;
	s8 =	sld [smem:$0x3FB2]  }
0x2e: {  	s3 =	simm.s32 @!p0 $0x1082;
	s9 =	sld [smem:$0x3FB3]  }
0x2f: {  	lr =	sadd.s32 s0, s3;
	s0 =	sld [smem:$0x3FAA]  }
0x30: {  	s3 =	sld [smem:$0x3FAD]  }
0x31: {  	[smem:$0x3FB6] =	sst s10  }
0x32: {  	s10 =	sld [smem:$0x3FB4];
	_ =	sdelay $0x3  }
0x33: {  	p0 =	seq.s32 s10, $0x1;
	s10 =	sld [smem:$0x3FB6];
	_ =	sdelay $0x3  }
0x34: {  	[smem:$0x3FB6] =	sst s10  }
0x35: {  	s10 =	sld [smem:$0x3FB5];
	_ =	sdelay $0x3  }
0x36: {  	p1 =	seq.s32 s10, $0x1;
	s10 =	sld [smem:$0x3FB6];
	_ =	sdelay $0x3  }
0x37: {  	[smem:$0x3FB6] =	sst s10  }
0x38: {  	s10 =	sld [smem:$0x3FB7]  }
0x39: {  	_ = 	snop;
	(pc) =	sbr.ind lr, $3  }
0x3a: {  	_ = 	snop  }
0x3b: {  	_ = 	snop  }
0x3c: {  	p2 =	seq.s32 s10, $0x1;
	s10 =	sld [smem:$0x3FB6]  }
0x3d: {  	_ =	shalt  }
0x3e: {  	_ =	shalt  }
0x3f: {  	_ =	shalt  }
0x40: {  	_ =	shalt  }
0x41: {  	_ =	shalt  }
0x42: {  	_ =	shalt  }
0x43: {  	_ =	shalt  }
0x44: {  	_ =	shalt  }
0x45: {  	_ =	shalt  }
0x46: {  	_ =	shalt  }
0x47: {  	_ =	shalt  }
0x48: {  	_ =	shalt  }
0x49: {  	_ =	shalt  }
0x4a: {  	_ =	shalt  }
0x4b: {  	_ =	shalt  }
0x4c: {  	_ =	shalt  }
0x4d: {  	_ =	shalt  }
0x4e: {  	_ =	shalt  }
0x4f: {  	_ =	shalt  }
0x50: {  	_ =	shalt  }
0x51: {  	_ =	shalt  }
0x52: {  	_ =	shalt  }
0x53: {  	_ =	shalt  }
0x54: {  	_ =	shalt  }
0x55: {  	_ =	shalt  }
0x56: {  	_ =	shalt  }
0x57: {  	_ =	shalt  }
0x58: {  	_ =	shalt  }
0x59: {  	_ =	shalt  }
0x5a: {  	_ =	shalt  }
0x5b: {  	_ =	shalt  }
0x5c: {  	_ =	shalt  }
0x5d: {  	_ =	shalt  }
0x5e: {  	_ =	shalt  }
0x5f: {  	_ =	shalt  }
0x60: {  	_ =	shalt  }
0x61: {  	_ =	shalt  }
0x62: {  	_ =	shalt  }
0x63: {  	_ =	shalt  }
0x64: {  	_ =	shalt  }
0x65: {  	_ =	shalt  }
0x66: {  	_ =	shalt  }
0x67: {  	_ =	shalt  }
0x68: {  	_ =	shalt  }
0x69: {  	_ =	shalt  }
0x6a: {  	_ =	shalt  }
0x6b: {  	_ =	shalt  }
0x6c: {  	_ =	shalt  }
0x6d: {  	_ =	shalt  }
0x6e: {  	_ =	shalt  }
0x6f: {  	_ =	shalt  }
0x70: {  	_ =	shalt  }
0x71: {  	_ =	shalt  }
0x72: {  	_ =	shalt  }
0x73: {  	_ =	shalt  }
0x74: {  	_ =	shalt  }
0x75: {  	_ =	shalt  }
0x76: {  	_ =	shalt  }
0x77: {  	_ =	shalt  }
0x78: {  	_ =	shalt  }
0x79: {  	_ =	shalt  }
0x7a: {  	_ =	shalt  }
0x7b: {  	_ =	shalt  }
0x7c: {  	_ =	shalt  }
0x7d: {  	_ =	shalt  }
0x7e: {  	_ =	shalt  }
0x7f: {  	_ =	shalt  }
0x80: {  	_ =	shalt  }
0x81: {  	_ =	shalt  }
0x82: {  	_ =	shalt  }
0x83: {  	_ =	shalt  }
0x84: {  	_ =	shalt  }
0x85: {  	_ =	shalt  }
0x86: {  	_ =	shalt  }
0x87: {  	_ =	shalt  }
.Lfunc_end0:
.L_simem_size_0:
called_computation_lowered:
.L_overlay_start_0:
0x88: {  	s2 =	sld [smem:$0x3FD9]  }
0x89: {  	s3 =	sld [smem:$0x3FFE];
	_ =	sdelay $0x1  }
0x8a: {  	s1 =	srdreg.scid  }
0x8b: {  	s0 =	sand.u32 $0x1, s1  }
0x8c: {  	s16 =	sshll.u32 s0, $0xA;
	s2 =	sadd.s32 s3, s2  }
0x8d: {  	s2 =	sadd.s32 s2, s16  }
0x8e: {  	[smem:$0x3FC2] =	sst s2  }
0x8f: {  	_ = 	snop  }
0x90: {  	(tm) =	ssettm $0x1  }
0x91: {  	s17 =	sld [smem:$0x3FFB];
	_ =	sdelay $0x3  }
0x92: {  	_ =	strace s17  }
0x93: {  	s2 =	sld [smem:$0x3FFC];
	_ =	sdelay $0x3  }
0x94: {  	_ =	strace s2  }
0x95: {  	s2 =	sld [smem:$0x3FFD];
	_ =	sdelay $0x3  }
0x96: {  	_ =	strace s2  }
0x97: {  	_ =	strace $0x8FFFFFFF  }
0x98: {  	s18 =	sld [smem:$0x3FDB];
	_ =	sdelay $0x1  }
0x99: {  	s19 =	simm.s32 $_scs_section_size  }
0x9a: {  	s4 =	simm.s32 $_size__tile_overlayer_lowered;
	s5 =	simm.s32 $_tile_overlayer_lowered  }
0x9b: {  	s22 =	simm.s32 $0x1BFF;
	s21 =	sshll.u32 s5, $0x1;
	s2 =	sadd.s32 s19, s18  }
0x9c: {  	s6 =	simm.s32 $0x0;
	s20 =	sshll.u32 s4, $0x1;
	s4 =	sadd.s32 s21, s2  }
0x9d: {  	[timem:s6], [sflag:s22] =	dma.local [hbm:s4], s20  }
0x9e: {  	_ =	swait.ge [sflag:s22], s20  }
0x9f: {  	s3 =	ssub.s32 $0x0, s20;
	[sflag:s22] =	ssyncset.done $0x0  }
0xa0: {  	[sflag:s22] =	ssyncadd.s32 s3;
	_ =	sdelay $0x1  }
0xa1: {  	s23 =	simm.s32 $0x1B8B  }
0xa2: {  	_ =	swait.ge [sflag:s23], $0x1  }
0xa3: {  	[sflag:s23] =	ssyncset.done $0x0  }
0xa4: {  	s25 =	simm.s32 $0x1B8E;
	s24 =	sld [smem:$0x3FFE];
	[sflag:s23] =	ssyncadd.s32 $0xFFFFFFFF  }
0xa5: {  	s26 =	simm.s32 $execute0_lowered;
	[smem:$0x3FD2] =	sst s25  }
0xa6: {  	s4 =	sshll.u32 s26, $0x1;
	_ =	strace $0x80000046;
	[dreg:$0x1] =	wrdreg $0xFFFFFFFF  }
0xa7: {  	s28 =	simm.s32 $_size_execute0_lowered;
	s2 =	sadd.s32 s2, s4;
	[dreg:$0x0] =	wrdreg $0x0  }
0xa8: {  	s4 =	sshll.u32 s28, $0x1;
	[dreg:$0x2] =	wrdreg s2  }
0xa9: {  	[dreg:$0x3] =	wrdreg s4  }
0xaa: {  	[dreg:$0x4] =	wrdreg $0xC0  }
0xab: {  	_ =	task [dreg:s6], $0x5FFFF  }
0xac: {  	[dreg:$0x1] =	wrdreg $0xFFFFFFFF  }
0xad: {  	[dreg:$0x0] =	wrdreg $0x60  }
0xae: {  	[dreg:$0x2] =	wrdreg s24  }
0xaf: {  	[dreg:$0x3] =	wrdreg $0x3800  }
0xb0: {  	[dreg:$0x4] =	wrdreg $0x9  }
0xb1: {  	_ =	task.clear_ibuf [dreg:s6], $0x5FFFF;
	_ =	strace $0x90000046  }
0xb2: {  	s29 =	simm.s32 $0x9;
	_ =	strace $0x80000048  }
0xb3: {  	_ =	swait.ge [sflag:s29], $0x1  }
0xb4: {  	[sflag:s29] =	ssyncadd.s32 $0xFFFFFFFF  }
0xb5: {  	_ =	strace $0x90000048  }
0xb6: {  	_ =	sfence  }
0xb7: {  	s30 =	sld [smem:$0x0];
	_ =	sdelay $0x2  }
0xb8: {  	s31 =	sshll.u32 s1, $0xD;
	s1 =	sshrl.u32 s1, $0x2  }
0xb9: {  	s3 =	sand.u32 $0x4000, s31;
	s1 =	sadd.s32 s1, s30  }
0xba: {  	s0 =	sor.u32 s3, s0;
	s1 =	sshll.u32 s1, $0x11  }
0xbb: {  	s0 =	sor.u32 s1, s0  }
0xbc: {  	s0 =	sadd.s32 $0x8F2B, s0  }
0xbd: {  	[sflag:s0] =	ssyncadd.remote.s32 $0x1  }
0xbe: {  	_ =	sfence.sel $0xFFFF  }
0xbf: {  	[dreg:$0x0] =	wrdreg $0xFFFFFFFF;
	(pc) =	sbr.abs _section_cstart, $3  }
0xc0: {  	[dreg:$0x1] =	wrdreg $0xFFFFFFFF  }
0xc1: {  	_ =	task.clear_ibuf [dreg:s6], $0x2FFFF;
	_ =	strace $0x9FFFFFFF  }
0xc2: {  	(tm) =	ssettm $0x7FFFFFFF  }
0xc3: {  	_ =	shalt  }
tec
execute0_lowered:
.L_overlay_start_1:
0x0: {  	(tag) =	ssettag $0x1  }
0x1: {  	s4 =	rddreg [dreg:$0x0]  }
0x2: {  	s1 =	srdreg.scid;
	s0 =	stileid.u32  }
0x3: {  	s2 =	rddreg [dreg:$0x1];
	s3 =	simm.s32 $0x0;
	s10 =	simm.s32 $0x1  }
0x4: {  	s11 =	simm.s32 $0x80;
	s5 =	sand.u32 $0x1, s1;
	s1 =	rddreg [dreg:$0x2]  }
0x5: {  	s14 =	simm.s32 $0x0;
	s6 =	smul.u32 $0x280, s0;
	[smem:$0x7FF] =	sst s3  }
0x6: {  	s8 =	sshll.u32 s0, $0x8;
	p0 =	seq.s32 s0, $0x0;
	s12 =	sshll.u32 s0, $0x6  }
0x7: {  	s7 =	smul.u32 $0x2800, s5;
	s9 =	sshll.u32 s5, $0x7;
	_ =	strace $0x80000047  }
0x8: {  	s5 =	ssub.s32 $0x2, s5;
	s12 =	sor.u32 $0x1C01, s12;
	s8 =	sor.u32 s9, s8  }
0x9: {  	s30 =	sshrl.u32 s5, $0x1;
	s9 =	simm.s32 $0x100;
	s7 =	sadd.s32 s6, s7  }
0xa: {  	s8 =	sshrl.u32 s8, $0x3;
	s31 =	ssub.s32 s5, s30;
	s5 =	sadd.s32 s6, s2  }
0xb: {  	s7 =	sshrl.u32 s7, $0x3;
	s8 =	sadd.s32 s8, s4;
	s13 =	sshrl.u32 s5, $0x3  }
0xc: {  	s7 =	sadd.s32 s7, s4;
	s4 =	simm.s32 $0x28;
	s8 =	sadd.s32 $0x2200, s8  }
0xd: {  	v0 =	vimm.f32 $1.000000000e+00;
	v1 =	vimm.f32 $0.0e+00;
	s4 =	simm.s32 @!p0 $0x27;
	s6 =	sadd.s32 $0x7200, s7;
	s7 =	smax.u32 s31, $0x1  }
.LBB2_1:
0xe: {  	[tilespmem:$0x80] =	vst v0  }
0xf: {  	[tilespmem:$0x90] =	vst v0  }
0x10: {  	[tilespmem:$0xA0] =	vst v0  }
0x11: {  	[tilespmem:$0xB0] =	vst v0  }
0x12: {  	[tilespmem:$0xC0] =	vst v0  }
0x13: {  	[tilespmem:$0xD0] =	vst v0  }
0x14: {  	[tilespmem:$0xE0] =	vst v0  }
0x15: {  	[tilespmem:$0xF0] =	vst v0  }
0x16: {  	[tilespmem:$0x100] =	vst v1  }
0x17: {  	[tilespmem:$0x110] =	vst v1  }
0x18: {  	[tilespmem:$0x120] =	vst v1  }
0x19: {  	[tilespmem:$0x130] =	vst v1  }
0x1a: {  	[tilespmem:$0x140] =	vst v1  }
0x1b: {  	[tilespmem:$0x150] =	vst v1  }
0x1c: {  	[tilespmem:$0x160] =	vst v1  }
0x1d: {  	[tilespmem:$0x170] =	vst v1  }
0x1e: {  	[tilespmem:$0x180] =	vst v1  }
0x1f: {  	[tilespmem:$0x190] =	vst v1  }
0x20: {  	[tilespmem:$0x1A0] =	vst v1  }
0x21: {  	[tilespmem:$0x1B0] =	vst v1  }
0x22: {  	[tilespmem:$0x1C0] =	vst v1  }
0x23: {  	[tilespmem:$0x1D0] =	vst v1  }
0x24: {  	[tilespmem:$0x1E0] =	vst v1  }
0x25: {  	[tilespmem:$0x1F0] =	vst v1  }
0x26: {  	[tilespmem:$0x200] =	vst v1  }
0x27: {  	[tilespmem:$0x210] =	vst v1  }
0x28: {  	[tilespmem:$0x220] =	vst v1  }
0x29: {  	[tilespmem:$0x230] =	vst v1  }
0x2a: {  	[tilespmem:$0x240] =	vst v1  }
0x2b: {  	[tilespmem:$0x250] =	vst v1  }
0x2c: {  	[tilespmem:$0x260] =	vst v1  }
0x2d: {  	[tilespmem:$0x270] =	vst v1  }
0x2e: {  	[tilespmem:$0x280] =	vst v1  }
0x2f: {  	[tilespmem:$0x290] =	vst v1  }
0x30: {  	[tilespmem:$0x2A0] =	vst v1  }
0x31: {  	[tilespmem:$0x2B0] =	vst v1  }
0x32: {  	[tilespmem:$0x2C0] =	vst v1  }
0x33: {  	[tilespmem:$0x2D0] =	vst v1  }
0x34: {  	[tilespmem:$0x2E0] =	vst v1  }
0x35: {  	[tilespmem:$0x2F0] =	vst v1  }
0x36: {  	[tilespmem:$0x300] =	vst v1  }
0x37: {  	[tilespmem:$0x310] =	vst v1  }
0x38: {  	[tilespmem:$0x320] =	vst v1  }
0x39: {  	[tilespmem:$0x330] =	vst v1  }
0x3a: {  	[tilespmem:$0x340] =	vst v1  }
0x3b: {  	[tilespmem:$0x350] =	vst v1  }
0x3c: {  	[tilespmem:$0x360] =	vst v1  }
0x3d: {  	[tilespmem:$0x370] =	vst v1  }
0x3e: {  	[spmem:s5] =	stream.linear.scatter [tilespmem:s9], [sflag:$0x1], $0x280, $0x38;
	[tilespmem:$0x600] =	vst v63  }
0x3f: {  	_ =	swait.ge [sflag:s10], $0x280  }
0x40: {  	[sflag:s10] =	ssyncset.done $0x0  }
0x41: {  	[sflag:s10] =	ssyncadd.s32 $0xFFFFFD80  }
0x42: {  	[bflag:$0x0] =	sbarrier.arrive $0xFFFF  }
0x43: {  	[tilespmem:s3], [sflag:$0x1] =	stream.linear.gather [hbm4b:s8+s3], $0x80, $0x38;
	[tilespmem:$0x600] =	vst v63  }
0x44: {  	p0 =	sne.s32 s4, $0x1;
	_ =	swait.ge [sflag:s10], $0x80  }
.Ltmp0:
0x45: {  	[sflag:s10] =	ssyncset.done $0x0;
	(pc) =	sbr.rel @!p0 .LBB2_3-.Ltmp0, $4  }
0x46: {  	[sflag:s10] =	ssyncadd.s32 $0xFFFFFF80  }
0x47: {  	[spmem:s2] =	stream.indirect.scatter.add.f32 [tilespmem:s11], [sflag:$0x1], $0x1, s3, s11, $0xb8;
	[tilespmem:$0x600] =	vst v63  }
0x48: {  	_ =	swait.ge [sflag:s10], $0x80  }
0x49: {  	s15 =	sadd.s32 $0xFFFFFFFF, s4;
	s16 =	smov.u32 s8;
	[sflag:s10] =	ssyncset.done $0x0  }
.LBB2_2:
0x4a: {  	p0 =	sne.s32 s15, $0x1;
	[sflag:s10] =	ssyncadd.s32 $0xFFFFFF80;
	s16 =	sadd.s32 $0x200, s16  }
0x4b: {  	[tilespmem:s3], [sflag:$0x1] =	stream.linear.gather [hbm4b:s16+s3], $0x80, $0x38;
	[tilespmem:$0x600] =	vst v63  }
0x4c: {  	s15 =	sadd.s32 $0xFFFFFFFF, s15;
	_ =	swait.ge [sflag:s10], $0x80  }
.Ltmp1:
0x4d: {  	[sflag:s10] =	ssyncset.done $0x0;
	(pc) =	sbr.rel @p0 .LBB2_2-.Ltmp1, $4  }
0x4e: {  	[sflag:s10] =	ssyncadd.s32 $0xFFFFFF80  }
0x4f: {  	[spmem:s2] =	stream.indirect.scatter.add.f32 [tilespmem:s11], [sflag:$0x1], $0x1, s3, s11, $0xb8;
	[tilespmem:$0x600] =	vst v63  }
0x50: {  	_ =	swait.ge [sflag:s10], $0x80  }
0x51: {  	[sflag:s10] =	ssyncset.done $0x0  }
.LBB2_3:
0x52: {  	s14 =	sadd.s32 $0x1, s14  }
0x53: {  	[sflag:s10] =	ssyncadd.s32 $0xFFFFFF80;
	p0 =	sne.s32 s14, s7  }
.Ltmp2:
0x54: {  	[bflag:$0x0] =	sbarrier.arrive $0xFFFF;
	(pc) =	sbr.rel @p0 .LBB2_1-.Ltmp2, $4  }
0x55: {  	[hbm:s6], [sflag:s12] =	dma.local [spmem:s13], $0x50  }
0x56: {  	_ =	swait.ge [sflag:s10], $0x50  }
0x57: {  	[sflag:s10] =	ssyncset.done $0x0  }
0x58: {  	[sflag:s10] =	ssyncadd.s32 $0xFFFFFFB0  }
0x59: {  	_ =	sfence.sel $0x180000  }
0x5a: {  	[bflag:$0x0] =	sbarrier.arrive $0xFFFF  }
0x5b: {  	p0 =	sne.s32 s0, $0x0;
	_ =	strace $0x90000047  }
0x5c: {  	s0 =	sadd.s32 @!p0 $0x100000, s1;
	[bflag:$0x2] =	sbarrier.arrive $0xFFFF  }
0x5d: {  	[sflag:s0] =	ssyncadd.tile.s32 @!p0 $0x1;
	_ =	shalt  }
.Lfunc_end2:
_tile_overlayer_lowered:
.L_overlay_start_2:
0x5e: {  	(tag) =	ssettag $0x2  }
0x5f: {  	s0 =	rddreg [dreg:$0x0];
	s2 =	stileid.u32  }
0x60: {  	s1 =	rddreg [dreg:$0x1];
	p0 =	sne.s32 s2, $0x0  }
0x61: {  	s3 =	rddreg [dreg:$0x2];
	[bflag:$0x3] =	sbarrier.arrive $0xFFFF;
	s2 =	simm.s32 @!p0 $0x1C01  }
0x62: {  	[timem:s3], [sflag:s2] =	dma.local @!p0 [hbm:s0], s1  }
0x63: {  	s0 =	simm.s32 @!p0 $0x1  }
0x64: {  	_ =	swait.ge @!p0 [sflag:s0], s1  }
0x65: {  	s1 =	ssub.s32 @!p0 $0x0, s1;
	[sflag:s0] =	ssyncset.done @!p0 $0x0  }
0x66: {  	[sflag:s0] =	ssyncadd.s32 @!p0 s1  }
0x67: {  	[bflag:$0x3] =	sbarrier.arrive $0xFFFF  }
0x68: {  	_ =	shalt  }

</sc_bundles>
